<compile_context>
chip_gen: v7x
topology: tpu7x:2x2x1
jax: 0.10.2.dev20260603
libtpu: 0.0.44.dev20260713+nightly
codegen_flags: <defaults>
</compile_context>

<pallas_src>
import functools

import jax
import jax.numpy as jnp
import numpy as np
from jax.experimental import pallas as pl
from jax.experimental.pallas import tpu as pltpu
from jax.experimental.pallas import tpu_sc as plsc

B = 16
T = 128
L = 32
D = 512
TOPK = 512
IOU_THR = 0.5
NEG = -1e9
I32MIN = np.int32(-2147483648)
M31 = np.int32(0x7FFFFFFF)


def _f32_key(bits):
    return bits ^ (jax.lax.shift_right_arithmetic(bits, 31) & M31)


def _dense_body(vid_ref, txt_ref, vmask_ref, tmask_ref, eg_ref, sg_ref,
                wq_ref, wk_ref, wv_ref, wo_ref, ws_ref, we_ref,
                score_ref, gtd_ref):
    inv_sqrt_d = np.float32(1.0 / np.sqrt(D))
    vf = vid_ref[0]
    tf = txt_ref[0]
    vm = vmask_ref[0, 0]
    tm = tmask_ref[0, 0]

    f32 = jnp.float32
    i32 = jnp.int32
    q = jax.lax.dot(vf, wq_ref[...], preferred_element_type=f32)
    k = jax.lax.dot(tf, wk_ref[...], preferred_element_type=f32)
    v = jax.lax.dot(tf, wv_ref[...], preferred_element_type=f32)
    logits = jax.lax.dot_general(q, k, (((1,), (1,)), ((), ())),
                                 preferred_element_type=f32) * inv_sqrt_d
    logits = jnp.where(tm[None, :] > 0, logits, NEG)
    lp = jnp.concatenate([logits, jnp.full((T, T - L), NEG, f32)], axis=1)
    mx = jnp.max(lp, axis=-1, keepdims=True)
    pp = jnp.exp(lp - mx)
    lane = jax.lax.broadcasted_iota(jnp.int32, (T, T), 1)
    pp = jnp.where(lane < L, pp, 0.0)
    attn_f = pp / jnp.sum(pp, axis=-1, keepdims=True)
    v_pad = jnp.concatenate([v, jnp.zeros((T - L, D), f32)], axis=0)
    ctx = jax.lax.dot(attn_f, v_pad, preferred_element_type=f32)
    vid2 = (vf + jax.lax.dot(ctx, wo_ref[...], preferred_element_type=f32)) \
        * vm[:, None]

    tsum = jnp.sum(tf * tm[:, None], axis=0)
    tpool = tsum / jnp.maximum(jnp.sum(tm), 1.0)
    sfeat = jax.lax.dot(vid2, ws_ref[...], preferred_element_type=f32) \
        * tpool[None, :]
    efeat = jax.lax.dot(vid2, we_ref[...], preferred_element_type=f32)
    s2 = jax.lax.dot_general(sfeat, efeat, (((1,), (1,)), ((), ())),
                             preferred_element_type=f32) * inv_sqrt_d
    ii = jax.lax.broadcasted_iota(i32, (T, T), 0)
    jj = jax.lax.broadcasted_iota(i32, (T, T), 1)
    s2 = jnp.where(jj >= ii, s2, NEG)
    score_ref[0] = s2

    t = jax.lax.broadcasted_iota(i32, (T, 3), 0).astype(f32)
    eg = eg_ref[0, 0]
    sg = sg_ref[0, 0]
    gtd_ref[0] = jnp.exp(-(t - eg[None, :]) ** 2 / (2.0 * sg[None, :] ** 2))


def _thresh_body(score_ref, thrf_ref, thrm_ref):
    f32 = jnp.float32
    i32 = jnp.int32
    s2 = score_ref[...]
    key = _f32_key(jax.lax.bitcast_convert_type(s2, i32))

    def sbody(i, tacc):
        bit = jax.lax.shift_left(jnp.int32(1), 31 - i)
        cand = tacc | bit
        pred = key >= (cand ^ I32MIN)
        cnt = jnp.sum(pred.astype(i32), axis=1, keepdims=True)
        return jnp.where(cnt >= TOPK, cand, tacc)

    tv = jax.lax.fori_loop(0, 32, sbody, jnp.zeros((B, 1), i32))
    tkey = tv ^ I32MIN
    tf = jax.lax.bitcast_convert_type(_f32_key(tkey), f32)
    cgt = jnp.sum((s2 > tf).astype(i32), axis=1, keepdims=True)
    eq = s2 == tf
    gidx = jax.lax.broadcasted_iota(i32, (1, T * T), 1)

    def mbody(i, macc):
        bit = jax.lax.shift_left(jnp.int32(1), 14 - i)
        cand = macc | bit
        f = cgt + jnp.sum((eq & (gidx < cand)).astype(i32), axis=1,
                          keepdims=True)
        return jnp.where(f < TOPK, cand, macc)

    mv = jax.lax.fori_loop(0, 15, mbody, jnp.zeros((B, 1), i32))
    mcut = mv + 1
    thrf_ref[...] = jnp.broadcast_to(tf[:, :, None], (B, 1, 16))
    thrm_ref[...] = jnp.broadcast_to(mcut[:, :, None], (B, 1, 16))


def _sc_compact(score_flat, thrf, thrm):
    mesh = plsc.VectorSubcoreMesh(core_axis_name="c", subcore_axis_name="s")
    nv = (T * T) // 16
    f32 = jnp.float32
    i32 = jnp.int32

    @functools.partial(
        pl.kernel,
        mesh=mesh,
        out_type=[jax.ShapeDtypeStruct((B, TOPK), i32),
                  jax.ShapeDtypeStruct((B, TOPK), f32)],
        scratch_types=[pltpu.VMEM((T * T,), f32),
                       pltpu.VMEM((1, 16), f32),
                       pltpu.VMEM((1, 16), i32),
                       pltpu.VMEM((TOPK,), i32),
                       pltpu.VMEM((TOPK,), f32)],
        compiler_params=pltpu.CompilerParams(needs_layout_passes=False),
    )
    def sck(score_hbm, thrf_hbm, thrm_hbm, oidx_hbm, osc_hbm,
            sc_v, thrf_v, thrm_v, lidx_v, lsc_v):
        c = jax.lax.axis_index("c")
        s = jax.lax.axis_index("s")
        wid = s * 2 + c

        @pl.when(wid < B)
        def _():
            pltpu.sync_copy(score_hbm.at[wid], sc_v)
            pltpu.sync_copy(thrf_hbm.at[wid], thrf_v)
            pltpu.sync_copy(thrm_hbm.at[wid], thrm_v)
            tvec = thrf_v[0, :]
            mvec = thrm_v[0, :]
            lanes = jax.lax.iota(i32, 16)

            def body(i, tot):
                sc16 = sc_v[pl.ds(i * 16, 16)]
                gv = lanes + i * 16
                m = (sc16 > tvec) | ((sc16 == tvec) & (gv < mvec))
                csum = plsc.cumsum(m.astype(i32))
                pos = csum + (tot - 1)
                plsc.store_scatter(lidx_v, [pos], gv, mask=m)
                plsc.store_scatter(lsc_v, [pos], sc16, mask=m)
                return tot + plsc.all_reduce_population_count(m)

            jax.lax.fori_loop(0, nv, body, jnp.zeros((16,), i32))
            pltpu.sync_copy(lidx_v, oidx_hbm.at[wid])
            pltpu.sync_copy(lsc_v, osc_hbm.at[wid])

    return sck(score_flat, thrf, thrm)


def _sort_pairs(sc, idx):
    i32 = jnp.int32
    pos = jax.lax.broadcasted_iota(i32, (1, TOPK), 1)
    ax = sc.ndim - 1
    for kk in [2 ** e for e in range(1, 10)]:
        desc = (pos & kk) == 0
        j = kk // 2
        while j >= 1:
            is_hi = (pos & j) != 0
            osc = jnp.where(is_hi, jnp.roll(sc, j, axis=ax),
                            jnp.roll(sc, -j, axis=ax))
            oidx = jnp.where(is_hi, jnp.roll(idx, j, axis=ax),
                             jnp.roll(idx, -j, axis=ax))
            win = (sc > osc) | ((sc == osc) & (idx < oidx))
            take_max = desc != is_hi
            sel = take_max == win
            sc = jnp.where(sel, sc, osc)
            idx = jnp.where(sel, idx, oidx)
            j //= 2
    return sc, idx


def _nms_body(idx_ref, sc_ref, si_ref, ei_ref, out_ref, a_ref, supp_ref,
              k_ref):
    f32 = jnp.float32
    i32 = jnp.int32
    sc, idx = _sort_pairs(sc_ref[...], idx_ref[...])

    qq = idx // T
    rr = idx - qq * T
    si_ref[...] = qq.astype(f32) / T
    ei_ref[...] = (rr.astype(f32) + 1.0) / T
    ii = jax.lax.broadcasted_iota(i32, (TOPK, TOPK), 0)
    jj = jax.lax.broadcasted_iota(i32, (TOPK, TOPK), 1)
    upper = jj > ii

    def build(b, _):
        si_r = si_ref[pl.ds(b, 1)]
        ei_r = ei_ref[pl.ds(b, 1)]
        si_c = jnp.transpose(si_r)
        ei_c = jnp.transpose(ei_r)
        inter = jnp.clip(jnp.minimum(ei_c, ei_r) - jnp.maximum(si_c, si_r),
                         0.0)
        union = (ei_c - si_c) + (ei_r - si_r) - inter
        iou = inter / jnp.maximum(union, 1e-6)
        a_ref[pl.ds(b, 1)] = (((iou > IOU_THR) & upper).astype(f32))[None]
        return 0

    jax.lax.fori_loop(0, B, build, 0)
    k_ref[...] = jnp.ones((B, TOPK), dtype=f32)

    def cond(ch):
        return ch > 0

    def body(ch):
        def mv(b, _):
            kb = k_ref[pl.ds(b, 1)]
            ab = a_ref[pl.ds(b, 1)][0]
            supp_ref[pl.ds(b, 1)] = jax.lax.dot_general(
                kb, ab, (((1,), (0,)), ((), ())), preferred_element_type=f32)
            return 0

        jax.lax.fori_loop(0, B, mv, 0)
        kv = k_ref[...]
        knew = jnp.where(supp_ref[...] > 0.0, 0.0, 1.0)
        k_ref[...] = knew
        return jnp.any(knew != kv).astype(i32)

    jax.lax.while_loop(cond, body, jnp.int32(1))
    out_ref[...] = jnp.where(k_ref[...] > 0, sc, 0.0)


def kernel(vid_feat, vid_mask, txt_feat, txt_mask, gt, Wq, Wk, Wv, Wo, Ws, We):
    f32 = jnp.float32
    mid = (gt[:, 0] + gt[:, 1]) / 2.0
    expanded = jnp.concatenate([gt, mid[:, None]], axis=1)
    eg = T * expanded
    alpha = jnp.array([0.25, 0.25, 0.21], dtype=f32)
    sg = alpha[None, :] * (eg[..., 1] - eg[..., 0])[:, None]

    wspec = pl.BlockSpec((D, D), lambda b: (0, 0))
    score2d, gt_dist = pl.pallas_call(
        _dense_body,
        grid=(B,),
        in_specs=[
            pl.BlockSpec((1, T, D), lambda b: (b, 0, 0)),
            pl.BlockSpec((1, L, D), lambda b: (b, 0, 0)),
            pl.BlockSpec((1, 1, T), lambda b: (b, 0, 0)),
            pl.BlockSpec((1, 1, L), lambda b: (b, 0, 0)),
            pl.BlockSpec((1, 1, 3), lambda b: (b, 0, 0)),
            pl.BlockSpec((1, 1, 3), lambda b: (b, 0, 0)),
            wspec, wspec, wspec, wspec, wspec, wspec,
        ],
        out_specs=[
            pl.BlockSpec((1, T, T), lambda b: (b, 0, 0)),
            pl.BlockSpec((1, T, 3), lambda b: (b, 0, 0)),
        ],
        out_shape=[
            jax.ShapeDtypeStruct((B, T, T), f32),
            jax.ShapeDtypeStruct((B, T, 3), f32),
        ],
    )(vid_feat, txt_feat, vid_mask.reshape(B, 1, T), txt_mask.reshape(B, 1, L),
      eg.reshape(B, 1, 3), sg.reshape(B, 1, 3), Wq, Wk, Wv, Wo, Ws, We)

    flat = score2d.reshape(B, T * T)
    thrf, thrm = pl.pallas_call(
        _thresh_body,
        out_shape=[
            jax.ShapeDtypeStruct((B, 1, 16), f32),
            jax.ShapeDtypeStruct((B, 1, 16), jnp.int32),
        ],
    )(flat)

    comp_idx, comp_sc = _sc_compact(flat, thrf, thrm)

    si, ei, nms_score = pl.pallas_call(
        _nms_body,
        out_shape=[
            jax.ShapeDtypeStruct((B, TOPK), f32),
            jax.ShapeDtypeStruct((B, TOPK), f32),
            jax.ShapeDtypeStruct((B, TOPK), f32),
        ],
        scratch_shapes=[
            pltpu.VMEM((B, TOPK, TOPK), f32),
            pltpu.VMEM((B, TOPK), f32),
            pltpu.VMEM((B, TOPK), f32),
        ],
    )(comp_idx, comp_sc)

    pred_bds = jnp.stack([si, ei], axis=-1)
    return pred_bds, nms_score, gt_dist

# --- scband reference (transcript-rebuilt; emitter-appended) ---
"""Pipeline reference for scband-multi-stage-aggregate-transformer-53188874994221 (READ-ONLY COPY).

The authoritative reference and input builder live on the scoring server;
editing this copy changes nothing except your own understanding.
"""

import jax, jax.numpy as jnp
import numpy as np

B = 16
T = 128          # num_clip
L = 32           # text length
D = 512          # d_model
ALPHA_S = 0.25
ALPHA_M = 0.21
IOU_THR = 0.5
TOPK = 512


def setup_inputs(seed: int = 0):
    key = jax.random.key(seed)
    ks = jax.random.split(key, 10)
    scale = 1.0 / np.sqrt(D)
    vid_feat = jax.random.normal(ks[0], (B, T, D), dtype=jnp.float32)
    vid_mask = jnp.ones((B, T), dtype=jnp.float32)
    txt_feat = jax.random.normal(ks[1], (B, L, D), dtype=jnp.float32)
    txt_mask = jnp.ones((B, L), dtype=jnp.float32)
    gt = jnp.sort(jax.random.uniform(ks[2], (B, 2), dtype=jnp.float32, minval=0.05, maxval=0.95), axis=1)
    Wq = jax.random.normal(ks[3], (D, D), dtype=jnp.float32) * scale
    Wk = jax.random.normal(ks[4], (D, D), dtype=jnp.float32) * scale
    Wv = jax.random.normal(ks[5], (D, D), dtype=jnp.float32) * scale
    Wo = jax.random.normal(ks[6], (D, D), dtype=jnp.float32) * scale
    Ws = jax.random.normal(ks[7], (D, D), dtype=jnp.float32) * scale
    We = jax.random.normal(ks[8], (D, D), dtype=jnp.float32) * scale
    return dict(vid_feat=vid_feat, vid_mask=vid_mask, txt_feat=txt_feat, txt_mask=txt_mask,
                gt=gt, Wq=Wq, Wk=Wk, Wv=Wv, Wo=Wo, Ws=Ws, We=We)


def generate_gt_dist(gt):
    # faithful translation of MultiStageAggregateTransformer.generate_gt_dist
    mid_gt = (gt[:, 0] + gt[:, 1]) / 2.0
    expanded_gt = jnp.concatenate([gt, mid_gt[:, None]], axis=1)          # [B, 3]
    expanded_gt_by_nclip = T * expanded_gt
    alpha = jnp.array([ALPHA_S, ALPHA_S, ALPHA_M], dtype=jnp.float32)
    sigma = alpha[None, :] * (expanded_gt_by_nclip[..., 1] - expanded_gt_by_nclip[..., 0])[:, None]
    gt_dist = -(jnp.arange(T, dtype=jnp.float32)[None, :, None] - expanded_gt_by_nclip[:, None, :]) ** 2 \
              / (2.0 * sigma[:, None, :] ** 2)
    return jnp.exp(gt_dist)                                               # [B, T, 3]


def _iou_1d(boxes):
    s, e = boxes[:, 0], boxes[:, 1]
    inter = jnp.clip(jnp.minimum(e[:, None], e[None, :]) - jnp.maximum(s[:, None], s[None, :]), 0.0)
    union = (e - s)[:, None] + (e - s)[None, :] - inter
    return inter / jnp.maximum(union, 1e-6)


def _nms_one(boxes, scores):
    # boxes/scores already sorted by descending score (output of top_k)
    iou = _iou_1d(boxes)
    idx = jnp.arange(TOPK)
    def body(i, keep):
        sup = (iou[i] > IOU_THR) & (idx > i) & keep[i]
        return keep & (~sup)
    keep = jax.lax.fori_loop(0, TOPK, body, jnp.ones((TOPK,), dtype=bool))
    return boxes, jnp.where(keep, scores, 0.0)


def reference(vid_feat, vid_mask, txt_feat, txt_mask, gt, Wq, Wk, Wv, Wo, Ws, We):
    gt_dist = generate_gt_dist(gt)
    # VisualLinguisticTransformer (cross-modal attention block)
    q = vid_feat @ Wq
    k = txt_feat @ Wk
    v = txt_feat @ Wv
    logits = jnp.einsum('bid,bjd->bij', q, k) / np.sqrt(D)
    logits = jnp.where(txt_mask[:, None, :] > 0, logits, -1e9)
    attn = jax.nn.softmax(logits, axis=-1)
    vid2 = (vid_feat + (attn @ v) @ Wo) * vid_mask[..., None]
    # MultiStageHead (inference): 2D start/end proposal score map
    txt_pool = (txt_feat * txt_mask[..., None]).sum(axis=1) / jnp.maximum(txt_mask.sum(axis=1, keepdims=True), 1.0)
    sfeat = (vid2 @ Ws) * txt_pool[:, None, :]
    efeat = vid2 @ We
    score2d = jnp.einsum('bid,bjd->bij', sfeat, efeat) / np.sqrt(D)       # [B, T, T]
    ii = jnp.arange(T)[:, None]
    jj = jnp.arange(T)[None, :]
    valid = (jj >= ii)
    score2d = jnp.where(valid[None, :, :], score2d, -1e9)
    flat = score2d.reshape(B, T * T)
    score_raw, top_idx = jax.lax.top_k(flat, TOPK)                        # [B, TOPK]
    si = (top_idx // T).astype(jnp.float32) / T
    ei = ((top_idx % T).astype(jnp.float32) + 1.0) / T
    pred_bds_raw = jnp.stack([si, ei], axis=-1)                           # [B, TOPK, 2]
    # per-video greedy 1D temporal NMS (batch_idxs realized as leading batch dim)
    nms_pred_bds, nms_score = jax.vmap(_nms_one)(pred_bds_raw, score_raw)
    return nms_pred_bds, nms_score, gt_dist

if __name__ == "__main__":
    import jax
    _d = setup_inputs()
    print(jax.jit(kernel)(*tuple(_d.values())))

</pallas_src>

<mosaic_0001>
#map = affine_map<(d0, d1) -> (0, 0)>
#map1 = affine_map<(d0, d1) -> (0, 0, 0)>
module attributes {stable_mosaic.version = 14 : i64} {
  func.func @sck(%arg0: i32, %arg1: i32, %arg2: memref<16x16384xf32, #tpu.memory_space<hbm>>, %arg3: memref<16x1x16xf32, #tpu.memory_space<hbm>>, %arg4: memref<16x1x16xi32, #tpu.memory_space<hbm>>, %arg5: memref<16x512xi32, #tpu.memory_space<hbm>>, %arg6: memref<16x512xf32, #tpu.memory_space<hbm>>, %arg7: memref<16384xf32, #tpu.memory_space<vmem>>, %arg8: memref<1x16xf32, #tpu.memory_space<vmem>>, %arg9: memref<1x16xi32, #tpu.memory_space<vmem>>, %arg10: memref<512xi32, #tpu.memory_space<vmem>>, %arg11: memref<512xf32, #tpu.memory_space<vmem>>) attributes {dimension_semantics = [#tpu.dimension_semantics<core_parallel>, #tpu.dimension_semantics<subcore_parallel>], iteration_bounds = array<i64: 2, 16>, scalar_prefetch = 0 : i64, scratch_operands = 5 : i64, tpu.core_type = #tpu.core_type<sc_vector_subcore>, window_params = [{transform_indices = #map}, {transform_indices = #map1}, {transform_indices = #map1}, {transform_indices = #map}, {transform_indices = #map}]} {
    %mul3A = arith.constant 2 : i32
    %mul3A_0 = arith.muli %arg1, %mul3A : i32
    %add3A = arith.addi %mul3A_0, %arg0 : i32
    %lt3A = arith.constant 16 : i32
    %lt3A_1 = arith.cmpi slt, %add3A, %lt3A : i32
    %convert_element_type3A = arith.extui %lt3A_1 : i1 to i32
    %cond3A = arith.constant 0 : i32
    %cond3A_2 = arith.cmpi ne, %convert_element_type3A, %cond3A : i32
    scf.if %cond3A_2 {
      "tpu.region"() ({
        %run_scoped3A = tpu.sem_alloc : memref<!tpu.dma_semaphore, #tpu.memory_space<semaphore_mem>>
        %dma_start3A = arith.constant 0 : i32
        %dma_start3A_16 = tpu.memref_slice %arg2[%add3A, %dma_start3A] : memref<16x16384xf32, #tpu.memory_space<hbm>> -> memref<1x16384xf32, #tpu.memory_space<hbm>>
        %dma_start3A_17 = tpu.memref_squeeze %dma_start3A_16 : memref<1x16384xf32, #tpu.memory_space<hbm>> -> memref<16384xf32, #tpu.memory_space<hbm>>
        %dma_start3A_18 = arith.constant 0 : i32
        %dma_start3A_19 = tpu.memref_slice %arg2[%add3A, %dma_start3A_18] : memref<16x16384xf32, #tpu.memory_space<hbm>> -> memref<1x16384xf32, #tpu.memory_space<hbm>>
        %dma_start3A_20 = tpu.memref_squeeze %dma_start3A_19 : memref<1x16384xf32, #tpu.memory_space<hbm>> -> memref<16384xf32, #tpu.memory_space<hbm>>
        tpu.enqueue_dma source(%dma_start3A_20 : memref<16384xf32, #tpu.memory_space<hbm>>) target(%arg7 : memref<16384xf32, #tpu.memory_space<vmem>>) target_semaphore(%run_scoped3A : memref<!tpu.dma_semaphore, #tpu.memory_space<semaphore_mem>>)
        %dma_wait3A = arith.constant 0 : i32
        %dma_wait3A_21 = tpu.memref_slice %arg2[%add3A, %dma_wait3A] : memref<16x16384xf32, #tpu.memory_space<hbm>> -> memref<1x16384xf32, #tpu.memory_space<hbm>>
        %dma_wait3A_22 = tpu.memref_squeeze %dma_wait3A_21 : memref<1x16384xf32, #tpu.memory_space<hbm>> -> memref<16384xf32, #tpu.memory_space<hbm>>
        %dma_wait3A_23 = arith.constant 0 : i32
        %dma_wait3A_24 = tpu.memref_slice %arg2[%add3A, %dma_wait3A_23] : memref<16x16384xf32, #tpu.memory_space<hbm>> -> memref<1x16384xf32, #tpu.memory_space<hbm>>
        %dma_wait3A_25 = tpu.memref_squeeze %dma_wait3A_24 : memref<1x16384xf32, #tpu.memory_space<hbm>> -> memref<16384xf32, #tpu.memory_space<hbm>>
        tpu.wait_dma2 semaphore(%run_scoped3A : memref<!tpu.dma_semaphore, #tpu.memory_space<semaphore_mem>>) src(%dma_wait3A_25 : memref<16384xf32, #tpu.memory_space<hbm>>) dst(%arg7 : memref<16384xf32, #tpu.memory_space<vmem>>)
        tpu.yield
      }) : () -> ()
      "tpu.region"() ({
        %run_scoped3A = tpu.sem_alloc : memref<!tpu.dma_semaphore, #tpu.memory_space<semaphore_mem>>
        %dma_start3A = arith.constant 0 : i32
        %dma_start3A_16 = arith.constant 0 : i32
        %dma_start3A_17 = tpu.memref_slice %arg3[%add3A, %dma_start3A, %dma_start3A_16] : memref<16x1x16xf32, #tpu.memory_space<hbm>> -> memref<1x1x16xf32, #tpu.memory_space<hbm>>
        %dma_start3A_18 = tpu.memref_squeeze %dma_start3A_17 : memref<1x1x16xf32, #tpu.memory_space<hbm>> -> memref<1x16xf32, #tpu.memory_space<hbm>>
        %dma_start3A_19 = arith.constant 0 : i32
        %dma_start3A_20 = arith.constant 0 : i32
        %dma_start3A_21 = tpu.memref_slice %arg3[%add3A, %dma_start3A_19, %dma_start3A_20] : memref<16x1x16xf32, #tpu.memory_space<hbm>> -> memref<1x1x16xf32, #tpu.memory_space<hbm>>
        %dma_start3A_22 = tpu.memref_squeeze %dma_start3A_21 : memref<1x1x16xf32, #tpu.memory_space<hbm>> -> memref<1x16xf32, #tpu.memory_space<hbm>>
        tpu.enqueue_dma source(%dma_start3A_22 : memref<1x16xf32, #tpu.memory_space<hbm>>) target(%arg8 : memref<1x16xf32, #tpu.memory_space<vmem>>) target_semaphore(%run_scoped3A : memref<!tpu.dma_semaphore, #tpu.memory_space<semaphore_mem>>)
        %dma_wait3A = arith.constant 0 : i32
        %dma_wait3A_23 = arith.constant 0 : i32
        %dma_wait3A_24 = tpu.memref_slice %arg3[%add3A, %dma_wait3A, %dma_wait3A_23] : memref<16x1x16xf32, #tpu.memory_space<hbm>> -> memref<1x1x16xf32, #tpu.memory_space<hbm>>
        %dma_wait3A_25 = tpu.memref_squeeze %dma_wait3A_24 : memref<1x1x16xf32, #tpu.memory_space<hbm>> -> memref<1x16xf32, #tpu.memory_space<hbm>>
        %dma_wait3A_26 = arith.constant 0 : i32
        %dma_wait3A_27 = arith.constant 0 : i32
        %dma_wait3A_28 = tpu.memref_slice %arg3[%add3A, %dma_wait3A_26, %dma_wait3A_27] : memref<16x1x16xf32, #tpu.memory_space<hbm>> -> memref<1x1x16xf32, #tpu.memory_space<hbm>>
        %dma_wait3A_29 = tpu.memref_squeeze %dma_wait3A_28 : memref<1x1x16xf32, #tpu.memory_space<hbm>> -> memref<1x16xf32, #tpu.memory_space<hbm>>
        tpu.wait_dma2 semaphore(%run_scoped3A : memref<!tpu.dma_semaphore, #tpu.memory_space<semaphore_mem>>) src(%dma_wait3A_29 : memref<1x16xf32, #tpu.memory_space<hbm>>) dst(%arg8 : memref<1x16xf32, #tpu.memory_space<vmem>>)
        tpu.yield
      }) : () -> ()
      "tpu.region"() ({
        %run_scoped3A = tpu.sem_alloc : memref<!tpu.dma_semaphore, #tpu.memory_space<semaphore_mem>>
        %dma_start3A = arith.constant 0 : i32
        %dma_start3A_16 = arith.constant 0 : i32
        %dma_start3A_17 = tpu.memref_slice %arg4[%add3A, %dma_start3A, %dma_start3A_16] : memref<16x1x16xi32, #tpu.memory_space<hbm>> -> memref<1x1x16xi32, #tpu.memory_space<hbm>>
        %dma_start3A_18 = tpu.memref_squeeze %dma_start3A_17 : memref<1x1x16xi32, #tpu.memory_space<hbm>> -> memref<1x16xi32, #tpu.memory_space<hbm>>
        %dma_start3A_19 = arith.constant 0 : i32
        %dma_start3A_20 = arith.constant 0 : i32
        %dma_start3A_21 = tpu.memref_slice %arg4[%add3A, %dma_start3A_19, %dma_start3A_20] : memref<16x1x16xi32, #tpu.memory_space<hbm>> -> memref<1x1x16xi32, #tpu.memory_space<hbm>>
        %dma_start3A_22 = tpu.memref_squeeze %dma_start3A_21 : memref<1x1x16xi32, #tpu.memory_space<hbm>> -> memref<1x16xi32, #tpu.memory_space<hbm>>
        tpu.enqueue_dma source(%dma_start3A_22 : memref<1x16xi32, #tpu.memory_space<hbm>>) target(%arg9 : memref<1x16xi32, #tpu.memory_space<vmem>>) target_semaphore(%run_scoped3A : memref<!tpu.dma_semaphore, #tpu.memory_space<semaphore_mem>>)
        %dma_wait3A = arith.constant 0 : i32
        %dma_wait3A_23 = arith.constant 0 : i32
        %dma_wait3A_24 = tpu.memref_slice %arg4[%add3A, %dma_wait3A, %dma_wait3A_23] : memref<16x1x16xi32, #tpu.memory_space<hbm>> -> memref<1x1x16xi32, #tpu.memory_space<hbm>>
        %dma_wait3A_25 = tpu.memref_squeeze %dma_wait3A_24 : memref<1x1x16xi32, #tpu.memory_space<hbm>> -> memref<1x16xi32, #tpu.memory_space<hbm>>
        %dma_wait3A_26 = arith.constant 0 : i32
        %dma_wait3A_27 = arith.constant 0 : i32
        %dma_wait3A_28 = tpu.memref_slice %arg4[%add3A, %dma_wait3A_26, %dma_wait3A_27] : memref<16x1x16xi32, #tpu.memory_space<hbm>> -> memref<1x1x16xi32, #tpu.memory_space<hbm>>
        %dma_wait3A_29 = tpu.memref_squeeze %dma_wait3A_28 : memref<1x1x16xi32, #tpu.memory_space<hbm>> -> memref<1x16xi32, #tpu.memory_space<hbm>>
        tpu.wait_dma2 semaphore(%run_scoped3A : memref<!tpu.dma_semaphore, #tpu.memory_space<semaphore_mem>>) src(%dma_wait3A_29 : memref<1x16xi32, #tpu.memory_space<hbm>>) dst(%arg9 : memref<1x16xi32, #tpu.memory_space<vmem>>)
        tpu.yield
      }) : () -> ()
      %get3A = arith.constant 0 : i32
      %get3A_3 = arith.index_cast %get3A : i32 to index
      %get3A_4 = arith.constant 0 : index
      %get3A_5 = tpu.vector_load %arg8[%get3A_3, %get3A_4] {strides = array<i32>} : memref<1x16xf32, #tpu.memory_space<vmem>>, vector<16xf32>,
      %get3A_6 = arith.constant 0 : i32
      %get3A_7 = arith.index_cast %get3A_6 : i32 to index
      %get3A_8 = arith.constant 0 : index
      %get3A_9 = tpu.vector_load %arg9[%get3A_7, %get3A_8] {strides = array<i32>} : memref<1x16xi32, #tpu.memory_space<vmem>>, vector<16xi32>,
      %iota3A = tpu.iota {dimensions = array<i32: 0>} : vector<16xi32>
      %broadcast_in_dim3A = arith.constant 0 : i32
      %broadcast_in_dim3A_10 = vector.broadcast %broadcast_in_dim3A : i32 to vector<16xi32>
      %scan3A = arith.constant 0 : i32
      %scan3A_11 = arith.constant 1024 : i32
      %scan3A_12 = arith.addi %scan3A, %scan3A_11 : i32
      %scan3A_13 = arith.constant 1 : i32
      %scan3A_14 = scf.for %scan3A_16 = %scan3A to %scan3A_12 step %scan3A_13 iter_args(%scan3A_17 = %broadcast_in_dim3A_10) -> (vector<16xi32>)  : i32 {
        %mul3A_18 = arith.constant 16 : i32
        %mul3A_19 = arith.muli %scan3A_16, %mul3A_18 : i32
        %get3A_20 = arith.index_cast %mul3A_19 : i32 to index
        %get3A_21 = tpu.vector_load %arg7[%get3A_20] {strides = array<i32>} : memref<16384xf32, #tpu.memory_space<vmem>>, vector<16xf32>,
        %mul3A_22 = arith.constant 16 : i32
        %mul3A_23 = arith.muli %scan3A_16, %mul3A_22 : i32
        %add3A_24 = vector.broadcast %mul3A_23 : i32 to vector<16xi32>
        %add3A_25 = arith.addi %iota3A, %add3A_24 : vector<16xi32>
        %gt3A = arith.cmpf ogt, %get3A_21, %get3A_5 : vector<16xf32>
        %eq3A = arith.cmpf oeq, %get3A_21, %get3A_5 : vector<16xf32>
        %lt3A_26 = arith.cmpi slt, %add3A_25, %get3A_9 : vector<16xi32>
        %and3A = arith.andi %eq3A, %lt3A_26 : vector<16xi1>
        %or3A = arith.ori %gt3A, %and3A : vector<16xi1>
        %convert_element_type3A_27 = arith.extui %or3A : vector<16xi1> to vector<16xi32>
        %broadcast_in_dim3A_28 = arith.constant true
        %broadcast_in_dim3A_29 = vector.broadcast %broadcast_in_dim3A_28 : i1 to vector<16xi1>
        %masked_cumsum3A = tpu.scan <sum>, %convert_element_type3A_27 masked %broadcast_in_dim3A_29 : vector<16xi32>, vector<16xi1> -> vector<16xi32>
        %sub3A = arith.constant 1 : i32
        %sub3A_30 = vector.broadcast %sub3A : i32 to vector<16xi32>
        %sub3A_31 = arith.subi %scan3A_17, %sub3A_30 : vector<16xi32>
        %add3A_32 = arith.addi %masked_cumsum3A, %sub3A_31 : vector<16xi32>
        tpu.vector_store_idx %arg10[%add3A_32], %add3A_25 masked %or3A : memref<512xi32, #tpu.memory_space<vmem>>[vector<16xi32>], vector<16xi32>, vector<16xi1>
        tpu.vector_store_idx %arg11[%add3A_32], %get3A_21 masked %or3A : memref<512xf32, #tpu.memory_space<vmem>>[vector<16xi32>], vector<16xf32>, vector<16xi1>
        %all_reduce_population_count3A = tpu.all_reduce %or3A {dim = 0 : i64, kind = #tpu.reduction_kind<sum>} : vector<16xi1> -> vector<16xi32>
        %add3A_33 = arith.addi %scan3A_17, %all_reduce_population_count3A : vector<16xi32>
        scf.yield %add3A_33 : vector<16xi32>
      }
      %scan3A_15 = arith.constant 1024 : i32
      "tpu.region"() ({
        %run_scoped3A = tpu.sem_alloc : memref<!tpu.dma_semaphore, #tpu.memory_space<semaphore_mem>>
        %dma_start3A = arith.constant 0 : i32
        %dma_start3A_16 = tpu.memref_slice %arg5[%add3A, %dma_start3A] : memref<16x512xi32, #tpu.memory_space<hbm>> -> memref<1x512xi32, #tpu.memory_space<hbm>>
        %dma_start3A_17 = tpu.memref_squeeze %dma_start3A_16 : memref<1x512xi32, #tpu.memory_space<hbm>> -> memref<512xi32, #tpu.memory_space<hbm>>
        %dma_start3A_18 = arith.constant 0 : i32
        %dma_start3A_19 = tpu.memref_slice %arg5[%add3A, %dma_start3A_18] : memref<16x512xi32, #tpu.memory_space<hbm>> -> memref<1x512xi32, #tpu.memory_space<hbm>>
        %dma_start3A_20 = tpu.memref_squeeze %dma_start3A_19 : memref<1x512xi32, #tpu.memory_space<hbm>> -> memref<512xi32, #tpu.memory_space<hbm>>
        tpu.enqueue_dma source(%arg10 : memref<512xi32, #tpu.memory_space<vmem>>) target(%dma_start3A_20 : memref<512xi32, #tpu.memory_space<hbm>>) target_semaphore(%run_scoped3A : memref<!tpu.dma_semaphore, #tpu.memory_space<semaphore_mem>>)
        %dma_wait3A = arith.constant 0 : i32
        %dma_wait3A_21 = tpu.memref_slice %arg5[%add3A, %dma_wait3A] : memref<16x512xi32, #tpu.memory_space<hbm>> -> memref<1x512xi32, #tpu.memory_space<hbm>>
        %dma_wait3A_22 = tpu.memref_squeeze %dma_wait3A_21 : memref<1x512xi32, #tpu.memory_space<hbm>> -> memref<512xi32, #tpu.memory_space<hbm>>
        %dma_wait3A_23 = arith.constant 0 : i32
        %dma_wait3A_24 = tpu.memref_slice %arg5[%add3A, %dma_wait3A_23] : memref<16x512xi32, #tpu.memory_space<hbm>> -> memref<1x512xi32, #tpu.memory_space<hbm>>
        %dma_wait3A_25 = tpu.memref_squeeze %dma_wait3A_24 : memref<1x512xi32, #tpu.memory_space<hbm>> -> memref<512xi32, #tpu.memory_space<hbm>>
        tpu.wait_dma2 semaphore(%run_scoped3A : memref<!tpu.dma_semaphore, #tpu.memory_space<semaphore_mem>>) src(%arg10 : memref<512xi32, #tpu.memory_space<vmem>>) dst(%dma_wait3A_25 : memref<512xi32, #tpu.memory_space<hbm>>)
        tpu.yield
      }) : () -> ()
      "tpu.region"() ({
        %run_scoped3A = tpu.sem_alloc : memref<!tpu.dma_semaphore, #tpu.memory_space<semaphore_mem>>
        %dma_start3A = arith.constant 0 : i32
        %dma_start3A_16 = tpu.memref_slice %arg6[%add3A, %dma_start3A] : memref<16x512xf32, #tpu.memory_space<hbm>> -> memref<1x512xf32, #tpu.memory_space<hbm>>
        %dma_start3A_17 = tpu.memref_squeeze %dma_start3A_16 : memref<1x512xf32, #tpu.memory_space<hbm>> -> memref<512xf32, #tpu.memory_space<hbm>>
        %dma_start3A_18 = arith.constant 0 : i32
        %dma_start3A_19 = tpu.memref_slice %arg6[%add3A, %dma_start3A_18] : memref<16x512xf32, #tpu.memory_space<hbm>> -> memref<1x512xf32, #tpu.memory_space<hbm>>
        %dma_start3A_20 = tpu.memref_squeeze %dma_start3A_19 : memref<1x512xf32, #tpu.memory_space<hbm>> -> memref<512xf32, #tpu.memory_space<hbm>>
        tpu.enqueue_dma source(%arg11 : memref<512xf32, #tpu.memory_space<vmem>>) target(%dma_start3A_20 : memref<512xf32, #tpu.memory_space<hbm>>) target_semaphore(%run_scoped3A : memref<!tpu.dma_semaphore, #tpu.memory_space<semaphore_mem>>)
        %dma_wait3A = arith.constant 0 : i32
        %dma_wait3A_21 = tpu.memref_slice %arg6[%add3A, %dma_wait3A] : memref<16x512xf32, #tpu.memory_space<hbm>> -> memref<1x512xf32, #tpu.memory_space<hbm>>
        %dma_wait3A_22 = tpu.memref_squeeze %dma_wait3A_21 : memref<1x512xf32, #tpu.memory_space<hbm>> -> memref<512xf32, #tpu.memory_space<hbm>>
        %dma_wait3A_23 = arith.constant 0 : i32
        %dma_wait3A_24 = tpu.memref_slice %arg6[%add3A, %dma_wait3A_23] : memref<16x512xf32, #tpu.memory_space<hbm>> -> memref<1x512xf32, #tpu.memory_space<hbm>>
        %dma_wait3A_25 = tpu.memref_squeeze %dma_wait3A_24 : memref<1x512xf32, #tpu.memory_space<hbm>> -> memref<512xf32, #tpu.memory_space<hbm>>
        tpu.wait_dma2 semaphore(%run_scoped3A : memref<!tpu.dma_semaphore, #tpu.memory_space<semaphore_mem>>) src(%arg11 : memref<512xf32, #tpu.memory_space<vmem>>) dst(%dma_wait3A_25 : memref<512xf32, #tpu.memory_space<hbm>>)
        tpu.yield
      }) : () -> ()
    } else {
    }
    return
  }
}

module attributes {stable_mosaic.version = 14 : i64} {
  func.func @_thresh_body(%arg0: memref<16x16384xf32, #tpu.memory_space<vmem>>, %arg1: memref<16x1x16xf32, #tpu.memory_space<vmem>>, %arg2: memref<16x1x16xi32, #tpu.memory_space<vmem>>) attributes {dimension_semantics = [], scalar_prefetch = 0 : i64, scratch_operands = 0 : i64, tpu.core_type = #tpu.core_type<tc>} {
    %get3A = arith.constant 0 : index
    %get3A_0 = arith.constant 0 : index
    %get3A_1 = vector.load %arg0[%get3A, %get3A_0] : memref<16x16384xf32, #tpu.memory_space<vmem>>, vector<16x16384xf32>
    %bitcast_convert_type3A = tpu.bitcast %get3A_1 : vector<16x16384xf32> -> vector<16x16384xi32>
    %shift_right_arithmetic3A = arith.constant 31 : i32
    %shift_right_arithmetic3A_2 = vector.broadcast %shift_right_arithmetic3A : i32 to vector<16x16384xi32>
    %shift_right_arithmetic3A_3 = arith.shrsi %bitcast_convert_type3A, %shift_right_arithmetic3A_2 : vector<16x16384xi32>
    %and3A = arith.constant 2147483647 : i32
    %and3A_4 = vector.broadcast %and3A : i32 to vector<16x16384xi32>
    %and3A_5 = arith.andi %shift_right_arithmetic3A_3, %and3A_4 : vector<16x16384xi32>
    %xor3A = arith.xori %bitcast_convert_type3A, %and3A_5 : vector<16x16384xi32>
    %broadcast_in_dim3A = arith.constant 0 : i32
    %broadcast_in_dim3A_6 = vector.broadcast %broadcast_in_dim3A : i32 to vector<16x1xi32>
    %scan3A = arith.constant 0 : i32
    %scan3A_7 = arith.constant 32 : i32
    %scan3A_8 = arith.addi %scan3A, %scan3A_7 : i32
    %scan3A_9 = arith.constant 1 : i32
    %scan3A_10 = scf.for %scan3A_50 = %scan3A to %scan3A_8 step %scan3A_9 iter_args(%scan3A_51 = %broadcast_in_dim3A_6) -> (vector<16x1xi32>)  : i32 {
      %sub3A = arith.constant 31 : i32
      %sub3A_52 = arith.subi %sub3A, %scan3A_50 : i32
      %shift_left3A = arith.constant 1 : i32
      %shift_left3A_53 = arith.shli %shift_left3A, %sub3A_52 : i32
      %or3A = vector.broadcast %shift_left3A_53 : i32 to vector<16x1xi32>
      %or3A_54 = arith.ori %scan3A_51, %or3A : vector<16x1xi32>
      %xor3A_55 = arith.constant -2147483648 : i32
      %xor3A_56 = vector.broadcast %xor3A_55 : i32 to vector<16x1xi32>
      %xor3A_57 = arith.xori %or3A_54, %xor3A_56 : vector<16x1xi32>
      %ge3A = vector.broadcast %xor3A_57 : vector<16x1xi32> to vector<16x16384xi32>
      %ge3A_58 = arith.cmpi sge, %xor3A, %ge3A : vector<16x16384xi32>
      %convert_element_type3A_59 = arith.extui %ge3A_58 : vector<16x16384xi1> to vector<16x16384xi32>
      %reduce_sum3A_60 = arith.constant dense<0> : vector<16xi32>
      %reduce_sum3A_61 = vector.multi_reduction <add>, %convert_element_type3A_59, %reduce_sum3A_60 [1] : vector<16x16384xi32> to vector<16xi32>
      %broadcast_in_dim3A_62 = vector.shape_cast %reduce_sum3A_61 : vector<16xi32> to vector<16x1xi32>
      %ge3A_63 = arith.constant 512 : i32
      %ge3A_64 = vector.broadcast %ge3A_63 : i32 to vector<16x1xi32>
      %ge3A_65 = arith.cmpi sge, %broadcast_in_dim3A_62, %ge3A_64 : vector<16x1xi32>
      %select_n3A = arith.select %ge3A_65, %or3A_54, %scan3A_51 : vector<16x1xi1>, vector<16x1xi32>
      scf.yield %select_n3A : vector<16x1xi32>
    }
    %scan3A_11 = arith.constant 32 : i32
    %xor3A_12 = arith.constant -2147483648 : i32
    %xor3A_13 = vector.broadcast %xor3A_12 : i32 to vector<16x1xi32>
    %xor3A_14 = arith.xori %scan3A_10, %xor3A_13 : vector<16x1xi32>
    %shift_right_arithmetic3A_15 = arith.constant 31 : i32
    %shift_right_arithmetic3A_16 = vector.broadcast %shift_right_arithmetic3A_15 : i32 to vector<16x1xi32>
    %shift_right_arithmetic3A_17 = arith.shrsi %xor3A_14, %shift_right_arithmetic3A_16 : vector<16x1xi32>
    %and3A_18 = arith.constant 2147483647 : i32
    %and3A_19 = vector.broadcast %and3A_18 : i32 to vector<16x1xi32>
    %and3A_20 = arith.andi %shift_right_arithmetic3A_17, %and3A_19 : vector<16x1xi32>
    %xor3A_21 = arith.xori %xor3A_14, %and3A_20 : vector<16x1xi32>
    %bitcast_convert_type3A_22 = tpu.bitcast %xor3A_21 : vector<16x1xi32> -> vector<16x1xf32>
    %gt3A = vector.broadcast %bitcast_convert_type3A_22 : vector<16x1xf32> to vector<16x16384xf32>
    %gt3A_23 = arith.cmpf ogt, %get3A_1, %gt3A : vector<16x16384xf32>
    %convert_element_type3A = arith.extui %gt3A_23 : vector<16x16384xi1> to vector<16x16384xi32>
    %reduce_sum3A = arith.constant dense<0> : vector<16xi32>
    %reduce_sum3A_24 = vector.multi_reduction <add>, %convert_element_type3A, %reduce_sum3A [1] : vector<16x16384xi32> to vector<16xi32>
    %broadcast_in_dim3A_25 = vector.shape_cast %reduce_sum3A_24 : vector<16xi32> to vector<16x1xi32>
    %eq3A = vector.broadcast %bitcast_convert_type3A_22 : vector<16x1xf32> to vector<16x16384xf32>
    %eq3A_26 = arith.cmpf oeq, %get3A_1, %eq3A : vector<16x16384xf32>
    %iota3A = tpu.iota {dimensions = array<i32: 1>} : vector<1x16384xi32>
    %broadcast_in_dim3A_27 = arith.constant 0 : i32
    %broadcast_in_dim3A_28 = vector.broadcast %broadcast_in_dim3A_27 : i32 to vector<16x1xi32>
    %scan3A_29 = arith.constant 0 : i32
    %scan3A_30 = arith.constant 15 : i32
    %scan3A_31 = arith.addi %scan3A_29, %scan3A_30 : i32
    %scan3A_32 = arith.constant 1 : i32
    %scan3A_33 = scf.for %scan3A_50 = %scan3A_29 to %scan3A_31 step %scan3A_32 iter_args(%scan3A_51 = %broadcast_in_dim3A_28) -> (vector<16x1xi32>)  : i32 {
      %sub3A = arith.constant 14 : i32
      %sub3A_52 = arith.subi %sub3A, %scan3A_50 : i32
      %shift_left3A = arith.constant 1 : i32
      %shift_left3A_53 = arith.shli %shift_left3A, %sub3A_52 : i32
      %or3A = vector.broadcast %shift_left3A_53 : i32 to vector<16x1xi32>
      %or3A_54 = arith.ori %scan3A_51, %or3A : vector<16x1xi32>
      %lt3A = vector.broadcast %iota3A : vector<1x16384xi32> to vector<16x16384xi32>
      %lt3A_55 = vector.broadcast %or3A_54 : vector<16x1xi32> to vector<16x16384xi32>
      %lt3A_56 = arith.cmpi slt, %lt3A, %lt3A_55 : vector<16x16384xi32>
      %and3A_57 = arith.andi %eq3A_26, %lt3A_56 : vector<16x16384xi1>
      %convert_element_type3A_58 = arith.extui %and3A_57 : vector<16x16384xi1> to vector<16x16384xi32>
      %reduce_sum3A_59 = arith.constant dense<0> : vector<16xi32>
      %reduce_sum3A_60 = vector.multi_reduction <add>, %convert_element_type3A_58, %reduce_sum3A_59 [1] : vector<16x16384xi32> to vector<16xi32>
      %broadcast_in_dim3A_61 = vector.shape_cast %reduce_sum3A_60 : vector<16xi32> to vector<16x1xi32>
      %add3A_62 = arith.addi %broadcast_in_dim3A_25, %broadcast_in_dim3A_61 : vector<16x1xi32>
      %lt3A_63 = arith.constant 512 : i32
      %lt3A_64 = vector.broadcast %lt3A_63 : i32 to vector<16x1xi32>
      %lt3A_65 = arith.cmpi slt, %add3A_62, %lt3A_64 : vector<16x1xi32>
      %select_n3A = arith.select %lt3A_65, %or3A_54, %scan3A_51 : vector<16x1xi1>, vector<16x1xi32>
      scf.yield %select_n3A : vector<16x1xi32>
    }
    %scan3A_34 = arith.constant 15 : i32
    %add3A = arith.constant 1 : i32
    %add3A_35 = vector.broadcast %add3A : i32 to vector<16x1xi32>
    %add3A_36 = arith.addi %scan3A_33, %add3A_35 : vector<16x1xi32>
    %broadcast_in_dim3A_37 = vector.shape_cast %bitcast_convert_type3A_22 : vector<16x1xf32> to vector<16x1x1xf32>
    %broadcast_in_dim3A_38 = vector.shape_cast %broadcast_in_dim3A_37 : vector<16x1x1xf32> to vector<16x1x1xf32>
    %broadcast_in_dim3A_39 = vector.broadcast %broadcast_in_dim3A_38 : vector<16x1x1xf32> to vector<16x1x16xf32>
    %swap3A = arith.constant 0 : index
    %swap3A_40 = arith.constant 0 : index
    %swap3A_41 = arith.constant 0 : index
    %swap3A_42 = vector.load %arg1[%swap3A, %swap3A_40, %swap3A_41] : memref<16x1x16xf32, #tpu.memory_space<vmem>>, vector<16x1x16xf32>
    tpu.vector_store %arg1[%swap3A, %swap3A_40, %swap3A_41], %broadcast_in_dim3A_39 {strides = array<i32>} : memref<16x1x16xf32, #tpu.memory_space<vmem>>, vector<16x1x16xf32>,
    %broadcast_in_dim3A_43 = vector.shape_cast %add3A_36 : vector<16x1xi32> to vector<16x1x1xi32>
    %broadcast_in_dim3A_44 = vector.shape_cast %broadcast_in_dim3A_43 : vector<16x1x1xi32> to vector<16x1x1xi32>
    %broadcast_in_dim3A_45 = vector.broadcast %broadcast_in_dim3A_44 : vector<16x1x1xi32> to vector<16x1x16xi32>
    %swap3A_46 = arith.constant 0 : index
    %swap3A_47 = arith.constant 0 : index
    %swap3A_48 = arith.constant 0 : index
    %swap3A_49 = vector.load %arg2[%swap3A_46, %swap3A_47, %swap3A_48] : memref<16x1x16xi32, #tpu.memory_space<vmem>>, vector<16x1x16xi32>
    tpu.vector_store %arg2[%swap3A_46, %swap3A_47, %swap3A_48], %broadcast_in_dim3A_45 {strides = array<i32>} : memref<16x1x16xi32, #tpu.memory_space<vmem>>, vector<16x1x16xi32>,
    return
  }
}

module attributes {stable_mosaic.version = 14 : i64} {
  func.func @_dense_body(%arg0: i32, %arg1: memref<1x128x512xf32, #tpu.memory_space<vmem>>, %arg2: memref<1x32x512xf32, #tpu.memory_space<vmem>>, %arg3: memref<1x1x128xf32, #tpu.memory_space<vmem>>, %arg4: memref<1x1x32xf32, #tpu.memory_space<vmem>>, %arg5: memref<1x1x3xf32, #tpu.memory_space<vmem>>, %arg6: memref<1x1x3xf32, #tpu.memory_space<vmem>>, %arg7: memref<512x512xf32, #tpu.memory_space<vmem>>, %arg8: memref<512x512xf32, #tpu.memory_space<vmem>>, %arg9: memref<512x512xf32, #tpu.memory_space<vmem>>, %arg10: memref<512x512xf32, #tpu.memory_space<vmem>>, %arg11: memref<512x512xf32, #tpu.memory_space<vmem>>, %arg12: memref<512x512xf32, #tpu.memory_space<vmem>>, %arg13: memref<1x128x128xf32, #tpu.memory_space<vmem>>, %arg14: memref<1x128x3xf32, #tpu.memory_space<vmem>>) attributes {dimension_semantics = [#tpu.dimension_semantics<arbitrary>], iteration_bounds = array<i64: 16>, scalar_prefetch = 0 : i64, scratch_operands = 0 : i64, tpu.core_type = #tpu.core_type<tc>, window_params = [{transform_indices = @transform_0, window_bounds = array<i64: 1, 128, 512>}, {transform_indices = @transform_1, window_bounds = array<i64: 1, 32, 512>}, {transform_indices = @transform_2, window_bounds = array<i64: 1, 1, 128>}, {transform_indices = @transform_3, window_bounds = array<i64: 1, 1, 32>}, {transform_indices = @transform_4, window_bounds = array<i64: 1, 1, 3>}, {transform_indices = @transform_5, window_bounds = array<i64: 1, 1, 3>}, {pipeline_mode = #tpu.pipeline_mode<synchronous>, transform_indices = @transform_6, window_bounds = array<i64: 512, 512>}, {pipeline_mode = #tpu.pipeline_mode<synchronous>, transform_indices = @transform_7, window_bounds = array<i64: 512, 512>}, {pipeline_mode = #tpu.pipeline_mode<synchronous>, transform_indices = @transform_8, window_bounds = array<i64: 512, 512>}, {pipeline_mode = #tpu.pipeline_mode<synchronous>, transform_indices = @transform_9, window_bounds = array<i64: 512, 512>}, {pipeline_mode = #tpu.pipeline_mode<synchronous>, transform_indices = @transform_10, window_bounds = array<i64: 512, 512>}, {pipeline_mode = #tpu.pipeline_mode<synchronous>, transform_indices = @transform_11, window_bounds = array<i64: 512, 512>}, {transform_indices = @transform_12, window_bounds = array<i64: 1, 128, 128>}, {transform_indices = @transform_13, window_bounds = array<i64: 1, 128, 3>}]} {
    %get3A = arith.constant 0 : index
    %get3A_0 = arith.constant 0 : index
    %get3A_1 = arith.constant 0 : index
    %get3A_2 = vector.load %arg1[%get3A, %get3A_0, %get3A_1] : memref<1x128x512xf32, #tpu.memory_space<vmem>>, vector<1x128x512xf32>
    %get3A_3 = vector.shape_cast %get3A_2 : vector<1x128x512xf32> to vector<128x512xf32>
    %get3A_4 = arith.constant 0 : index
    %get3A_5 = arith.constant 0 : index
    %get3A_6 = arith.constant 0 : index
    %get3A_7 = vector.load %arg2[%get3A_4, %get3A_5, %get3A_6] : memref<1x32x512xf32, #tpu.memory_space<vmem>>, vector<1x32x512xf32>
    %get3A_8 = vector.shape_cast %get3A_7 : vector<1x32x512xf32> to vector<32x512xf32>
    %get3A_9 = arith.constant 0 : index
    %get3A_10 = arith.constant 0 : index
    %get3A_11 = arith.constant 0 : index
    %get3A_12 = vector.load %arg3[%get3A_9, %get3A_10, %get3A_11] : memref<1x1x128xf32, #tpu.memory_space<vmem>>, vector<1x1x128xf32>
    %get3A_13 = vector.shape_cast %get3A_12 : vector<1x1x128xf32> to vector<128xf32>
    %get3A_14 = arith.constant 0 : index
    %get3A_15 = arith.constant 0 : index
    %get3A_16 = arith.constant 0 : index
    %get3A_17 = vector.load %arg4[%get3A_14, %get3A_15, %get3A_16] : memref<1x1x32xf32, #tpu.memory_space<vmem>>, vector<1x1x32xf32>
    %get3A_18 = vector.shape_cast %get3A_17 : vector<1x1x32xf32> to vector<32xf32>
    %get3A_19 = arith.constant 0 : index
    %get3A_20 = arith.constant 0 : index
    %get3A_21 = vector.load %arg7[%get3A_19, %get3A_20] : memref<512x512xf32, #tpu.memory_space<vmem>>, vector<512x512xf32>
    %dot_general3A = arith.constant dense<0.000000e+00> : vector<128x512xf32>
    %dot_general3A_22 = tpu.matmul %get3A_3, %get3A_21, %dot_general3A {dimension_numbers = #tpu.dot_dimension_numbers<[1], [0], [0], [1], [0, 0, 1, 1], [], []>, transpose_lhs_hint = false} : vector<128x512xf32>, vector<512x512xf32>, vector<128x512xf32> -> vector<128x512xf32>
    %get3A_23 = arith.constant 0 : index
    %get3A_24 = arith.constant 0 : index
    %get3A_25 = vector.load %arg8[%get3A_23, %get3A_24] : memref<512x512xf32, #tpu.memory_space<vmem>>, vector<512x512xf32>
    %dot_general3A_26 = arith.constant dense<0.000000e+00> : vector<32x512xf32>
    %dot_general3A_27 = tpu.matmul %get3A_8, %get3A_25, %dot_general3A_26 {dimension_numbers = #tpu.dot_dimension_numbers<[1], [0], [0], [1], [0, 0, 1, 1], [], []>, transpose_lhs_hint = false} : vector<32x512xf32>, vector<512x512xf32>, vector<32x512xf32> -> vector<32x512xf32>
    %get3A_28 = arith.constant 0 : index
    %get3A_29 = arith.constant 0 : index
    %get3A_30 = vector.load %arg9[%get3A_28, %get3A_29] : memref<512x512xf32, #tpu.memory_space<vmem>>, vector<512x512xf32>
    %dot_general3A_31 = arith.constant dense<0.000000e+00> : vector<32x512xf32>
    %dot_general3A_32 = tpu.matmul %get3A_8, %get3A_30, %dot_general3A_31 {dimension_numbers = #tpu.dot_dimension_numbers<[1], [0], [0], [1], [0, 0, 1, 1], [], []>, transpose_lhs_hint = false} : vector<32x512xf32>, vector<512x512xf32>, vector<32x512xf32> -> vector<32x512xf32>
    %dot_general3A_33 = arith.constant dense<0.000000e+00> : vector<128x32xf32>
    %dot_general3A_34 = tpu.matmul %dot_general3A_22, %dot_general3A_27, %dot_general3A_33 {dimension_numbers = #tpu.dot_dimension_numbers<[1], [1], [0], [0], [0, 0, 1, 0], [], []>, transpose_lhs_hint = false} : vector<128x512xf32>, vector<32x512xf32>, vector<128x32xf32> -> vector<128x32xf32>
    %mul3A = arith.constant 0.0441941731 : f32
    %mul3A_35 = vector.broadcast %mul3A : f32 to vector<128x32xf32>
    %mul3A_36 = arith.mulf %dot_general3A_34, %mul3A_35 : vector<128x32xf32>
    %broadcast_in_dim3A = vector.shape_cast %get3A_18 : vector<32xf32> to vector<1x32xf32>
    %gt3A = arith.constant 0.000000e+00 : f32
    %gt3A_37 = vector.broadcast %gt3A : f32 to vector<1x32xf32>
    %gt3A_38 = arith.cmpf ogt, %broadcast_in_dim3A, %gt3A_37 : vector<1x32xf32>
    %jit3A = arith.constant -1.000000e+09 : f32
    %broadcast_in_dim3A_39 = vector.shape_cast %gt3A_38 : vector<1x32xi1> to vector<1x32xi1>
    %broadcast_in_dim3A_40 = vector.broadcast %broadcast_in_dim3A_39 : vector<1x32xi1> to vector<128x32xi1>
    %broadcast_in_dim3A_41 = vector.broadcast %jit3A : f32 to vector<128x32xf32>
    %select_n3A = arith.select %broadcast_in_dim3A_40, %mul3A_36, %broadcast_in_dim3A_41 : vector<128x32xi1>, vector<128x32xf32>
    %broadcast_in_dim3A_42 = arith.constant -1.000000e+09 : f32
    %broadcast_in_dim3A_43 = vector.broadcast %broadcast_in_dim3A_42 : f32 to vector<128x96xf32>
    %concatenate3A = tpu.concatenate %select_n3A, %broadcast_in_dim3A_43 in 1 : vector<128x32xf32>, vector<128x96xf32> -> vector<128x128xf32>
    %reduce_max3A = arith.constant dense<0xFF800000> : vector<128xf32>
    %reduce_max3A_44 = vector.multi_reduction <maximumf>, %concatenate3A, %reduce_max3A [1] : vector<128x128xf32> to vector<128xf32>
    %broadcast_in_dim3A_45 = vector.shape_cast %reduce_max3A_44 : vector<128xf32> to vector<128x1xf32>
    %sub3A = vector.broadcast %broadcast_in_dim3A_45 : vector<128x1xf32> to vector<128x128xf32>
    %sub3A_46 = arith.subf %concatenate3A, %sub3A : vector<128x128xf32>
    %exp3A = math.exp %sub3A_46 : vector<128x128xf32>
    %iota3A = tpu.iota {dimensions = array<i32: 1>} : vector<128x128xi32>
    %lt3A = arith.constant 32 : i32
    %lt3A_47 = vector.broadcast %lt3A : i32 to vector<128x128xi32>
    %lt3A_48 = arith.cmpi slt, %iota3A, %lt3A_47 : vector<128x128xi32>
    %jit3A_49 = arith.constant 0.000000e+00 : f32
    %broadcast_in_dim3A_50 = vector.broadcast %jit3A_49 : f32 to vector<128x128xf32>
    %select_n3A_51 = arith.select %lt3A_48, %exp3A, %broadcast_in_dim3A_50 : vector<128x128xi1>, vector<128x128xf32>
    %reduce_sum3A = arith.constant dense<0.000000e+00> : vector<128xf32>
    %reduce_sum3A_52 = vector.multi_reduction <add>, %select_n3A_51, %reduce_sum3A [1] : vector<128x128xf32> to vector<128xf32>
    %broadcast_in_dim3A_53 = vector.shape_cast %reduce_sum3A_52 : vector<128xf32> to vector<128x1xf32>
    %div3A = vector.broadcast %broadcast_in_dim3A_53 : vector<128x1xf32> to vector<128x128xf32>
    %div3A_54 = arith.divf %select_n3A_51, %div3A : vector<128x128xf32>
    %broadcast_in_dim3A_55 = arith.constant 0.000000e+00 : f32
    %broadcast_in_dim3A_56 = vector.broadcast %broadcast_in_dim3A_55 : f32 to vector<96x512xf32>
    %concatenate3A_57 = tpu.concatenate %dot_general3A_32, %broadcast_in_dim3A_56 in 0 : vector<32x512xf32>, vector<96x512xf32> -> vector<128x512xf32>
    %dot_general3A_58 = arith.constant dense<0.000000e+00> : vector<128x512xf32>
    %dot_general3A_59 = tpu.matmul %div3A_54, %concatenate3A_57, %dot_general3A_58 {dimension_numbers = #tpu.dot_dimension_numbers<[1], [0], [0], [1], [0, 0, 1, 1], [], []>, transpose_lhs_hint = false} : vector<128x128xf32>, vector<128x512xf32>, vector<128x512xf32> -> vector<128x512xf32>
    %get3A_60 = arith.constant 0 : index
    %get3A_61 = arith.constant 0 : index
    %get3A_62 = vector.load %arg10[%get3A_60, %get3A_61] : memref<512x512xf32, #tpu.memory_space<vmem>>, vector<512x512xf32>
    %dot_general3A_63 = arith.constant dense<0.000000e+00> : vector<128x512xf32>
    %dot_general3A_64 = tpu.matmul %dot_general3A_59, %get3A_62, %dot_general3A_63 {dimension_numbers = #tpu.dot_dimension_numbers<[1], [0], [0], [1], [0, 0, 1, 1], [], []>, transpose_lhs_hint = false} : vector<128x512xf32>, vector<512x512xf32>, vector<128x512xf32> -> vector<128x512xf32>
    %add3A = arith.addf %get3A_3, %dot_general3A_64 : vector<128x512xf32>
    %broadcast_in_dim3A_65 = vector.shape_cast %get3A_13 : vector<128xf32> to vector<128x1xf32>
    %mul3A_66 = vector.broadcast %broadcast_in_dim3A_65 : vector<128x1xf32> to vector<128x512xf32>
    %mul3A_67 = arith.mulf %add3A, %mul3A_66 : vector<128x512xf32>
    %broadcast_in_dim3A_68 = vector.shape_cast %get3A_18 : vector<32xf32> to vector<32x1xf32>
    %mul3A_69 = vector.broadcast %broadcast_in_dim3A_68 : vector<32x1xf32> to vector<32x512xf32>
    %mul3A_70 = arith.mulf %get3A_8, %mul3A_69 : vector<32x512xf32>
    %reduce_sum3A_71 = arith.constant dense<0.000000e+00> : vector<512xf32>
    %reduce_sum3A_72 = vector.multi_reduction <add>, %mul3A_70, %reduce_sum3A_71 [0] : vector<32x512xf32> to vector<512xf32>
    %reduce_sum3A_73 = vector.shape_cast %get3A_18 : vector<32xf32> to vector<1x32xf32>
    %reduce_sum3A_74 = arith.constant dense<0.000000e+00> : vector<1xf32>
    %reduce_sum3A_75 = vector.multi_reduction <add>, %reduce_sum3A_73, %reduce_sum3A_74 [1] : vector<1x32xf32> to vector<1xf32>
    %reduce_sum3A_76 = vector.shape_cast %reduce_sum3A_75 : vector<1xf32> to vector<1x1xf32>
    %reduce_sum3A_77 = vector.extract %reduce_sum3A_76[0, 0] : f32 from vector<1x1xf32>
    %max3A = arith.constant 1.000000e+00 : f32
    %max3A_78 = arith.maximumf %reduce_sum3A_77, %max3A : f32
    %div3A_79 = vector.broadcast %max3A_78 : f32 to vector<512xf32>
    %div3A_80 = arith.divf %reduce_sum3A_72, %div3A_79 : vector<512xf32>
    %get3A_81 = arith.constant 0 : index
    %get3A_82 = arith.constant 0 : index
    %get3A_83 = vector.load %arg11[%get3A_81, %get3A_82] : memref<512x512xf32, #tpu.memory_space<vmem>>, vector<512x512xf32>
    %dot_general3A_84 = arith.constant dense<0.000000e+00> : vector<128x512xf32>
    %dot_general3A_85 = tpu.matmul %mul3A_67, %get3A_83, %dot_general3A_84 {dimension_numbers = #tpu.dot_dimension_numbers<[1], [0], [0], [1], [0, 0, 1, 1], [], []>, transpose_lhs_hint = false} : vector<128x512xf32>, vector<512x512xf32>, vector<128x512xf32> -> vector<128x512xf32>
    %broadcast_in_dim3A_86 = vector.shape_cast %div3A_80 : vector<512xf32> to vector<1x512xf32>
    %mul3A_87 = vector.broadcast %broadcast_in_dim3A_86 : vector<1x512xf32> to vector<128x512xf32>
    %mul3A_88 = arith.mulf %dot_general3A_85, %mul3A_87 : vector<128x512xf32>
    %get3A_89 = arith.constant 0 : index
    %get3A_90 = arith.constant 0 : index
    %get3A_91 = vector.load %arg12[%get3A_89, %get3A_90] : memref<512x512xf32, #tpu.memory_space<vmem>>, vector<512x512xf32>
    %dot_general3A_92 = arith.constant dense<0.000000e+00> : vector<128x512xf32>
    %dot_general3A_93 = tpu.matmul %mul3A_67, %get3A_91, %dot_general3A_92 {dimension_numbers = #tpu.dot_dimension_numbers<[1], [0], [0], [1], [0, 0, 1, 1], [], []>, transpose_lhs_hint = false} : vector<128x512xf32>, vector<512x512xf32>, vector<128x512xf32> -> vector<128x512xf32>
    %dot_general3A_94 = arith.constant dense<0.000000e+00> : vector<128x128xf32>
    %dot_general3A_95 = tpu.matmul %mul3A_88, %dot_general3A_93, %dot_general3A_94 {dimension_numbers = #tpu.dot_dimension_numbers<[1], [1], [0], [0], [0, 0, 1, 0], [], []>, transpose_lhs_hint = false} : vector<128x512xf32>, vector<128x512xf32>, vector<128x128xf32> -> vector<128x128xf32>
    %mul3A_96 = arith.constant 0.0441941731 : f32
    %mul3A_97 = vector.broadcast %mul3A_96 : f32 to vector<128x128xf32>
    %mul3A_98 = arith.mulf %dot_general3A_95, %mul3A_97 : vector<128x128xf32>
    %iota3A_99 = tpu.iota {dimensions = array<i32: 0>} : vector<128x128xi32>
    %iota3A_100 = tpu.iota {dimensions = array<i32: 1>} : vector<128x128xi32>
    %ge3A = arith.cmpi sge, %iota3A_100, %iota3A_99 : vector<128x128xi32>
    %jit3A_101 = arith.constant -1.000000e+09 : f32
    %broadcast_in_dim3A_102 = vector.broadcast %jit3A_101 : f32 to vector<128x128xf32>
    %select_n3A_103 = arith.select %ge3A, %mul3A_98, %broadcast_in_dim3A_102 : vector<128x128xi1>, vector<128x128xf32>
    %swap3A = arith.constant 0 : index
    %swap3A_104 = arith.constant 0 : index
    %swap3A_105 = arith.constant 0 : index
    %swap3A_106 = vector.load %arg13[%swap3A, %swap3A_104, %swap3A_105] : memref<1x128x128xf32, #tpu.memory_space<vmem>>, vector<1x128x128xf32>
    %swap3A_107 = vector.shape_cast %swap3A_106 : vector<1x128x128xf32> to vector<128x128xf32>
    %swap3A_108 = vector.shape_cast %select_n3A_103 : vector<128x128xf32> to vector<1x128x128xf32>
    tpu.vector_store %arg13[%swap3A, %swap3A_104, %swap3A_105], %swap3A_108 {strides = array<i32>} : memref<1x128x128xf32, #tpu.memory_space<vmem>>, vector<1x128x128xf32>,
    %iota3A_109 = tpu.iota {dimensions = array<i32: 0>} : vector<128x3xi32>
    %convert_element_type3A = arith.sitofp %iota3A_109 : vector<128x3xi32> to vector<128x3xf32>
    %get3A_110 = arith.constant 0 : index
    %get3A_111 = arith.constant 0 : index
    %get3A_112 = arith.constant 0 : index
    %get3A_113 = vector.load %arg5[%get3A_110, %get3A_111, %get3A_112] : memref<1x1x3xf32, #tpu.memory_space<vmem>>, vector<1x1x3xf32>
    %get3A_114 = vector.shape_cast %get3A_113 : vector<1x1x3xf32> to vector<3xf32>
    %get3A_115 = arith.constant 0 : index
    %get3A_116 = arith.constant 0 : index
    %get3A_117 = arith.constant 0 : index
    %get3A_118 = vector.load %arg6[%get3A_115, %get3A_116, %get3A_117] : memref<1x1x3xf32, #tpu.memory_space<vmem>>, vector<1x1x3xf32>
    %get3A_119 = vector.shape_cast %get3A_118 : vector<1x1x3xf32> to vector<3xf32>
    %broadcast_in_dim3A_120 = vector.shape_cast %get3A_114 : vector<3xf32> to vector<1x3xf32>
    %sub3A_121 = vector.broadcast %broadcast_in_dim3A_120 : vector<1x3xf32> to vector<128x3xf32>
    %sub3A_122 = arith.subf %convert_element_type3A, %sub3A_121 : vector<128x3xf32>
    %integer_pow3A = arith.mulf %sub3A_122, %sub3A_122 : vector<128x3xf32>
    %neg3A = arith.constant 0.000000e+00 : f32
    %neg3A_123 = vector.broadcast %neg3A : f32 to vector<128x3xf32>
    %neg3A_124 = arith.subf %neg3A_123, %integer_pow3A : vector<128x3xf32>
    %broadcast_in_dim3A_125 = vector.shape_cast %get3A_119 : vector<3xf32> to vector<1x3xf32>
    %integer_pow3A_126 = arith.mulf %broadcast_in_dim3A_125, %broadcast_in_dim3A_125 : vector<1x3xf32>
    %mul3A_127 = arith.constant 2.000000e+00 : f32
    %mul3A_128 = vector.broadcast %mul3A_127 : f32 to vector<1x3xf32>
    %mul3A_129 = arith.mulf %mul3A_128, %integer_pow3A_126 : vector<1x3xf32>
    %div3A_130 = vector.broadcast %mul3A_129 : vector<1x3xf32> to vector<128x3xf32>
    %div3A_131 = arith.divf %neg3A_124, %div3A_130 : vector<128x3xf32>
    %exp3A_132 = math.exp %div3A_131 : vector<128x3xf32>
    %swap3A_133 = arith.constant 0 : index
    %swap3A_134 = arith.constant 0 : index
    %swap3A_135 = arith.constant 0 : index
    %swap3A_136 = vector.load %arg14[%swap3A_133, %swap3A_134, %swap3A_135] : memref<1x128x3xf32, #tpu.memory_space<vmem>>, vector<1x128x3xf32>
    %swap3A_137 = vector.shape_cast %swap3A_136 : vector<1x128x3xf32> to vector<128x3xf32>
    %swap3A_138 = vector.shape_cast %exp3A_132 : vector<128x3xf32> to vector<1x128x3xf32>
    tpu.vector_store %arg14[%swap3A_133, %swap3A_134, %swap3A_135], %swap3A_138 {strides = array<i32>} : memref<1x128x3xf32, #tpu.memory_space<vmem>>, vector<1x128x3xf32>,
    return
  }
  func.func @transform_0(%arg0: i32) -> (i32, i32, i32) {
    %c0_i32 = arith.constant 0 : i32
    %c0_i32_0 = arith.constant 0 : i32
    %c0_i32_1 = arith.constant 0 : i32
    return %arg0, %c0_i32, %c0_i32_0 : i32, i32, i32
  }
  func.func @transform_1(%arg0: i32) -> (i32, i32, i32) {
    %c0_i32 = arith.constant 0 : i32
    %c0_i32_0 = arith.constant 0 : i32
    %c0_i32_1 = arith.constant 0 : i32
    return %arg0, %c0_i32, %c0_i32_0 : i32, i32, i32
  }
  func.func @transform_2(%arg0: i32) -> (i32, i32, i32) {
    %c0_i32 = arith.constant 0 : i32
    %c0_i32_0 = arith.constant 0 : i32
    %c0_i32_1 = arith.constant 0 : i32
    return %arg0, %c0_i32, %c0_i32_0 : i32, i32, i32
  }
  func.func @transform_3(%arg0: i32) -> (i32, i32, i32) {
    %c0_i32 = arith.constant 0 : i32
    %c0_i32_0 = arith.constant 0 : i32
    %c0_i32_1 = arith.constant 0 : i32
    return %arg0, %c0_i32, %c0_i32_0 : i32, i32, i32
  }
  func.func @transform_4(%arg0: i32) -> (i32, i32, i32) {
    %c0_i32 = arith.constant 0 : i32
    %c0_i32_0 = arith.constant 0 : i32
    %c0_i32_1 = arith.constant 0 : i32
    return %arg0, %c0_i32, %c0_i32_0 : i32, i32, i32
  }
  func.func @transform_5(%arg0: i32) -> (i32, i32, i32) {
    %c0_i32 = arith.constant 0 : i32
    %c0_i32_0 = arith.constant 0 : i32
    %c0_i32_1 = arith.constant 0 : i32
    return %arg0, %c0_i32, %c0_i32_0 : i32, i32, i32
  }
  func.func @transform_6(%arg0: i32) -> (i32, i32) {
    %c0_i32 = arith.constant 0 : i32
    %c0_i32_0 = arith.constant 0 : i32
    %c0_i32_1 = arith.constant 0 : i32
    return %c0_i32, %c0_i32_0 : i32, i32
  }
  func.func @transform_7(%arg0: i32) -> (i32, i32) {
    %c0_i32 = arith.constant 0 : i32
    %c0_i32_0 = arith.constant 0 : i32
    %c0_i32_1 = arith.constant 0 : i32
    return %c0_i32, %c0_i32_0 : i32, i32
  }
  func.func @transform_8(%arg0: i32) -> (i32, i32) {
    %c0_i32 = arith.constant 0 : i32
    %c0_i32_0 = arith.constant 0 : i32
    %c0_i32_1 = arith.constant 0 : i32
    return %c0_i32, %c0_i32_0 : i32, i32
  }
  func.func @transform_9(%arg0: i32) -> (i32, i32) {
    %c0_i32 = arith.constant 0 : i32
    %c0_i32_0 = arith.constant 0 : i32
    %c0_i32_1 = arith.constant 0 : i32
    return %c0_i32, %c0_i32_0 : i32, i32
  }
  func.func @transform_10(%arg0: i32) -> (i32, i32) {
    %c0_i32 = arith.constant 0 : i32
    %c0_i32_0 = arith.constant 0 : i32
    %c0_i32_1 = arith.constant 0 : i32
    return %c0_i32, %c0_i32_0 : i32, i32
  }
  func.func @transform_11(%arg0: i32) -> (i32, i32) {
    %c0_i32 = arith.constant 0 : i32
    %c0_i32_0 = arith.constant 0 : i32
    %c0_i32_1 = arith.constant 0 : i32
    return %c0_i32, %c0_i32_0 : i32, i32
  }
  func.func @transform_12(%arg0: i32) -> (i32, i32, i32) {
    %c0_i32 = arith.constant 0 : i32
    %c0_i32_0 = arith.constant 0 : i32
    %c0_i32_1 = arith.constant 0 : i32
    return %arg0, %c0_i32, %c0_i32_0 : i32, i32, i32
  }
  func.func @transform_13(%arg0: i32) -> (i32, i32, i32) {
    %c0_i32 = arith.constant 0 : i32
    %c0_i32_0 = arith.constant 0 : i32
    %c0_i32_1 = arith.constant 0 : i32
    return %arg0, %c0_i32, %c0_i32_0 : i32, i32, i32
  }
}

module attributes {stable_mosaic.version = 14 : i64} {
  func.func @_nms_body(%arg0: memref<16x512xi32, #tpu.memory_space<vmem>>, %arg1: memref<16x512xf32, #tpu.memory_space<vmem>>, %arg2: memref<16x512xf32, #tpu.memory_space<vmem>>, %arg3: memref<16x512xf32, #tpu.memory_space<vmem>>, %arg4: memref<16x512xf32, #tpu.memory_space<vmem>>, %arg5: memref<16x512x512xf32, #tpu.memory_space<vmem>>, %arg6: memref<16x512xf32, #tpu.memory_space<vmem>>, %arg7: memref<16x512xf32, #tpu.memory_space<vmem>>) attributes {dimension_semantics = [], scalar_prefetch = 0 : i64, scratch_operands = 3 : i64, tpu.core_type = #tpu.core_type<tc>} {
    %get3A = arith.constant 0 : index
    %get3A_0 = arith.constant 0 : index
    %get3A_1 = vector.load %arg1[%get3A, %get3A_0] : memref<16x512xf32, #tpu.memory_space<vmem>>, vector<16x512xf32>
    %get3A_2 = arith.constant 0 : index
    %get3A_3 = arith.constant 0 : index
    %get3A_4 = vector.load %arg0[%get3A_2, %get3A_3] : memref<16x512xi32, #tpu.memory_space<vmem>>, vector<16x512xi32>
    %iota3A = tpu.iota {dimensions = array<i32: 1>} : vector<1x512xi32>
    %and3A = arith.constant 2 : i32
    %and3A_5 = vector.broadcast %and3A : i32 to vector<1x512xi32>
    %and3A_6 = arith.andi %iota3A, %and3A_5 : vector<1x512xi32>
    %eq3A = arith.constant 0 : i32
    %eq3A_7 = vector.broadcast %eq3A : i32 to vector<1x512xi32>
    %eq3A_8 = arith.cmpi eq, %and3A_6, %eq3A_7 : vector<1x512xi32>
    %and3A_9 = arith.constant 1 : i32
    %and3A_10 = vector.broadcast %and3A_9 : i32 to vector<1x512xi32>
    %and3A_11 = arith.andi %iota3A, %and3A_10 : vector<1x512xi32>
    %ne3A = arith.constant 0 : i32
    %ne3A_12 = vector.broadcast %ne3A : i32 to vector<1x512xi32>
    %ne3A_13 = arith.cmpi ne, %and3A_11, %ne3A_12 : vector<1x512xi32>
    %slice3A = vector.extract_strided_slice %get3A_1 {offsets = [0, 511], sizes = [16, 1], strides = [1, 1]} : vector<16x512xf32> to vector<16x1xf32>
    %slice3A_14 = vector.extract_strided_slice %get3A_1 {offsets = [0, 0], sizes = [16, 511], strides = [1, 1]} : vector<16x512xf32> to vector<16x511xf32>
    %concatenate3A = tpu.concatenate %slice3A, %slice3A_14 in 1 : vector<16x1xf32>, vector<16x511xf32> -> vector<16x512xf32>
    %slice3A_15 = vector.extract_strided_slice %get3A_1 {offsets = [0, 1], sizes = [16, 511], strides = [1, 1]} : vector<16x512xf32> to vector<16x511xf32>
    %slice3A_16 = vector.extract_strided_slice %get3A_1 {offsets = [0, 0], sizes = [16, 1], strides = [1, 1]} : vector<16x512xf32> to vector<16x1xf32>
    %concatenate3A_17 = tpu.concatenate %slice3A_15, %slice3A_16 in 1 : vector<16x511xf32>, vector<16x1xf32> -> vector<16x512xf32>
    %broadcast_in_dim3A = vector.shape_cast %ne3A_13 : vector<1x512xi1> to vector<1x512xi1>
    %broadcast_in_dim3A_18 = vector.broadcast %broadcast_in_dim3A : vector<1x512xi1> to vector<16x512xi1>
    %select_n3A = arith.select %broadcast_in_dim3A_18, %concatenate3A, %concatenate3A_17 : vector<16x512xi1>, vector<16x512xf32>
    %slice3A_19 = vector.extract_strided_slice %get3A_4 {offsets = [0, 511], sizes = [16, 1], strides = [1, 1]} : vector<16x512xi32> to vector<16x1xi32>
    %slice3A_20 = vector.extract_strided_slice %get3A_4 {offsets = [0, 0], sizes = [16, 511], strides = [1, 1]} : vector<16x512xi32> to vector<16x511xi32>
    %concatenate3A_21 = tpu.concatenate %slice3A_19, %slice3A_20 in 1 : vector<16x1xi32>, vector<16x511xi32> -> vector<16x512xi32>
    %slice3A_22 = vector.extract_strided_slice %get3A_4 {offsets = [0, 1], sizes = [16, 511], strides = [1, 1]} : vector<16x512xi32> to vector<16x511xi32>
    %slice3A_23 = vector.extract_strided_slice %get3A_4 {offsets = [0, 0], sizes = [16, 1], strides = [1, 1]} : vector<16x512xi32> to vector<16x1xi32>
    %concatenate3A_24 = tpu.concatenate %slice3A_22, %slice3A_23 in 1 : vector<16x511xi32>, vector<16x1xi32> -> vector<16x512xi32>
    %broadcast_in_dim3A_25 = vector.shape_cast %ne3A_13 : vector<1x512xi1> to vector<1x512xi1>
    %broadcast_in_dim3A_26 = vector.broadcast %broadcast_in_dim3A_25 : vector<1x512xi1> to vector<16x512xi1>
    %select_n3A_27 = arith.select %broadcast_in_dim3A_26, %concatenate3A_21, %concatenate3A_24 : vector<16x512xi1>, vector<16x512xi32>
    %gt3A = arith.cmpf ogt, %get3A_1, %select_n3A : vector<16x512xf32>
    %eq3A_28 = arith.cmpf oeq, %get3A_1, %select_n3A : vector<16x512xf32>
    %lt3A = arith.cmpi slt, %get3A_4, %select_n3A_27 : vector<16x512xi32>
    %and3A_29 = arith.andi %eq3A_28, %lt3A : vector<16x512xi1>
    %or3A = arith.ori %gt3A, %and3A_29 : vector<16x512xi1>
    %ne3A_30 = arith.xori %eq3A_8, %ne3A_13 : vector<1x512xi1>
    %eq3A_31 = vector.broadcast %ne3A_30 : vector<1x512xi1> to vector<16x512xi1>
    %eq3A_32 = vector.broadcast %eq3A_31 : vector<16x512xi1> to vector<16x512xi1>
    %eq3A_33 = arith.xori %eq3A_32, %or3A : vector<16x512xi1>
    %eq3A_34 = arith.constant dense<true> : vector<16x512xi1>
    %eq3A_35 = arith.xori %eq3A_33, %eq3A_34 : vector<16x512xi1>
    %select_n3A_36 = arith.select %eq3A_35, %get3A_1, %select_n3A : vector<16x512xi1>, vector<16x512xf32>
    %select_n3A_37 = arith.select %eq3A_35, %get3A_4, %select_n3A_27 : vector<16x512xi1>, vector<16x512xi32>
    %and3A_38 = arith.constant 4 : i32
    %and3A_39 = vector.broadcast %and3A_38 : i32 to vector<1x512xi32>
    %and3A_40 = arith.andi %iota3A, %and3A_39 : vector<1x512xi32>
    %eq3A_41 = arith.constant 0 : i32
    %eq3A_42 = vector.broadcast %eq3A_41 : i32 to vector<1x512xi32>
    %eq3A_43 = arith.cmpi eq, %and3A_40, %eq3A_42 : vector<1x512xi32>
    %and3A_44 = arith.constant 2 : i32
    %and3A_45 = vector.broadcast %and3A_44 : i32 to vector<1x512xi32>
    %and3A_46 = arith.andi %iota3A, %and3A_45 : vector<1x512xi32>
    %ne3A_47 = arith.constant 0 : i32
    %ne3A_48 = vector.broadcast %ne3A_47 : i32 to vector<1x512xi32>
    %ne3A_49 = arith.cmpi ne, %and3A_46, %ne3A_48 : vector<1x512xi32>
    %slice3A_50 = vector.extract_strided_slice %select_n3A_36 {offsets = [0, 510], sizes = [16, 2], strides = [1, 1]} : vector<16x512xf32> to vector<16x2xf32>
    %slice3A_51 = vector.extract_strided_slice %select_n3A_36 {offsets = [0, 0], sizes = [16, 510], strides = [1, 1]} : vector<16x512xf32> to vector<16x510xf32>
    %concatenate3A_52 = tpu.concatenate %slice3A_50, %slice3A_51 in 1 : vector<16x2xf32>, vector<16x510xf32> -> vector<16x512xf32>
    %slice3A_53 = vector.extract_strided_slice %select_n3A_36 {offsets = [0, 2], sizes = [16, 510], strides = [1, 1]} : vector<16x512xf32> to vector<16x510xf32>
    %slice3A_54 = vector.extract_strided_slice %select_n3A_36 {offsets = [0, 0], sizes = [16, 2], strides = [1, 1]} : vector<16x512xf32> to vector<16x2xf32>
    %concatenate3A_55 = tpu.concatenate %slice3A_53, %slice3A_54 in 1 : vector<16x510xf32>, vector<16x2xf32> -> vector<16x512xf32>
    %broadcast_in_dim3A_56 = vector.shape_cast %ne3A_49 : vector<1x512xi1> to vector<1x512xi1>
    %broadcast_in_dim3A_57 = vector.broadcast %broadcast_in_dim3A_56 : vector<1x512xi1> to vector<16x512xi1>
    %select_n3A_58 = arith.select %broadcast_in_dim3A_57, %concatenate3A_52, %concatenate3A_55 : vector<16x512xi1>, vector<16x512xf32>
    %slice3A_59 = vector.extract_strided_slice %select_n3A_37 {offsets = [0, 510], sizes = [16, 2], strides = [1, 1]} : vector<16x512xi32> to vector<16x2xi32>
    %slice3A_60 = vector.extract_strided_slice %select_n3A_37 {offsets = [0, 0], sizes = [16, 510], strides = [1, 1]} : vector<16x512xi32> to vector<16x510xi32>
    %concatenate3A_61 = tpu.concatenate %slice3A_59, %slice3A_60 in 1 : vector<16x2xi32>, vector<16x510xi32> -> vector<16x512xi32>
    %slice3A_62 = vector.extract_strided_slice %select_n3A_37 {offsets = [0, 2], sizes = [16, 510], strides = [1, 1]} : vector<16x512xi32> to vector<16x510xi32>
    %slice3A_63 = vector.extract_strided_slice %select_n3A_37 {offsets = [0, 0], sizes = [16, 2], strides = [1, 1]} : vector<16x512xi32> to vector<16x2xi32>
    %concatenate3A_64 = tpu.concatenate %slice3A_62, %slice3A_63 in 1 : vector<16x510xi32>, vector<16x2xi32> -> vector<16x512xi32>
    %broadcast_in_dim3A_65 = vector.shape_cast %ne3A_49 : vector<1x512xi1> to vector<1x512xi1>
    %broadcast_in_dim3A_66 = vector.broadcast %broadcast_in_dim3A_65 : vector<1x512xi1> to vector<16x512xi1>
    %select_n3A_67 = arith.select %broadcast_in_dim3A_66, %concatenate3A_61, %concatenate3A_64 : vector<16x512xi1>, vector<16x512xi32>
    %gt3A_68 = arith.cmpf ogt, %select_n3A_36, %select_n3A_58 : vector<16x512xf32>
    %eq3A_69 = arith.cmpf oeq, %select_n3A_36, %select_n3A_58 : vector<16x512xf32>
    %lt3A_70 = arith.cmpi slt, %select_n3A_37, %select_n3A_67 : vector<16x512xi32>
    %and3A_71 = arith.andi %eq3A_69, %lt3A_70 : vector<16x512xi1>
    %or3A_72 = arith.ori %gt3A_68, %and3A_71 : vector<16x512xi1>
    %ne3A_73 = arith.xori %eq3A_43, %ne3A_49 : vector<1x512xi1>
    %eq3A_74 = vector.broadcast %ne3A_73 : vector<1x512xi1> to vector<16x512xi1>
    %eq3A_75 = vector.broadcast %eq3A_74 : vector<16x512xi1> to vector<16x512xi1>
    %eq3A_76 = arith.xori %eq3A_75, %or3A_72 : vector<16x512xi1>
    %eq3A_77 = arith.constant dense<true> : vector<16x512xi1>
    %eq3A_78 = arith.xori %eq3A_76, %eq3A_77 : vector<16x512xi1>
    %select_n3A_79 = arith.select %eq3A_78, %select_n3A_36, %select_n3A_58 : vector<16x512xi1>, vector<16x512xf32>
    %select_n3A_80 = arith.select %eq3A_78, %select_n3A_37, %select_n3A_67 : vector<16x512xi1>, vector<16x512xi32>
    %and3A_81 = arith.constant 1 : i32
    %and3A_82 = vector.broadcast %and3A_81 : i32 to vector<1x512xi32>
    %and3A_83 = arith.andi %iota3A, %and3A_82 : vector<1x512xi32>
    %ne3A_84 = arith.constant 0 : i32
    %ne3A_85 = vector.broadcast %ne3A_84 : i32 to vector<1x512xi32>
    %ne3A_86 = arith.cmpi ne, %and3A_83, %ne3A_85 : vector<1x512xi32>
    %slice3A_87 = vector.extract_strided_slice %select_n3A_79 {offsets = [0, 511], sizes = [16, 1], strides = [1, 1]} : vector<16x512xf32> to vector<16x1xf32>
    %slice3A_88 = vector.extract_strided_slice %select_n3A_79 {offsets = [0, 0], sizes = [16, 511], strides = [1, 1]} : vector<16x512xf32> to vector<16x511xf32>
    %concatenate3A_89 = tpu.concatenate %slice3A_87, %slice3A_88 in 1 : vector<16x1xf32>, vector<16x511xf32> -> vector<16x512xf32>
    %slice3A_90 = vector.extract_strided_slice %select_n3A_79 {offsets = [0, 1], sizes = [16, 511], strides = [1, 1]} : vector<16x512xf32> to vector<16x511xf32>
    %slice3A_91 = vector.extract_strided_slice %select_n3A_79 {offsets = [0, 0], sizes = [16, 1], strides = [1, 1]} : vector<16x512xf32> to vector<16x1xf32>
    %concatenate3A_92 = tpu.concatenate %slice3A_90, %slice3A_91 in 1 : vector<16x511xf32>, vector<16x1xf32> -> vector<16x512xf32>
    %broadcast_in_dim3A_93 = vector.shape_cast %ne3A_86 : vector<1x512xi1> to vector<1x512xi1>
    %broadcast_in_dim3A_94 = vector.broadcast %broadcast_in_dim3A_93 : vector<1x512xi1> to vector<16x512xi1>
    %select_n3A_95 = arith.select %broadcast_in_dim3A_94, %concatenate3A_89, %concatenate3A_92 : vector<16x512xi1>, vector<16x512xf32>
    %slice3A_96 = vector.extract_strided_slice %select_n3A_80 {offsets = [0, 511], sizes = [16, 1], strides = [1, 1]} : vector<16x512xi32> to vector<16x1xi32>
    %slice3A_97 = vector.extract_strided_slice %select_n3A_80 {offsets = [0, 0], sizes = [16, 511], strides = [1, 1]} : vector<16x512xi32> to vector<16x511xi32>
    %concatenate3A_98 = tpu.concatenate %slice3A_96, %slice3A_97 in 1 : vector<16x1xi32>, vector<16x511xi32> -> vector<16x512xi32>
    %slice3A_99 = vector.extract_strided_slice %select_n3A_80 {offsets = [0, 1], sizes = [16, 511], strides = [1, 1]} : vector<16x512xi32> to vector<16x511xi32>
    %slice3A_100 = vector.extract_strided_slice %select_n3A_80 {offsets = [0, 0], sizes = [16, 1], strides = [1, 1]} : vector<16x512xi32> to vector<16x1xi32>
    %concatenate3A_101 = tpu.concatenate %slice3A_99, %slice3A_100 in 1 : vector<16x511xi32>, vector<16x1xi32> -> vector<16x512xi32>
    %broadcast_in_dim3A_102 = vector.shape_cast %ne3A_86 : vector<1x512xi1> to vector<1x512xi1>
    %broadcast_in_dim3A_103 = vector.broadcast %broadcast_in_dim3A_102 : vector<1x512xi1> to vector<16x512xi1>
    %select_n3A_104 = arith.select %broadcast_in_dim3A_103, %concatenate3A_98, %concatenate3A_101 : vector<16x512xi1>, vector<16x512xi32>
    %gt3A_105 = arith.cmpf ogt, %select_n3A_79, %select_n3A_95 : vector<16x512xf32>
    %eq3A_106 = arith.cmpf oeq, %select_n3A_79, %select_n3A_95 : vector<16x512xf32>
    %lt3A_107 = arith.cmpi slt, %select_n3A_80, %select_n3A_104 : vector<16x512xi32>
    %and3A_108 = arith.andi %eq3A_106, %lt3A_107 : vector<16x512xi1>
    %or3A_109 = arith.ori %gt3A_105, %and3A_108 : vector<16x512xi1>
    %ne3A_110 = arith.xori %eq3A_43, %ne3A_86 : vector<1x512xi1>
    %eq3A_111 = vector.broadcast %ne3A_110 : vector<1x512xi1> to vector<16x512xi1>
    %eq3A_112 = vector.broadcast %eq3A_111 : vector<16x512xi1> to vector<16x512xi1>
    %eq3A_113 = arith.xori %eq3A_112, %or3A_109 : vector<16x512xi1>
    %eq3A_114 = arith.constant dense<true> : vector<16x512xi1>
    %eq3A_115 = arith.xori %eq3A_113, %eq3A_114 : vector<16x512xi1>
    %select_n3A_116 = arith.select %eq3A_115, %select_n3A_79, %select_n3A_95 : vector<16x512xi1>, vector<16x512xf32>
    %select_n3A_117 = arith.select %eq3A_115, %select_n3A_80, %select_n3A_104 : vector<16x512xi1>, vector<16x512xi32>
    %and3A_118 = arith.constant 8 : i32
    %and3A_119 = vector.broadcast %and3A_118 : i32 to vector<1x512xi32>
    %and3A_120 = arith.andi %iota3A, %and3A_119 : vector<1x512xi32>
    %eq3A_121 = arith.constant 0 : i32
    %eq3A_122 = vector.broadcast %eq3A_121 : i32 to vector<1x512xi32>
    %eq3A_123 = arith.cmpi eq, %and3A_120, %eq3A_122 : vector<1x512xi32>
    %and3A_124 = arith.constant 4 : i32
    %and3A_125 = vector.broadcast %and3A_124 : i32 to vector<1x512xi32>
    %and3A_126 = arith.andi %iota3A, %and3A_125 : vector<1x512xi32>
    %ne3A_127 = arith.constant 0 : i32
    %ne3A_128 = vector.broadcast %ne3A_127 : i32 to vector<1x512xi32>
    %ne3A_129 = arith.cmpi ne, %and3A_126, %ne3A_128 : vector<1x512xi32>
    %slice3A_130 = vector.extract_strided_slice %select_n3A_116 {offsets = [0, 508], sizes = [16, 4], strides = [1, 1]} : vector<16x512xf32> to vector<16x4xf32>
    %slice3A_131 = vector.extract_strided_slice %select_n3A_116 {offsets = [0, 0], sizes = [16, 508], strides = [1, 1]} : vector<16x512xf32> to vector<16x508xf32>
    %concatenate3A_132 = tpu.concatenate %slice3A_130, %slice3A_131 in 1 : vector<16x4xf32>, vector<16x508xf32> -> vector<16x512xf32>
    %slice3A_133 = vector.extract_strided_slice %select_n3A_116 {offsets = [0, 4], sizes = [16, 508], strides = [1, 1]} : vector<16x512xf32> to vector<16x508xf32>
    %slice3A_134 = vector.extract_strided_slice %select_n3A_116 {offsets = [0, 0], sizes = [16, 4], strides = [1, 1]} : vector<16x512xf32> to vector<16x4xf32>
    %concatenate3A_135 = tpu.concatenate %slice3A_133, %slice3A_134 in 1 : vector<16x508xf32>, vector<16x4xf32> -> vector<16x512xf32>
    %broadcast_in_dim3A_136 = vector.shape_cast %ne3A_129 : vector<1x512xi1> to vector<1x512xi1>
    %broadcast_in_dim3A_137 = vector.broadcast %broadcast_in_dim3A_136 : vector<1x512xi1> to vector<16x512xi1>
    %select_n3A_138 = arith.select %broadcast_in_dim3A_137, %concatenate3A_132, %concatenate3A_135 : vector<16x512xi1>, vector<16x512xf32>
    %slice3A_139 = vector.extract_strided_slice %select_n3A_117 {offsets = [0, 508], sizes = [16, 4], strides = [1, 1]} : vector<16x512xi32> to vector<16x4xi32>
    %slice3A_140 = vector.extract_strided_slice %select_n3A_117 {offsets = [0, 0], sizes = [16, 508], strides = [1, 1]} : vector<16x512xi32> to vector<16x508xi32>
    %concatenate3A_141 = tpu.concatenate %slice3A_139, %slice3A_140 in 1 : vector<16x4xi32>, vector<16x508xi32> -> vector<16x512xi32>
    %slice3A_142 = vector.extract_strided_slice %select_n3A_117 {offsets = [0, 4], sizes = [16, 508], strides = [1, 1]} : vector<16x512xi32> to vector<16x508xi32>
    %slice3A_143 = vector.extract_strided_slice %select_n3A_117 {offsets = [0, 0], sizes = [16, 4], strides = [1, 1]} : vector<16x512xi32> to vector<16x4xi32>
    %concatenate3A_144 = tpu.concatenate %slice3A_142, %slice3A_143 in 1 : vector<16x508xi32>, vector<16x4xi32> -> vector<16x512xi32>
    %broadcast_in_dim3A_145 = vector.shape_cast %ne3A_129 : vector<1x512xi1> to vector<1x512xi1>
    %broadcast_in_dim3A_146 = vector.broadcast %broadcast_in_dim3A_145 : vector<1x512xi1> to vector<16x512xi1>
    %select_n3A_147 = arith.select %broadcast_in_dim3A_146, %concatenate3A_141, %concatenate3A_144 : vector<16x512xi1>, vector<16x512xi32>
    %gt3A_148 = arith.cmpf ogt, %select_n3A_116, %select_n3A_138 : vector<16x512xf32>
    %eq3A_149 = arith.cmpf oeq, %select_n3A_116, %select_n3A_138 : vector<16x512xf32>
    %lt3A_150 = arith.cmpi slt, %select_n3A_117, %select_n3A_147 : vector<16x512xi32>
    %and3A_151 = arith.andi %eq3A_149, %lt3A_150 : vector<16x512xi1>
    %or3A_152 = arith.ori %gt3A_148, %and3A_151 : vector<16x512xi1>
    %ne3A_153 = arith.xori %eq3A_123, %ne3A_129 : vector<1x512xi1>
    %eq3A_154 = vector.broadcast %ne3A_153 : vector<1x512xi1> to vector<16x512xi1>
    %eq3A_155 = vector.broadcast %eq3A_154 : vector<16x512xi1> to vector<16x512xi1>
    %eq3A_156 = arith.xori %eq3A_155, %or3A_152 : vector<16x512xi1>
    %eq3A_157 = arith.constant dense<true> : vector<16x512xi1>
    %eq3A_158 = arith.xori %eq3A_156, %eq3A_157 : vector<16x512xi1>
    %select_n3A_159 = arith.select %eq3A_158, %select_n3A_116, %select_n3A_138 : vector<16x512xi1>, vector<16x512xf32>
    %select_n3A_160 = arith.select %eq3A_158, %select_n3A_117, %select_n3A_147 : vector<16x512xi1>, vector<16x512xi32>
    %and3A_161 = arith.constant 2 : i32
    %and3A_162 = vector.broadcast %and3A_161 : i32 to vector<1x512xi32>
    %and3A_163 = arith.andi %iota3A, %and3A_162 : vector<1x512xi32>
    %ne3A_164 = arith.constant 0 : i32
    %ne3A_165 = vector.broadcast %ne3A_164 : i32 to vector<1x512xi32>
    %ne3A_166 = arith.cmpi ne, %and3A_163, %ne3A_165 : vector<1x512xi32>
    %slice3A_167 = vector.extract_strided_slice %select_n3A_159 {offsets = [0, 510], sizes = [16, 2], strides = [1, 1]} : vector<16x512xf32> to vector<16x2xf32>
    %slice3A_168 = vector.extract_strided_slice %select_n3A_159 {offsets = [0, 0], sizes = [16, 510], strides = [1, 1]} : vector<16x512xf32> to vector<16x510xf32>
    %concatenate3A_169 = tpu.concatenate %slice3A_167, %slice3A_168 in 1 : vector<16x2xf32>, vector<16x510xf32> -> vector<16x512xf32>
    %slice3A_170 = vector.extract_strided_slice %select_n3A_159 {offsets = [0, 2], sizes = [16, 510], strides = [1, 1]} : vector<16x512xf32> to vector<16x510xf32>
    %slice3A_171 = vector.extract_strided_slice %select_n3A_159 {offsets = [0, 0], sizes = [16, 2], strides = [1, 1]} : vector<16x512xf32> to vector<16x2xf32>
    %concatenate3A_172 = tpu.concatenate %slice3A_170, %slice3A_171 in 1 : vector<16x510xf32>, vector<16x2xf32> -> vector<16x512xf32>
    %broadcast_in_dim3A_173 = vector.shape_cast %ne3A_166 : vector<1x512xi1> to vector<1x512xi1>
    %broadcast_in_dim3A_174 = vector.broadcast %broadcast_in_dim3A_173 : vector<1x512xi1> to vector<16x512xi1>
    %select_n3A_175 = arith.select %broadcast_in_dim3A_174, %concatenate3A_169, %concatenate3A_172 : vector<16x512xi1>, vector<16x512xf32>
    %slice3A_176 = vector.extract_strided_slice %select_n3A_160 {offsets = [0, 510], sizes = [16, 2], strides = [1, 1]} : vector<16x512xi32> to vector<16x2xi32>
    %slice3A_177 = vector.extract_strided_slice %select_n3A_160 {offsets = [0, 0], sizes = [16, 510], strides = [1, 1]} : vector<16x512xi32> to vector<16x510xi32>
    %concatenate3A_178 = tpu.concatenate %slice3A_176, %slice3A_177 in 1 : vector<16x2xi32>, vector<16x510xi32> -> vector<16x512xi32>
    %slice3A_179 = vector.extract_strided_slice %select_n3A_160 {offsets = [0, 2], sizes = [16, 510], strides = [1, 1]} : vector<16x512xi32> to vector<16x510xi32>
    %slice3A_180 = vector.extract_strided_slice %select_n3A_160 {offsets = [0, 0], sizes = [16, 2], strides = [1, 1]} : vector<16x512xi32> to vector<16x2xi32>
    %concatenate3A_181 = tpu.concatenate %slice3A_179, %slice3A_180 in 1 : vector<16x510xi32>, vector<16x2xi32> -> vector<16x512xi32>
    %broadcast_in_dim3A_182 = vector.shape_cast %ne3A_166 : vector<1x512xi1> to vector<1x512xi1>
    %broadcast_in_dim3A_183 = vector.broadcast %broadcast_in_dim3A_182 : vector<1x512xi1> to vector<16x512xi1>
    %select_n3A_184 = arith.select %broadcast_in_dim3A_183, %concatenate3A_178, %concatenate3A_181 : vector<16x512xi1>, vector<16x512xi32>
    %gt3A_185 = arith.cmpf ogt, %select_n3A_159, %select_n3A_175 : vector<16x512xf32>
    %eq3A_186 = arith.cmpf oeq, %select_n3A_159, %select_n3A_175 : vector<16x512xf32>
    %lt3A_187 = arith.cmpi slt, %select_n3A_160, %select_n3A_184 : vector<16x512xi32>
    %and3A_188 = arith.andi %eq3A_186, %lt3A_187 : vector<16x512xi1>
    %or3A_189 = arith.ori %gt3A_185, %and3A_188 : vector<16x512xi1>
    %ne3A_190 = arith.xori %eq3A_123, %ne3A_166 : vector<1x512xi1>
    %eq3A_191 = vector.broadcast %ne3A_190 : vector<1x512xi1> to vector<16x512xi1>
    %eq3A_192 = vector.broadcast %eq3A_191 : vector<16x512xi1> to vector<16x512xi1>
    %eq3A_193 = arith.xori %eq3A_192, %or3A_189 : vector<16x512xi1>
    %eq3A_194 = arith.constant dense<true> : vector<16x512xi1>
    %eq3A_195 = arith.xori %eq3A_193, %eq3A_194 : vector<16x512xi1>
    %select_n3A_196 = arith.select %eq3A_195, %select_n3A_159, %select_n3A_175 : vector<16x512xi1>, vector<16x512xf32>
    %select_n3A_197 = arith.select %eq3A_195, %select_n3A_160, %select_n3A_184 : vector<16x512xi1>, vector<16x512xi32>
    %and3A_198 = arith.constant 1 : i32
    %and3A_199 = vector.broadcast %and3A_198 : i32 to vector<1x512xi32>
    %and3A_200 = arith.andi %iota3A, %and3A_199 : vector<1x512xi32>
    %ne3A_201 = arith.constant 0 : i32
    %ne3A_202 = vector.broadcast %ne3A_201 : i32 to vector<1x512xi32>
    %ne3A_203 = arith.cmpi ne, %and3A_200, %ne3A_202 : vector<1x512xi32>
    %slice3A_204 = vector.extract_strided_slice %select_n3A_196 {offsets = [0, 511], sizes = [16, 1], strides = [1, 1]} : vector<16x512xf32> to vector<16x1xf32>
    %slice3A_205 = vector.extract_strided_slice %select_n3A_196 {offsets = [0, 0], sizes = [16, 511], strides = [1, 1]} : vector<16x512xf32> to vector<16x511xf32>
    %concatenate3A_206 = tpu.concatenate %slice3A_204, %slice3A_205 in 1 : vector<16x1xf32>, vector<16x511xf32> -> vector<16x512xf32>
    %slice3A_207 = vector.extract_strided_slice %select_n3A_196 {offsets = [0, 1], sizes = [16, 511], strides = [1, 1]} : vector<16x512xf32> to vector<16x511xf32>
    %slice3A_208 = vector.extract_strided_slice %select_n3A_196 {offsets = [0, 0], sizes = [16, 1], strides = [1, 1]} : vector<16x512xf32> to vector<16x1xf32>
    %concatenate3A_209 = tpu.concatenate %slice3A_207, %slice3A_208 in 1 : vector<16x511xf32>, vector<16x1xf32> -> vector<16x512xf32>
    %broadcast_in_dim3A_210 = vector.shape_cast %ne3A_203 : vector<1x512xi1> to vector<1x512xi1>
    %broadcast_in_dim3A_211 = vector.broadcast %broadcast_in_dim3A_210 : vector<1x512xi1> to vector<16x512xi1>
    %select_n3A_212 = arith.select %broadcast_in_dim3A_211, %concatenate3A_206, %concatenate3A_209 : vector<16x512xi1>, vector<16x512xf32>
    %slice3A_213 = vector.extract_strided_slice %select_n3A_197 {offsets = [0, 511], sizes = [16, 1], strides = [1, 1]} : vector<16x512xi32> to vector<16x1xi32>
    %slice3A_214 = vector.extract_strided_slice %select_n3A_197 {offsets = [0, 0], sizes = [16, 511], strides = [1, 1]} : vector<16x512xi32> to vector<16x511xi32>
    %concatenate3A_215 = tpu.concatenate %slice3A_213, %slice3A_214 in 1 : vector<16x1xi32>, vector<16x511xi32> -> vector<16x512xi32>
    %slice3A_216 = vector.extract_strided_slice %select_n3A_197 {offsets = [0, 1], sizes = [16, 511], strides = [1, 1]} : vector<16x512xi32> to vector<16x511xi32>
    %slice3A_217 = vector.extract_strided_slice %select_n3A_197 {offsets = [0, 0], sizes = [16, 1], strides = [1, 1]} : vector<16x512xi32> to vector<16x1xi32>
    %concatenate3A_218 = tpu.concatenate %slice3A_216, %slice3A_217 in 1 : vector<16x511xi32>, vector<16x1xi32> -> vector<16x512xi32>
    %broadcast_in_dim3A_219 = vector.shape_cast %ne3A_203 : vector<1x512xi1> to vector<1x512xi1>
    %broadcast_in_dim3A_220 = vector.broadcast %broadcast_in_dim3A_219 : vector<1x512xi1> to vector<16x512xi1>
    %select_n3A_221 = arith.select %broadcast_in_dim3A_220, %concatenate3A_215, %concatenate3A_218 : vector<16x512xi1>, vector<16x512xi32>
    %gt3A_222 = arith.cmpf ogt, %select_n3A_196, %select_n3A_212 : vector<16x512xf32>
    %eq3A_223 = arith.cmpf oeq, %select_n3A_196, %select_n3A_212 : vector<16x512xf32>
    %lt3A_224 = arith.cmpi slt, %select_n3A_197, %select_n3A_221 : vector<16x512xi32>
    %and3A_225 = arith.andi %eq3A_223, %lt3A_224 : vector<16x512xi1>
    %or3A_226 = arith.ori %gt3A_222, %and3A_225 : vector<16x512xi1>
    %ne3A_227 = arith.xori %eq3A_123, %ne3A_203 : vector<1x512xi1>
    %eq3A_228 = vector.broadcast %ne3A_227 : vector<1x512xi1> to vector<16x512xi1>
    %eq3A_229 = vector.broadcast %eq3A_228 : vector<16x512xi1> to vector<16x512xi1>
    %eq3A_230 = arith.xori %eq3A_229, %or3A_226 : vector<16x512xi1>
    %eq3A_231 = arith.constant dense<true> : vector<16x512xi1>
    %eq3A_232 = arith.xori %eq3A_230, %eq3A_231 : vector<16x512xi1>
    %select_n3A_233 = arith.select %eq3A_232, %select_n3A_196, %select_n3A_212 : vector<16x512xi1>, vector<16x512xf32>
    %select_n3A_234 = arith.select %eq3A_232, %select_n3A_197, %select_n3A_221 : vector<16x512xi1>, vector<16x512xi32>
    %and3A_235 = arith.constant 16 : i32
    %and3A_236 = vector.broadcast %and3A_235 : i32 to vector<1x512xi32>
    %and3A_237 = arith.andi %iota3A, %and3A_236 : vector<1x512xi32>
    %eq3A_238 = arith.constant 0 : i32
    %eq3A_239 = vector.broadcast %eq3A_238 : i32 to vector<1x512xi32>
    %eq3A_240 = arith.cmpi eq, %and3A_237, %eq3A_239 : vector<1x512xi32>
    %and3A_241 = arith.constant 8 : i32
    %and3A_242 = vector.broadcast %and3A_241 : i32 to vector<1x512xi32>
    %and3A_243 = arith.andi %iota3A, %and3A_242 : vector<1x512xi32>
    %ne3A_244 = arith.constant 0 : i32
    %ne3A_245 = vector.broadcast %ne3A_244 : i32 to vector<1x512xi32>
    %ne3A_246 = arith.cmpi ne, %and3A_243, %ne3A_245 : vector<1x512xi32>
    %slice3A_247 = vector.extract_strided_slice %select_n3A_233 {offsets = [0, 504], sizes = [16, 8], strides = [1, 1]} : vector<16x512xf32> to vector<16x8xf32>
    %slice3A_248 = vector.extract_strided_slice %select_n3A_233 {offsets = [0, 0], sizes = [16, 504], strides = [1, 1]} : vector<16x512xf32> to vector<16x504xf32>
    %concatenate3A_249 = tpu.concatenate %slice3A_247, %slice3A_248 in 1 : vector<16x8xf32>, vector<16x504xf32> -> vector<16x512xf32>
    %slice3A_250 = vector.extract_strided_slice %select_n3A_233 {offsets = [0, 8], sizes = [16, 504], strides = [1, 1]} : vector<16x512xf32> to vector<16x504xf32>
    %slice3A_251 = vector.extract_strided_slice %select_n3A_233 {offsets = [0, 0], sizes = [16, 8], strides = [1, 1]} : vector<16x512xf32> to vector<16x8xf32>
    %concatenate3A_252 = tpu.concatenate %slice3A_250, %slice3A_251 in 1 : vector<16x504xf32>, vector<16x8xf32> -> vector<16x512xf32>
    %broadcast_in_dim3A_253 = vector.shape_cast %ne3A_246 : vector<1x512xi1> to vector<1x512xi1>
    %broadcast_in_dim3A_254 = vector.broadcast %broadcast_in_dim3A_253 : vector<1x512xi1> to vector<16x512xi1>
    %select_n3A_255 = arith.select %broadcast_in_dim3A_254, %concatenate3A_249, %concatenate3A_252 : vector<16x512xi1>, vector<16x512xf32>
    %slice3A_256 = vector.extract_strided_slice %select_n3A_234 {offsets = [0, 504], sizes = [16, 8], strides = [1, 1]} : vector<16x512xi32> to vector<16x8xi32>
    %slice3A_257 = vector.extract_strided_slice %select_n3A_234 {offsets = [0, 0], sizes = [16, 504], strides = [1, 1]} : vector<16x512xi32> to vector<16x504xi32>
    %concatenate3A_258 = tpu.concatenate %slice3A_256, %slice3A_257 in 1 : vector<16x8xi32>, vector<16x504xi32> -> vector<16x512xi32>
    %slice3A_259 = vector.extract_strided_slice %select_n3A_234 {offsets = [0, 8], sizes = [16, 504], strides = [1, 1]} : vector<16x512xi32> to vector<16x504xi32>
    %slice3A_260 = vector.extract_strided_slice %select_n3A_234 {offsets = [0, 0], sizes = [16, 8], strides = [1, 1]} : vector<16x512xi32> to vector<16x8xi32>
    %concatenate3A_261 = tpu.concatenate %slice3A_259, %slice3A_260 in 1 : vector<16x504xi32>, vector<16x8xi32> -> vector<16x512xi32>
    %broadcast_in_dim3A_262 = vector.shape_cast %ne3A_246 : vector<1x512xi1> to vector<1x512xi1>
    %broadcast_in_dim3A_263 = vector.broadcast %broadcast_in_dim3A_262 : vector<1x512xi1> to vector<16x512xi1>
    %select_n3A_264 = arith.select %broadcast_in_dim3A_263, %concatenate3A_258, %concatenate3A_261 : vector<16x512xi1>, vector<16x512xi32>
    %gt3A_265 = arith.cmpf ogt, %select_n3A_233, %select_n3A_255 : vector<16x512xf32>
    %eq3A_266 = arith.cmpf oeq, %select_n3A_233, %select_n3A_255 : vector<16x512xf32>
    %lt3A_267 = arith.cmpi slt, %select_n3A_234, %select_n3A_264 : vector<16x512xi32>
    %and3A_268 = arith.andi %eq3A_266, %lt3A_267 : vector<16x512xi1>
    %or3A_269 = arith.ori %gt3A_265, %and3A_268 : vector<16x512xi1>
    %ne3A_270 = arith.xori %eq3A_240, %ne3A_246 : vector<1x512xi1>
    %eq3A_271 = vector.broadcast %ne3A_270 : vector<1x512xi1> to vector<16x512xi1>
    %eq3A_272 = vector.broadcast %eq3A_271 : vector<16x512xi1> to vector<16x512xi1>
    %eq3A_273 = arith.xori %eq3A_272, %or3A_269 : vector<16x512xi1>
    %eq3A_274 = arith.constant dense<true> : vector<16x512xi1>
    %eq3A_275 = arith.xori %eq3A_273, %eq3A_274 : vector<16x512xi1>
    %select_n3A_276 = arith.select %eq3A_275, %select_n3A_233, %select_n3A_255 : vector<16x512xi1>, vector<16x512xf32>
    %select_n3A_277 = arith.select %eq3A_275, %select_n3A_234, %select_n3A_264 : vector<16x512xi1>, vector<16x512xi32>
    %and3A_278 = arith.constant 4 : i32
    %and3A_279 = vector.broadcast %and3A_278 : i32 to vector<1x512xi32>
    %and3A_280 = arith.andi %iota3A, %and3A_279 : vector<1x512xi32>
    %ne3A_281 = arith.constant 0 : i32
    %ne3A_282 = vector.broadcast %ne3A_281 : i32 to vector<1x512xi32>
    %ne3A_283 = arith.cmpi ne, %and3A_280, %ne3A_282 : vector<1x512xi32>
    %slice3A_284 = vector.extract_strided_slice %select_n3A_276 {offsets = [0, 508], sizes = [16, 4], strides = [1, 1]} : vector<16x512xf32> to vector<16x4xf32>
    %slice3A_285 = vector.extract_strided_slice %select_n3A_276 {offsets = [0, 0], sizes = [16, 508], strides = [1, 1]} : vector<16x512xf32> to vector<16x508xf32>
    %concatenate3A_286 = tpu.concatenate %slice3A_284, %slice3A_285 in 1 : vector<16x4xf32>, vector<16x508xf32> -> vector<16x512xf32>
    %slice3A_287 = vector.extract_strided_slice %select_n3A_276 {offsets = [0, 4], sizes = [16, 508], strides = [1, 1]} : vector<16x512xf32> to vector<16x508xf32>
    %slice3A_288 = vector.extract_strided_slice %select_n3A_276 {offsets = [0, 0], sizes = [16, 4], strides = [1, 1]} : vector<16x512xf32> to vector<16x4xf32>
    %concatenate3A_289 = tpu.concatenate %slice3A_287, %slice3A_288 in 1 : vector<16x508xf32>, vector<16x4xf32> -> vector<16x512xf32>
    %broadcast_in_dim3A_290 = vector.shape_cast %ne3A_283 : vector<1x512xi1> to vector<1x512xi1>
    %broadcast_in_dim3A_291 = vector.broadcast %broadcast_in_dim3A_290 : vector<1x512xi1> to vector<16x512xi1>
    %select_n3A_292 = arith.select %broadcast_in_dim3A_291, %concatenate3A_286, %concatenate3A_289 : vector<16x512xi1>, vector<16x512xf32>
    %slice3A_293 = vector.extract_strided_slice %select_n3A_277 {offsets = [0, 508], sizes = [16, 4], strides = [1, 1]} : vector<16x512xi32> to vector<16x4xi32>
    %slice3A_294 = vector.extract_strided_slice %select_n3A_277 {offsets = [0, 0], sizes = [16, 508], strides = [1, 1]} : vector<16x512xi32> to vector<16x508xi32>
    %concatenate3A_295 = tpu.concatenate %slice3A_293, %slice3A_294 in 1 : vector<16x4xi32>, vector<16x508xi32> -> vector<16x512xi32>
    %slice3A_296 = vector.extract_strided_slice %select_n3A_277 {offsets = [0, 4], sizes = [16, 508], strides = [1, 1]} : vector<16x512xi32> to vector<16x508xi32>
    %slice3A_297 = vector.extract_strided_slice %select_n3A_277 {offsets = [0, 0], sizes = [16, 4], strides = [1, 1]} : vector<16x512xi32> to vector<16x4xi32>
    %concatenate3A_298 = tpu.concatenate %slice3A_296, %slice3A_297 in 1 : vector<16x508xi32>, vector<16x4xi32> -> vector<16x512xi32>
    %broadcast_in_dim3A_299 = vector.shape_cast %ne3A_283 : vector<1x512xi1> to vector<1x512xi1>
    %broadcast_in_dim3A_300 = vector.broadcast %broadcast_in_dim3A_299 : vector<1x512xi1> to vector<16x512xi1>
    %select_n3A_301 = arith.select %broadcast_in_dim3A_300, %concatenate3A_295, %concatenate3A_298 : vector<16x512xi1>, vector<16x512xi32>
    %gt3A_302 = arith.cmpf ogt, %select_n3A_276, %select_n3A_292 : vector<16x512xf32>
    %eq3A_303 = arith.cmpf oeq, %select_n3A_276, %select_n3A_292 : vector<16x512xf32>
    %lt3A_304 = arith.cmpi slt, %select_n3A_277, %select_n3A_301 : vector<16x512xi32>
    %and3A_305 = arith.andi %eq3A_303, %lt3A_304 : vector<16x512xi1>
    %or3A_306 = arith.ori %gt3A_302, %and3A_305 : vector<16x512xi1>
    %ne3A_307 = arith.xori %eq3A_240, %ne3A_283 : vector<1x512xi1>
    %eq3A_308 = vector.broadcast %ne3A_307 : vector<1x512xi1> to vector<16x512xi1>
    %eq3A_309 = vector.broadcast %eq3A_308 : vector<16x512xi1> to vector<16x512xi1>
    %eq3A_310 = arith.xori %eq3A_309, %or3A_306 : vector<16x512xi1>
    %eq3A_311 = arith.constant dense<true> : vector<16x512xi1>
    %eq3A_312 = arith.xori %eq3A_310, %eq3A_311 : vector<16x512xi1>
    %select_n3A_313 = arith.select %eq3A_312, %select_n3A_276, %select_n3A_292 : vector<16x512xi1>, vector<16x512xf32>
    %select_n3A_314 = arith.select %eq3A_312, %select_n3A_277, %select_n3A_301 : vector<16x512xi1>, vector<16x512xi32>
    %and3A_315 = arith.constant 2 : i32
    %and3A_316 = vector.broadcast %and3A_315 : i32 to vector<1x512xi32>
    %and3A_317 = arith.andi %iota3A, %and3A_316 : vector<1x512xi32>
    %ne3A_318 = arith.constant 0 : i32
    %ne3A_319 = vector.broadcast %ne3A_318 : i32 to vector<1x512xi32>
    %ne3A_320 = arith.cmpi ne, %and3A_317, %ne3A_319 : vector<1x512xi32>
    %slice3A_321 = vector.extract_strided_slice %select_n3A_313 {offsets = [0, 510], sizes = [16, 2], strides = [1, 1]} : vector<16x512xf32> to vector<16x2xf32>
    %slice3A_322 = vector.extract_strided_slice %select_n3A_313 {offsets = [0, 0], sizes = [16, 510], strides = [1, 1]} : vector<16x512xf32> to vector<16x510xf32>
    %concatenate3A_323 = tpu.concatenate %slice3A_321, %slice3A_322 in 1 : vector<16x2xf32>, vector<16x510xf32> -> vector<16x512xf32>
    %slice3A_324 = vector.extract_strided_slice %select_n3A_313 {offsets = [0, 2], sizes = [16, 510], strides = [1, 1]} : vector<16x512xf32> to vector<16x510xf32>
    %slice3A_325 = vector.extract_strided_slice %select_n3A_313 {offsets = [0, 0], sizes = [16, 2], strides = [1, 1]} : vector<16x512xf32> to vector<16x2xf32>
    %concatenate3A_326 = tpu.concatenate %slice3A_324, %slice3A_325 in 1 : vector<16x510xf32>, vector<16x2xf32> -> vector<16x512xf32>
    %broadcast_in_dim3A_327 = vector.shape_cast %ne3A_320 : vector<1x512xi1> to vector<1x512xi1>
    %broadcast_in_dim3A_328 = vector.broadcast %broadcast_in_dim3A_327 : vector<1x512xi1> to vector<16x512xi1>
    %select_n3A_329 = arith.select %broadcast_in_dim3A_328, %concatenate3A_323, %concatenate3A_326 : vector<16x512xi1>, vector<16x512xf32>
    %slice3A_330 = vector.extract_strided_slice %select_n3A_314 {offsets = [0, 510], sizes = [16, 2], strides = [1, 1]} : vector<16x512xi32> to vector<16x2xi32>
    %slice3A_331 = vector.extract_strided_slice %select_n3A_314 {offsets = [0, 0], sizes = [16, 510], strides = [1, 1]} : vector<16x512xi32> to vector<16x510xi32>
    %concatenate3A_332 = tpu.concatenate %slice3A_330, %slice3A_331 in 1 : vector<16x2xi32>, vector<16x510xi32> -> vector<16x512xi32>
    %slice3A_333 = vector.extract_strided_slice %select_n3A_314 {offsets = [0, 2], sizes = [16, 510], strides = [1, 1]} : vector<16x512xi32> to vector<16x510xi32>
    %slice3A_334 = vector.extract_strided_slice %select_n3A_314 {offsets = [0, 0], sizes = [16, 2], strides = [1, 1]} : vector<16x512xi32> to vector<16x2xi32>
    %concatenate3A_335 = tpu.concatenate %slice3A_333, %slice3A_334 in 1 : vector<16x510xi32>, vector<16x2xi32> -> vector<16x512xi32>
    %broadcast_in_dim3A_336 = vector.shape_cast %ne3A_320 : vector<1x512xi1> to vector<1x512xi1>
    %broadcast_in_dim3A_337 = vector.broadcast %broadcast_in_dim3A_336 : vector<1x512xi1> to vector<16x512xi1>
    %select_n3A_338 = arith.select %broadcast_in_dim3A_337, %concatenate3A_332, %concatenate3A_335 : vector<16x512xi1>, vector<16x512xi32>
    %gt3A_339 = arith.cmpf ogt, %select_n3A_313, %select_n3A_329 : vector<16x512xf32>
    %eq3A_340 = arith.cmpf oeq, %select_n3A_313, %select_n3A_329 : vector<16x512xf32>
    %lt3A_341 = arith.cmpi slt, %select_n3A_314, %select_n3A_338 : vector<16x512xi32>
    %and3A_342 = arith.andi %eq3A_340, %lt3A_341 : vector<16x512xi1>
    %or3A_343 = arith.ori %gt3A_339, %and3A_342 : vector<16x512xi1>
    %ne3A_344 = arith.xori %eq3A_240, %ne3A_320 : vector<1x512xi1>
    %eq3A_345 = vector.broadcast %ne3A_344 : vector<1x512xi1> to vector<16x512xi1>
    %eq3A_346 = vector.broadcast %eq3A_345 : vector<16x512xi1> to vector<16x512xi1>
    %eq3A_347 = arith.xori %eq3A_346, %or3A_343 : vector<16x512xi1>
    %eq3A_348 = arith.constant dense<true> : vector<16x512xi1>
    %eq3A_349 = arith.xori %eq3A_347, %eq3A_348 : vector<16x512xi1>
    %select_n3A_350 = arith.select %eq3A_349, %select_n3A_313, %select_n3A_329 : vector<16x512xi1>, vector<16x512xf32>
    %select_n3A_351 = arith.select %eq3A_349, %select_n3A_314, %select_n3A_338 : vector<16x512xi1>, vector<16x512xi32>
    %and3A_352 = arith.constant 1 : i32
    %and3A_353 = vector.broadcast %and3A_352 : i32 to vector<1x512xi32>
    %and3A_354 = arith.andi %iota3A, %and3A_353 : vector<1x512xi32>
    %ne3A_355 = arith.constant 0 : i32
    %ne3A_356 = vector.broadcast %ne3A_355 : i32 to vector<1x512xi32>
    %ne3A_357 = arith.cmpi ne, %and3A_354, %ne3A_356 : vector<1x512xi32>
    %slice3A_358 = vector.extract_strided_slice %select_n3A_350 {offsets = [0, 511], sizes = [16, 1], strides = [1, 1]} : vector<16x512xf32> to vector<16x1xf32>
    %slice3A_359 = vector.extract_strided_slice %select_n3A_350 {offsets = [0, 0], sizes = [16, 511], strides = [1, 1]} : vector<16x512xf32> to vector<16x511xf32>
    %concatenate3A_360 = tpu.concatenate %slice3A_358, %slice3A_359 in 1 : vector<16x1xf32>, vector<16x511xf32> -> vector<16x512xf32>
    %slice3A_361 = vector.extract_strided_slice %select_n3A_350 {offsets = [0, 1], sizes = [16, 511], strides = [1, 1]} : vector<16x512xf32> to vector<16x511xf32>
    %slice3A_362 = vector.extract_strided_slice %select_n3A_350 {offsets = [0, 0], sizes = [16, 1], strides = [1, 1]} : vector<16x512xf32> to vector<16x1xf32>
    %concatenate3A_363 = tpu.concatenate %slice3A_361, %slice3A_362 in 1 : vector<16x511xf32>, vector<16x1xf32> -> vector<16x512xf32>
    %broadcast_in_dim3A_364 = vector.shape_cast %ne3A_357 : vector<1x512xi1> to vector<1x512xi1>
    %broadcast_in_dim3A_365 = vector.broadcast %broadcast_in_dim3A_364 : vector<1x512xi1> to vector<16x512xi1>
    %select_n3A_366 = arith.select %broadcast_in_dim3A_365, %concatenate3A_360, %concatenate3A_363 : vector<16x512xi1>, vector<16x512xf32>
    %slice3A_367 = vector.extract_strided_slice %select_n3A_351 {offsets = [0, 511], sizes = [16, 1], strides = [1, 1]} : vector<16x512xi32> to vector<16x1xi32>
    %slice3A_368 = vector.extract_strided_slice %select_n3A_351 {offsets = [0, 0], sizes = [16, 511], strides = [1, 1]} : vector<16x512xi32> to vector<16x511xi32>
    %concatenate3A_369 = tpu.concatenate %slice3A_367, %slice3A_368 in 1 : vector<16x1xi32>, vector<16x511xi32> -> vector<16x512xi32>
    %slice3A_370 = vector.extract_strided_slice %select_n3A_351 {offsets = [0, 1], sizes = [16, 511], strides = [1, 1]} : vector<16x512xi32> to vector<16x511xi32>
    %slice3A_371 = vector.extract_strided_slice %select_n3A_351 {offsets = [0, 0], sizes = [16, 1], strides = [1, 1]} : vector<16x512xi32> to vector<16x1xi32>
    %concatenate3A_372 = tpu.concatenate %slice3A_370, %slice3A_371 in 1 : vector<16x511xi32>, vector<16x1xi32> -> vector<16x512xi32>
    %broadcast_in_dim3A_373 = vector.shape_cast %ne3A_357 : vector<1x512xi1> to vector<1x512xi1>
    %broadcast_in_dim3A_374 = vector.broadcast %broadcast_in_dim3A_373 : vector<1x512xi1> to vector<16x512xi1>
    %select_n3A_375 = arith.select %broadcast_in_dim3A_374, %concatenate3A_369, %concatenate3A_372 : vector<16x512xi1>, vector<16x512xi32>
    %gt3A_376 = arith.cmpf ogt, %select_n3A_350, %select_n3A_366 : vector<16x512xf32>
    %eq3A_377 = arith.cmpf oeq, %select_n3A_350, %select_n3A_366 : vector<16x512xf32>
    %lt3A_378 = arith.cmpi slt, %select_n3A_351, %select_n3A_375 : vector<16x512xi32>
    %and3A_379 = arith.andi %eq3A_377, %lt3A_378 : vector<16x512xi1>
    %or3A_380 = arith.ori %gt3A_376, %and3A_379 : vector<16x512xi1>
    %ne3A_381 = arith.xori %eq3A_240, %ne3A_357 : vector<1x512xi1>
    %eq3A_382 = vector.broadcast %ne3A_381 : vector<1x512xi1> to vector<16x512xi1>
    %eq3A_383 = vector.broadcast %eq3A_382 : vector<16x512xi1> to vector<16x512xi1>
    %eq3A_384 = arith.xori %eq3A_383, %or3A_380 : vector<16x512xi1>
    %eq3A_385 = arith.constant dense<true> : vector<16x512xi1>
    %eq3A_386 = arith.xori %eq3A_384, %eq3A_385 : vector<16x512xi1>
    %select_n3A_387 = arith.select %eq3A_386, %select_n3A_350, %select_n3A_366 : vector<16x512xi1>, vector<16x512xf32>
    %select_n3A_388 = arith.select %eq3A_386, %select_n3A_351, %select_n3A_375 : vector<16x512xi1>, vector<16x512xi32>
    %and3A_389 = arith.constant 32 : i32
    %and3A_390 = vector.broadcast %and3A_389 : i32 to vector<1x512xi32>
    %and3A_391 = arith.andi %iota3A, %and3A_390 : vector<1x512xi32>
    %eq3A_392 = arith.constant 0 : i32
    %eq3A_393 = vector.broadcast %eq3A_392 : i32 to vector<1x512xi32>
    %eq3A_394 = arith.cmpi eq, %and3A_391, %eq3A_393 : vector<1x512xi32>
    %and3A_395 = arith.constant 16 : i32
    %and3A_396 = vector.broadcast %and3A_395 : i32 to vector<1x512xi32>
    %and3A_397 = arith.andi %iota3A, %and3A_396 : vector<1x512xi32>
    %ne3A_398 = arith.constant 0 : i32
    %ne3A_399 = vector.broadcast %ne3A_398 : i32 to vector<1x512xi32>
    %ne3A_400 = arith.cmpi ne, %and3A_397, %ne3A_399 : vector<1x512xi32>
    %slice3A_401 = vector.extract_strided_slice %select_n3A_387 {offsets = [0, 496], sizes = [16, 16], strides = [1, 1]} : vector<16x512xf32> to vector<16x16xf32>
    %slice3A_402 = vector.extract_strided_slice %select_n3A_387 {offsets = [0, 0], sizes = [16, 496], strides = [1, 1]} : vector<16x512xf32> to vector<16x496xf32>
    %concatenate3A_403 = tpu.concatenate %slice3A_401, %slice3A_402 in 1 : vector<16x16xf32>, vector<16x496xf32> -> vector<16x512xf32>
    %slice3A_404 = vector.extract_strided_slice %select_n3A_387 {offsets = [0, 16], sizes = [16, 496], strides = [1, 1]} : vector<16x512xf32> to vector<16x496xf32>
    %slice3A_405 = vector.extract_strided_slice %select_n3A_387 {offsets = [0, 0], sizes = [16, 16], strides = [1, 1]} : vector<16x512xf32> to vector<16x16xf32>
    %concatenate3A_406 = tpu.concatenate %slice3A_404, %slice3A_405 in 1 : vector<16x496xf32>, vector<16x16xf32> -> vector<16x512xf32>
    %broadcast_in_dim3A_407 = vector.shape_cast %ne3A_400 : vector<1x512xi1> to vector<1x512xi1>
    %broadcast_in_dim3A_408 = vector.broadcast %broadcast_in_dim3A_407 : vector<1x512xi1> to vector<16x512xi1>
    %select_n3A_409 = arith.select %broadcast_in_dim3A_408, %concatenate3A_403, %concatenate3A_406 : vector<16x512xi1>, vector<16x512xf32>
    %slice3A_410 = vector.extract_strided_slice %select_n3A_388 {offsets = [0, 496], sizes = [16, 16], strides = [1, 1]} : vector<16x512xi32> to vector<16x16xi32>
    %slice3A_411 = vector.extract_strided_slice %select_n3A_388 {offsets = [0, 0], sizes = [16, 496], strides = [1, 1]} : vector<16x512xi32> to vector<16x496xi32>
    %concatenate3A_412 = tpu.concatenate %slice3A_410, %slice3A_411 in 1 : vector<16x16xi32>, vector<16x496xi32> -> vector<16x512xi32>
    %slice3A_413 = vector.extract_strided_slice %select_n3A_388 {offsets = [0, 16], sizes = [16, 496], strides = [1, 1]} : vector<16x512xi32> to vector<16x496xi32>
    %slice3A_414 = vector.extract_strided_slice %select_n3A_388 {offsets = [0, 0], sizes = [16, 16], strides = [1, 1]} : vector<16x512xi32> to vector<16x16xi32>
    %concatenate3A_415 = tpu.concatenate %slice3A_413, %slice3A_414 in 1 : vector<16x496xi32>, vector<16x16xi32> -> vector<16x512xi32>
    %broadcast_in_dim3A_416 = vector.shape_cast %ne3A_400 : vector<1x512xi1> to vector<1x512xi1>
    %broadcast_in_dim3A_417 = vector.broadcast %broadcast_in_dim3A_416 : vector<1x512xi1> to vector<16x512xi1>
    %select_n3A_418 = arith.select %broadcast_in_dim3A_417, %concatenate3A_412, %concatenate3A_415 : vector<16x512xi1>, vector<16x512xi32>
    %gt3A_419 = arith.cmpf ogt, %select_n3A_387, %select_n3A_409 : vector<16x512xf32>
    %eq3A_420 = arith.cmpf oeq, %select_n3A_387, %select_n3A_409 : vector<16x512xf32>
    %lt3A_421 = arith.cmpi slt, %select_n3A_388, %select_n3A_418 : vector<16x512xi32>
    %and3A_422 = arith.andi %eq3A_420, %lt3A_421 : vector<16x512xi1>
    %or3A_423 = arith.ori %gt3A_419, %and3A_422 : vector<16x512xi1>
    %ne3A_424 = arith.xori %eq3A_394, %ne3A_400 : vector<1x512xi1>
    %eq3A_425 = vector.broadcast %ne3A_424 : vector<1x512xi1> to vector<16x512xi1>
    %eq3A_426 = vector.broadcast %eq3A_425 : vector<16x512xi1> to vector<16x512xi1>
    %eq3A_427 = arith.xori %eq3A_426, %or3A_423 : vector<16x512xi1>
    %eq3A_428 = arith.constant dense<true> : vector<16x512xi1>
    %eq3A_429 = arith.xori %eq3A_427, %eq3A_428 : vector<16x512xi1>
    %select_n3A_430 = arith.select %eq3A_429, %select_n3A_387, %select_n3A_409 : vector<16x512xi1>, vector<16x512xf32>
    %select_n3A_431 = arith.select %eq3A_429, %select_n3A_388, %select_n3A_418 : vector<16x512xi1>, vector<16x512xi32>
    %and3A_432 = arith.constant 8 : i32
    %and3A_433 = vector.broadcast %and3A_432 : i32 to vector<1x512xi32>
    %and3A_434 = arith.andi %iota3A, %and3A_433 : vector<1x512xi32>
    %ne3A_435 = arith.constant 0 : i32
    %ne3A_436 = vector.broadcast %ne3A_435 : i32 to vector<1x512xi32>
    %ne3A_437 = arith.cmpi ne, %and3A_434, %ne3A_436 : vector<1x512xi32>
    %slice3A_438 = vector.extract_strided_slice %select_n3A_430 {offsets = [0, 504], sizes = [16, 8], strides = [1, 1]} : vector<16x512xf32> to vector<16x8xf32>
    %slice3A_439 = vector.extract_strided_slice %select_n3A_430 {offsets = [0, 0], sizes = [16, 504], strides = [1, 1]} : vector<16x512xf32> to vector<16x504xf32>
    %concatenate3A_440 = tpu.concatenate %slice3A_438, %slice3A_439 in 1 : vector<16x8xf32>, vector<16x504xf32> -> vector<16x512xf32>
    %slice3A_441 = vector.extract_strided_slice %select_n3A_430 {offsets = [0, 8], sizes = [16, 504], strides = [1, 1]} : vector<16x512xf32> to vector<16x504xf32>
    %slice3A_442 = vector.extract_strided_slice %select_n3A_430 {offsets = [0, 0], sizes = [16, 8], strides = [1, 1]} : vector<16x512xf32> to vector<16x8xf32>
    %concatenate3A_443 = tpu.concatenate %slice3A_441, %slice3A_442 in 1 : vector<16x504xf32>, vector<16x8xf32> -> vector<16x512xf32>
    %broadcast_in_dim3A_444 = vector.shape_cast %ne3A_437 : vector<1x512xi1> to vector<1x512xi1>
    %broadcast_in_dim3A_445 = vector.broadcast %broadcast_in_dim3A_444 : vector<1x512xi1> to vector<16x512xi1>
    %select_n3A_446 = arith.select %broadcast_in_dim3A_445, %concatenate3A_440, %concatenate3A_443 : vector<16x512xi1>, vector<16x512xf32>
    %slice3A_447 = vector.extract_strided_slice %select_n3A_431 {offsets = [0, 504], sizes = [16, 8], strides = [1, 1]} : vector<16x512xi32> to vector<16x8xi32>
    %slice3A_448 = vector.extract_strided_slice %select_n3A_431 {offsets = [0, 0], sizes = [16, 504], strides = [1, 1]} : vector<16x512xi32> to vector<16x504xi32>
    %concatenate3A_449 = tpu.concatenate %slice3A_447, %slice3A_448 in 1 : vector<16x8xi32>, vector<16x504xi32> -> vector<16x512xi32>
    %slice3A_450 = vector.extract_strided_slice %select_n3A_431 {offsets = [0, 8], sizes = [16, 504], strides = [1, 1]} : vector<16x512xi32> to vector<16x504xi32>
    %slice3A_451 = vector.extract_strided_slice %select_n3A_431 {offsets = [0, 0], sizes = [16, 8], strides = [1, 1]} : vector<16x512xi32> to vector<16x8xi32>
    %concatenate3A_452 = tpu.concatenate %slice3A_450, %slice3A_451 in 1 : vector<16x504xi32>, vector<16x8xi32> -> vector<16x512xi32>
    %broadcast_in_dim3A_453 = vector.shape_cast %ne3A_437 : vector<1x512xi1> to vector<1x512xi1>
    %broadcast_in_dim3A_454 = vector.broadcast %broadcast_in_dim3A_453 : vector<1x512xi1> to vector<16x512xi1>
    %select_n3A_455 = arith.select %broadcast_in_dim3A_454, %concatenate3A_449, %concatenate3A_452 : vector<16x512xi1>, vector<16x512xi32>
    %gt3A_456 = arith.cmpf ogt, %select_n3A_430, %select_n3A_446 : vector<16x512xf32>
    %eq3A_457 = arith.cmpf oeq, %select_n3A_430, %select_n3A_446 : vector<16x512xf32>
    %lt3A_458 = arith.cmpi slt, %select_n3A_431, %select_n3A_455 : vector<16x512xi32>
    %and3A_459 = arith.andi %eq3A_457, %lt3A_458 : vector<16x512xi1>
    %or3A_460 = arith.ori %gt3A_456, %and3A_459 : vector<16x512xi1>
    %ne3A_461 = arith.xori %eq3A_394, %ne3A_437 : vector<1x512xi1>
    %eq3A_462 = vector.broadcast %ne3A_461 : vector<1x512xi1> to vector<16x512xi1>
    %eq3A_463 = vector.broadcast %eq3A_462 : vector<16x512xi1> to vector<16x512xi1>
    %eq3A_464 = arith.xori %eq3A_463, %or3A_460 : vector<16x512xi1>
    %eq3A_465 = arith.constant dense<true> : vector<16x512xi1>
    %eq3A_466 = arith.xori %eq3A_464, %eq3A_465 : vector<16x512xi1>
    %select_n3A_467 = arith.select %eq3A_466, %select_n3A_430, %select_n3A_446 : vector<16x512xi1>, vector<16x512xf32>
    %select_n3A_468 = arith.select %eq3A_466, %select_n3A_431, %select_n3A_455 : vector<16x512xi1>, vector<16x512xi32>
    %and3A_469 = arith.constant 4 : i32
    %and3A_470 = vector.broadcast %and3A_469 : i32 to vector<1x512xi32>
    %and3A_471 = arith.andi %iota3A, %and3A_470 : vector<1x512xi32>
    %ne3A_472 = arith.constant 0 : i32
    %ne3A_473 = vector.broadcast %ne3A_472 : i32 to vector<1x512xi32>
    %ne3A_474 = arith.cmpi ne, %and3A_471, %ne3A_473 : vector<1x512xi32>
    %slice3A_475 = vector.extract_strided_slice %select_n3A_467 {offsets = [0, 508], sizes = [16, 4], strides = [1, 1]} : vector<16x512xf32> to vector<16x4xf32>
    %slice3A_476 = vector.extract_strided_slice %select_n3A_467 {offsets = [0, 0], sizes = [16, 508], strides = [1, 1]} : vector<16x512xf32> to vector<16x508xf32>
    %concatenate3A_477 = tpu.concatenate %slice3A_475, %slice3A_476 in 1 : vector<16x4xf32>, vector<16x508xf32> -> vector<16x512xf32>
    %slice3A_478 = vector.extract_strided_slice %select_n3A_467 {offsets = [0, 4], sizes = [16, 508], strides = [1, 1]} : vector<16x512xf32> to vector<16x508xf32>
    %slice3A_479 = vector.extract_strided_slice %select_n3A_467 {offsets = [0, 0], sizes = [16, 4], strides = [1, 1]} : vector<16x512xf32> to vector<16x4xf32>
    %concatenate3A_480 = tpu.concatenate %slice3A_478, %slice3A_479 in 1 : vector<16x508xf32>, vector<16x4xf32> -> vector<16x512xf32>
    %broadcast_in_dim3A_481 = vector.shape_cast %ne3A_474 : vector<1x512xi1> to vector<1x512xi1>
    %broadcast_in_dim3A_482 = vector.broadcast %broadcast_in_dim3A_481 : vector<1x512xi1> to vector<16x512xi1>
    %select_n3A_483 = arith.select %broadcast_in_dim3A_482, %concatenate3A_477, %concatenate3A_480 : vector<16x512xi1>, vector<16x512xf32>
    %slice3A_484 = vector.extract_strided_slice %select_n3A_468 {offsets = [0, 508], sizes = [16, 4], strides = [1, 1]} : vector<16x512xi32> to vector<16x4xi32>
    %slice3A_485 = vector.extract_strided_slice %select_n3A_468 {offsets = [0, 0], sizes = [16, 508], strides = [1, 1]} : vector<16x512xi32> to vector<16x508xi32>
    %concatenate3A_486 = tpu.concatenate %slice3A_484, %slice3A_485 in 1 : vector<16x4xi32>, vector<16x508xi32> -> vector<16x512xi32>
    %slice3A_487 = vector.extract_strided_slice %select_n3A_468 {offsets = [0, 4], sizes = [16, 508], strides = [1, 1]} : vector<16x512xi32> to vector<16x508xi32>
    %slice3A_488 = vector.extract_strided_slice %select_n3A_468 {offsets = [0, 0], sizes = [16, 4], strides = [1, 1]} : vector<16x512xi32> to vector<16x4xi32>
    %concatenate3A_489 = tpu.concatenate %slice3A_487, %slice3A_488 in 1 : vector<16x508xi32>, vector<16x4xi32> -> vector<16x512xi32>
    %broadcast_in_dim3A_490 = vector.shape_cast %ne3A_474 : vector<1x512xi1> to vector<1x512xi1>
    %broadcast_in_dim3A_491 = vector.broadcast %broadcast_in_dim3A_490 : vector<1x512xi1> to vector<16x512xi1>
    %select_n3A_492 = arith.select %broadcast_in_dim3A_491, %concatenate3A_486, %concatenate3A_489 : vector<16x512xi1>, vector<16x512xi32>
    %gt3A_493 = arith.cmpf ogt, %select_n3A_467, %select_n3A_483 : vector<16x512xf32>
    %eq3A_494 = arith.cmpf oeq, %select_n3A_467, %select_n3A_483 : vector<16x512xf32>
    %lt3A_495 = arith.cmpi slt, %select_n3A_468, %select_n3A_492 : vector<16x512xi32>
    %and3A_496 = arith.andi %eq3A_494, %lt3A_495 : vector<16x512xi1>
    %or3A_497 = arith.ori %gt3A_493, %and3A_496 : vector<16x512xi1>
    %ne3A_498 = arith.xori %eq3A_394, %ne3A_474 : vector<1x512xi1>
    %eq3A_499 = vector.broadcast %ne3A_498 : vector<1x512xi1> to vector<16x512xi1>
    %eq3A_500 = vector.broadcast %eq3A_499 : vector<16x512xi1> to vector<16x512xi1>
    %eq3A_501 = arith.xori %eq3A_500, %or3A_497 : vector<16x512xi1>
    %eq3A_502 = arith.constant dense<true> : vector<16x512xi1>
    %eq3A_503 = arith.xori %eq3A_501, %eq3A_502 : vector<16x512xi1>
    %select_n3A_504 = arith.select %eq3A_503, %select_n3A_467, %select_n3A_483 : vector<16x512xi1>, vector<16x512xf32>
    %select_n3A_505 = arith.select %eq3A_503, %select_n3A_468, %select_n3A_492 : vector<16x512xi1>, vector<16x512xi32>
    %and3A_506 = arith.constant 2 : i32
    %and3A_507 = vector.broadcast %and3A_506 : i32 to vector<1x512xi32>
    %and3A_508 = arith.andi %iota3A, %and3A_507 : vector<1x512xi32>
    %ne3A_509 = arith.constant 0 : i32
    %ne3A_510 = vector.broadcast %ne3A_509 : i32 to vector<1x512xi32>
    %ne3A_511 = arith.cmpi ne, %and3A_508, %ne3A_510 : vector<1x512xi32>
    %slice3A_512 = vector.extract_strided_slice %select_n3A_504 {offsets = [0, 510], sizes = [16, 2], strides = [1, 1]} : vector<16x512xf32> to vector<16x2xf32>
    %slice3A_513 = vector.extract_strided_slice %select_n3A_504 {offsets = [0, 0], sizes = [16, 510], strides = [1, 1]} : vector<16x512xf32> to vector<16x510xf32>
    %concatenate3A_514 = tpu.concatenate %slice3A_512, %slice3A_513 in 1 : vector<16x2xf32>, vector<16x510xf32> -> vector<16x512xf32>
    %slice3A_515 = vector.extract_strided_slice %select_n3A_504 {offsets = [0, 2], sizes = [16, 510], strides = [1, 1]} : vector<16x512xf32> to vector<16x510xf32>
    %slice3A_516 = vector.extract_strided_slice %select_n3A_504 {offsets = [0, 0], sizes = [16, 2], strides = [1, 1]} : vector<16x512xf32> to vector<16x2xf32>
    %concatenate3A_517 = tpu.concatenate %slice3A_515, %slice3A_516 in 1 : vector<16x510xf32>, vector<16x2xf32> -> vector<16x512xf32>
    %broadcast_in_dim3A_518 = vector.shape_cast %ne3A_511 : vector<1x512xi1> to vector<1x512xi1>
    %broadcast_in_dim3A_519 = vector.broadcast %broadcast_in_dim3A_518 : vector<1x512xi1> to vector<16x512xi1>
    %select_n3A_520 = arith.select %broadcast_in_dim3A_519, %concatenate3A_514, %concatenate3A_517 : vector<16x512xi1>, vector<16x512xf32>
    %slice3A_521 = vector.extract_strided_slice %select_n3A_505 {offsets = [0, 510], sizes = [16, 2], strides = [1, 1]} : vector<16x512xi32> to vector<16x2xi32>
    %slice3A_522 = vector.extract_strided_slice %select_n3A_505 {offsets = [0, 0], sizes = [16, 510], strides = [1, 1]} : vector<16x512xi32> to vector<16x510xi32>
    %concatenate3A_523 = tpu.concatenate %slice3A_521, %slice3A_522 in 1 : vector<16x2xi32>, vector<16x510xi32> -> vector<16x512xi32>
    %slice3A_524 = vector.extract_strided_slice %select_n3A_505 {offsets = [0, 2], sizes = [16, 510], strides = [1, 1]} : vector<16x512xi32> to vector<16x510xi32>
    %slice3A_525 = vector.extract_strided_slice %select_n3A_505 {offsets = [0, 0], sizes = [16, 2], strides = [1, 1]} : vector<16x512xi32> to vector<16x2xi32>
    %concatenate3A_526 = tpu.concatenate %slice3A_524, %slice3A_525 in 1 : vector<16x510xi32>, vector<16x2xi32> -> vector<16x512xi32>
    %broadcast_in_dim3A_527 = vector.shape_cast %ne3A_511 : vector<1x512xi1> to vector<1x512xi1>
    %broadcast_in_dim3A_528 = vector.broadcast %broadcast_in_dim3A_527 : vector<1x512xi1> to vector<16x512xi1>
    %select_n3A_529 = arith.select %broadcast_in_dim3A_528, %concatenate3A_523, %concatenate3A_526 : vector<16x512xi1>, vector<16x512xi32>
    %gt3A_530 = arith.cmpf ogt, %select_n3A_504, %select_n3A_520 : vector<16x512xf32>
    %eq3A_531 = arith.cmpf oeq, %select_n3A_504, %select_n3A_520 : vector<16x512xf32>
    %lt3A_532 = arith.cmpi slt, %select_n3A_505, %select_n3A_529 : vector<16x512xi32>
    %and3A_533 = arith.andi %eq3A_531, %lt3A_532 : vector<16x512xi1>
    %or3A_534 = arith.ori %gt3A_530, %and3A_533 : vector<16x512xi1>
    %ne3A_535 = arith.xori %eq3A_394, %ne3A_511 : vector<1x512xi1>
    %eq3A_536 = vector.broadcast %ne3A_535 : vector<1x512xi1> to vector<16x512xi1>
    %eq3A_537 = vector.broadcast %eq3A_536 : vector<16x512xi1> to vector<16x512xi1>
    %eq3A_538 = arith.xori %eq3A_537, %or3A_534 : vector<16x512xi1>
    %eq3A_539 = arith.constant dense<true> : vector<16x512xi1>
    %eq3A_540 = arith.xori %eq3A_538, %eq3A_539 : vector<16x512xi1>
    %select_n3A_541 = arith.select %eq3A_540, %select_n3A_504, %select_n3A_520 : vector<16x512xi1>, vector<16x512xf32>
    %select_n3A_542 = arith.select %eq3A_540, %select_n3A_505, %select_n3A_529 : vector<16x512xi1>, vector<16x512xi32>
    %and3A_543 = arith.constant 1 : i32
    %and3A_544 = vector.broadcast %and3A_543 : i32 to vector<1x512xi32>
    %and3A_545 = arith.andi %iota3A, %and3A_544 : vector<1x512xi32>
    %ne3A_546 = arith.constant 0 : i32
    %ne3A_547 = vector.broadcast %ne3A_546 : i32 to vector<1x512xi32>
    %ne3A_548 = arith.cmpi ne, %and3A_545, %ne3A_547 : vector<1x512xi32>
    %slice3A_549 = vector.extract_strided_slice %select_n3A_541 {offsets = [0, 511], sizes = [16, 1], strides = [1, 1]} : vector<16x512xf32> to vector<16x1xf32>
    %slice3A_550 = vector.extract_strided_slice %select_n3A_541 {offsets = [0, 0], sizes = [16, 511], strides = [1, 1]} : vector<16x512xf32> to vector<16x511xf32>
    %concatenate3A_551 = tpu.concatenate %slice3A_549, %slice3A_550 in 1 : vector<16x1xf32>, vector<16x511xf32> -> vector<16x512xf32>
    %slice3A_552 = vector.extract_strided_slice %select_n3A_541 {offsets = [0, 1], sizes = [16, 511], strides = [1, 1]} : vector<16x512xf32> to vector<16x511xf32>
    %slice3A_553 = vector.extract_strided_slice %select_n3A_541 {offsets = [0, 0], sizes = [16, 1], strides = [1, 1]} : vector<16x512xf32> to vector<16x1xf32>
    %concatenate3A_554 = tpu.concatenate %slice3A_552, %slice3A_553 in 1 : vector<16x511xf32>, vector<16x1xf32> -> vector<16x512xf32>
    %broadcast_in_dim3A_555 = vector.shape_cast %ne3A_548 : vector<1x512xi1> to vector<1x512xi1>
    %broadcast_in_dim3A_556 = vector.broadcast %broadcast_in_dim3A_555 : vector<1x512xi1> to vector<16x512xi1>
    %select_n3A_557 = arith.select %broadcast_in_dim3A_556, %concatenate3A_551, %concatenate3A_554 : vector<16x512xi1>, vector<16x512xf32>
    %slice3A_558 = vector.extract_strided_slice %select_n3A_542 {offsets = [0, 511], sizes = [16, 1], strides = [1, 1]} : vector<16x512xi32> to vector<16x1xi32>
    %slice3A_559 = vector.extract_strided_slice %select_n3A_542 {offsets = [0, 0], sizes = [16, 511], strides = [1, 1]} : vector<16x512xi32> to vector<16x511xi32>
    %concatenate3A_560 = tpu.concatenate %slice3A_558, %slice3A_559 in 1 : vector<16x1xi32>, vector<16x511xi32> -> vector<16x512xi32>
    %slice3A_561 = vector.extract_strided_slice %select_n3A_542 {offsets = [0, 1], sizes = [16, 511], strides = [1, 1]} : vector<16x512xi32> to vector<16x511xi32>
    %slice3A_562 = vector.extract_strided_slice %select_n3A_542 {offsets = [0, 0], sizes = [16, 1], strides = [1, 1]} : vector<16x512xi32> to vector<16x1xi32>
    %concatenate3A_563 = tpu.concatenate %slice3A_561, %slice3A_562 in 1 : vector<16x511xi32>, vector<16x1xi32> -> vector<16x512xi32>
    %broadcast_in_dim3A_564 = vector.shape_cast %ne3A_548 : vector<1x512xi1> to vector<1x512xi1>
    %broadcast_in_dim3A_565 = vector.broadcast %broadcast_in_dim3A_564 : vector<1x512xi1> to vector<16x512xi1>
    %select_n3A_566 = arith.select %broadcast_in_dim3A_565, %concatenate3A_560, %concatenate3A_563 : vector<16x512xi1>, vector<16x512xi32>
    %gt3A_567 = arith.cmpf ogt, %select_n3A_541, %select_n3A_557 : vector<16x512xf32>
    %eq3A_568 = arith.cmpf oeq, %select_n3A_541, %select_n3A_557 : vector<16x512xf32>
    %lt3A_569 = arith.cmpi slt, %select_n3A_542, %select_n3A_566 : vector<16x512xi32>
    %and3A_570 = arith.andi %eq3A_568, %lt3A_569 : vector<16x512xi1>
    %or3A_571 = arith.ori %gt3A_567, %and3A_570 : vector<16x512xi1>
    %ne3A_572 = arith.xori %eq3A_394, %ne3A_548 : vector<1x512xi1>
    %eq3A_573 = vector.broadcast %ne3A_572 : vector<1x512xi1> to vector<16x512xi1>
    %eq3A_574 = vector.broadcast %eq3A_573 : vector<16x512xi1> to vector<16x512xi1>
    %eq3A_575 = arith.xori %eq3A_574, %or3A_571 : vector<16x512xi1>
    %eq3A_576 = arith.constant dense<true> : vector<16x512xi1>
    %eq3A_577 = arith.xori %eq3A_575, %eq3A_576 : vector<16x512xi1>
    %select_n3A_578 = arith.select %eq3A_577, %select_n3A_541, %select_n3A_557 : vector<16x512xi1>, vector<16x512xf32>
    %select_n3A_579 = arith.select %eq3A_577, %select_n3A_542, %select_n3A_566 : vector<16x512xi1>, vector<16x512xi32>
    %and3A_580 = arith.constant 64 : i32
    %and3A_581 = vector.broadcast %and3A_580 : i32 to vector<1x512xi32>
    %and3A_582 = arith.andi %iota3A, %and3A_581 : vector<1x512xi32>
    %eq3A_583 = arith.constant 0 : i32
    %eq3A_584 = vector.broadcast %eq3A_583 : i32 to vector<1x512xi32>
    %eq3A_585 = arith.cmpi eq, %and3A_582, %eq3A_584 : vector<1x512xi32>
    %and3A_586 = arith.constant 32 : i32
    %and3A_587 = vector.broadcast %and3A_586 : i32 to vector<1x512xi32>
    %and3A_588 = arith.andi %iota3A, %and3A_587 : vector<1x512xi32>
    %ne3A_589 = arith.constant 0 : i32
    %ne3A_590 = vector.broadcast %ne3A_589 : i32 to vector<1x512xi32>
    %ne3A_591 = arith.cmpi ne, %and3A_588, %ne3A_590 : vector<1x512xi32>
    %slice3A_592 = vector.extract_strided_slice %select_n3A_578 {offsets = [0, 480], sizes = [16, 32], strides = [1, 1]} : vector<16x512xf32> to vector<16x32xf32>
    %slice3A_593 = vector.extract_strided_slice %select_n3A_578 {offsets = [0, 0], sizes = [16, 480], strides = [1, 1]} : vector<16x512xf32> to vector<16x480xf32>
    %concatenate3A_594 = tpu.concatenate %slice3A_592, %slice3A_593 in 1 : vector<16x32xf32>, vector<16x480xf32> -> vector<16x512xf32>
    %slice3A_595 = vector.extract_strided_slice %select_n3A_578 {offsets = [0, 32], sizes = [16, 480], strides = [1, 1]} : vector<16x512xf32> to vector<16x480xf32>
    %slice3A_596 = vector.extract_strided_slice %select_n3A_578 {offsets = [0, 0], sizes = [16, 32], strides = [1, 1]} : vector<16x512xf32> to vector<16x32xf32>
    %concatenate3A_597 = tpu.concatenate %slice3A_595, %slice3A_596 in 1 : vector<16x480xf32>, vector<16x32xf32> -> vector<16x512xf32>
    %broadcast_in_dim3A_598 = vector.shape_cast %ne3A_591 : vector<1x512xi1> to vector<1x512xi1>
    %broadcast_in_dim3A_599 = vector.broadcast %broadcast_in_dim3A_598 : vector<1x512xi1> to vector<16x512xi1>
    %select_n3A_600 = arith.select %broadcast_in_dim3A_599, %concatenate3A_594, %concatenate3A_597 : vector<16x512xi1>, vector<16x512xf32>
    %slice3A_601 = vector.extract_strided_slice %select_n3A_579 {offsets = [0, 480], sizes = [16, 32], strides = [1, 1]} : vector<16x512xi32> to vector<16x32xi32>
    %slice3A_602 = vector.extract_strided_slice %select_n3A_579 {offsets = [0, 0], sizes = [16, 480], strides = [1, 1]} : vector<16x512xi32> to vector<16x480xi32>
    %concatenate3A_603 = tpu.concatenate %slice3A_601, %slice3A_602 in 1 : vector<16x32xi32>, vector<16x480xi32> -> vector<16x512xi32>
    %slice3A_604 = vector.extract_strided_slice %select_n3A_579 {offsets = [0, 32], sizes = [16, 480], strides = [1, 1]} : vector<16x512xi32> to vector<16x480xi32>
    %slice3A_605 = vector.extract_strided_slice %select_n3A_579 {offsets = [0, 0], sizes = [16, 32], strides = [1, 1]} : vector<16x512xi32> to vector<16x32xi32>
    %concatenate3A_606 = tpu.concatenate %slice3A_604, %slice3A_605 in 1 : vector<16x480xi32>, vector<16x32xi32> -> vector<16x512xi32>
    %broadcast_in_dim3A_607 = vector.shape_cast %ne3A_591 : vector<1x512xi1> to vector<1x512xi1>
    %broadcast_in_dim3A_608 = vector.broadcast %broadcast_in_dim3A_607 : vector<1x512xi1> to vector<16x512xi1>
    %select_n3A_609 = arith.select %broadcast_in_dim3A_608, %concatenate3A_603, %concatenate3A_606 : vector<16x512xi1>, vector<16x512xi32>
    %gt3A_610 = arith.cmpf ogt, %select_n3A_578, %select_n3A_600 : vector<16x512xf32>
    %eq3A_611 = arith.cmpf oeq, %select_n3A_578, %select_n3A_600 : vector<16x512xf32>
    %lt3A_612 = arith.cmpi slt, %select_n3A_579, %select_n3A_609 : vector<16x512xi32>
    %and3A_613 = arith.andi %eq3A_611, %lt3A_612 : vector<16x512xi1>
    %or3A_614 = arith.ori %gt3A_610, %and3A_613 : vector<16x512xi1>
    %ne3A_615 = arith.xori %eq3A_585, %ne3A_591 : vector<1x512xi1>
    %eq3A_616 = vector.broadcast %ne3A_615 : vector<1x512xi1> to vector<16x512xi1>
    %eq3A_617 = vector.broadcast %eq3A_616 : vector<16x512xi1> to vector<16x512xi1>
    %eq3A_618 = arith.xori %eq3A_617, %or3A_614 : vector<16x512xi1>
    %eq3A_619 = arith.constant dense<true> : vector<16x512xi1>
    %eq3A_620 = arith.xori %eq3A_618, %eq3A_619 : vector<16x512xi1>
    %select_n3A_621 = arith.select %eq3A_620, %select_n3A_578, %select_n3A_600 : vector<16x512xi1>, vector<16x512xf32>
    %select_n3A_622 = arith.select %eq3A_620, %select_n3A_579, %select_n3A_609 : vector<16x512xi1>, vector<16x512xi32>
    %and3A_623 = arith.constant 16 : i32
    %and3A_624 = vector.broadcast %and3A_623 : i32 to vector<1x512xi32>
    %and3A_625 = arith.andi %iota3A, %and3A_624 : vector<1x512xi32>
    %ne3A_626 = arith.constant 0 : i32
    %ne3A_627 = vector.broadcast %ne3A_626 : i32 to vector<1x512xi32>
    %ne3A_628 = arith.cmpi ne, %and3A_625, %ne3A_627 : vector<1x512xi32>
    %slice3A_629 = vector.extract_strided_slice %select_n3A_621 {offsets = [0, 496], sizes = [16, 16], strides = [1, 1]} : vector<16x512xf32> to vector<16x16xf32>
    %slice3A_630 = vector.extract_strided_slice %select_n3A_621 {offsets = [0, 0], sizes = [16, 496], strides = [1, 1]} : vector<16x512xf32> to vector<16x496xf32>
    %concatenate3A_631 = tpu.concatenate %slice3A_629, %slice3A_630 in 1 : vector<16x16xf32>, vector<16x496xf32> -> vector<16x512xf32>
    %slice3A_632 = vector.extract_strided_slice %select_n3A_621 {offsets = [0, 16], sizes = [16, 496], strides = [1, 1]} : vector<16x512xf32> to vector<16x496xf32>
    %slice3A_633 = vector.extract_strided_slice %select_n3A_621 {offsets = [0, 0], sizes = [16, 16], strides = [1, 1]} : vector<16x512xf32> to vector<16x16xf32>
    %concatenate3A_634 = tpu.concatenate %slice3A_632, %slice3A_633 in 1 : vector<16x496xf32>, vector<16x16xf32> -> vector<16x512xf32>
    %broadcast_in_dim3A_635 = vector.shape_cast %ne3A_628 : vector<1x512xi1> to vector<1x512xi1>
    %broadcast_in_dim3A_636 = vector.broadcast %broadcast_in_dim3A_635 : vector<1x512xi1> to vector<16x512xi1>
    %select_n3A_637 = arith.select %broadcast_in_dim3A_636, %concatenate3A_631, %concatenate3A_634 : vector<16x512xi1>, vector<16x512xf32>
    %slice3A_638 = vector.extract_strided_slice %select_n3A_622 {offsets = [0, 496], sizes = [16, 16], strides = [1, 1]} : vector<16x512xi32> to vector<16x16xi32>
    %slice3A_639 = vector.extract_strided_slice %select_n3A_622 {offsets = [0, 0], sizes = [16, 496], strides = [1, 1]} : vector<16x512xi32> to vector<16x496xi32>
    %concatenate3A_640 = tpu.concatenate %slice3A_638, %slice3A_639 in 1 : vector<16x16xi32>, vector<16x496xi32> -> vector<16x512xi32>
    %slice3A_641 = vector.extract_strided_slice %select_n3A_622 {offsets = [0, 16], sizes = [16, 496], strides = [1, 1]} : vector<16x512xi32> to vector<16x496xi32>
    %slice3A_642 = vector.extract_strided_slice %select_n3A_622 {offsets = [0, 0], sizes = [16, 16], strides = [1, 1]} : vector<16x512xi32> to vector<16x16xi32>
    %concatenate3A_643 = tpu.concatenate %slice3A_641, %slice3A_642 in 1 : vector<16x496xi32>, vector<16x16xi32> -> vector<16x512xi32>
    %broadcast_in_dim3A_644 = vector.shape_cast %ne3A_628 : vector<1x512xi1> to vector<1x512xi1>
    %broadcast_in_dim3A_645 = vector.broadcast %broadcast_in_dim3A_644 : vector<1x512xi1> to vector<16x512xi1>
    %select_n3A_646 = arith.select %broadcast_in_dim3A_645, %concatenate3A_640, %concatenate3A_643 : vector<16x512xi1>, vector<16x512xi32>
    %gt3A_647 = arith.cmpf ogt, %select_n3A_621, %select_n3A_637 : vector<16x512xf32>
    %eq3A_648 = arith.cmpf oeq, %select_n3A_621, %select_n3A_637 : vector<16x512xf32>
    %lt3A_649 = arith.cmpi slt, %select_n3A_622, %select_n3A_646 : vector<16x512xi32>
    %and3A_650 = arith.andi %eq3A_648, %lt3A_649 : vector<16x512xi1>
    %or3A_651 = arith.ori %gt3A_647, %and3A_650 : vector<16x512xi1>
    %ne3A_652 = arith.xori %eq3A_585, %ne3A_628 : vector<1x512xi1>
    %eq3A_653 = vector.broadcast %ne3A_652 : vector<1x512xi1> to vector<16x512xi1>
    %eq3A_654 = vector.broadcast %eq3A_653 : vector<16x512xi1> to vector<16x512xi1>
    %eq3A_655 = arith.xori %eq3A_654, %or3A_651 : vector<16x512xi1>
    %eq3A_656 = arith.constant dense<true> : vector<16x512xi1>
    %eq3A_657 = arith.xori %eq3A_655, %eq3A_656 : vector<16x512xi1>
    %select_n3A_658 = arith.select %eq3A_657, %select_n3A_621, %select_n3A_637 : vector<16x512xi1>, vector<16x512xf32>
    %select_n3A_659 = arith.select %eq3A_657, %select_n3A_622, %select_n3A_646 : vector<16x512xi1>, vector<16x512xi32>
    %and3A_660 = arith.constant 8 : i32
    %and3A_661 = vector.broadcast %and3A_660 : i32 to vector<1x512xi32>
    %and3A_662 = arith.andi %iota3A, %and3A_661 : vector<1x512xi32>
    %ne3A_663 = arith.constant 0 : i32
    %ne3A_664 = vector.broadcast %ne3A_663 : i32 to vector<1x512xi32>
    %ne3A_665 = arith.cmpi ne, %and3A_662, %ne3A_664 : vector<1x512xi32>
    %slice3A_666 = vector.extract_strided_slice %select_n3A_658 {offsets = [0, 504], sizes = [16, 8], strides = [1, 1]} : vector<16x512xf32> to vector<16x8xf32>
    %slice3A_667 = vector.extract_strided_slice %select_n3A_658 {offsets = [0, 0], sizes = [16, 504], strides = [1, 1]} : vector<16x512xf32> to vector<16x504xf32>
    %concatenate3A_668 = tpu.concatenate %slice3A_666, %slice3A_667 in 1 : vector<16x8xf32>, vector<16x504xf32> -> vector<16x512xf32>
    %slice3A_669 = vector.extract_strided_slice %select_n3A_658 {offsets = [0, 8], sizes = [16, 504], strides = [1, 1]} : vector<16x512xf32> to vector<16x504xf32>
    %slice3A_670 = vector.extract_strided_slice %select_n3A_658 {offsets = [0, 0], sizes = [16, 8], strides = [1, 1]} : vector<16x512xf32> to vector<16x8xf32>
    %concatenate3A_671 = tpu.concatenate %slice3A_669, %slice3A_670 in 1 : vector<16x504xf32>, vector<16x8xf32> -> vector<16x512xf32>
    %broadcast_in_dim3A_672 = vector.shape_cast %ne3A_665 : vector<1x512xi1> to vector<1x512xi1>
    %broadcast_in_dim3A_673 = vector.broadcast %broadcast_in_dim3A_672 : vector<1x512xi1> to vector<16x512xi1>
    %select_n3A_674 = arith.select %broadcast_in_dim3A_673, %concatenate3A_668, %concatenate3A_671 : vector<16x512xi1>, vector<16x512xf32>
    %slice3A_675 = vector.extract_strided_slice %select_n3A_659 {offsets = [0, 504], sizes = [16, 8], strides = [1, 1]} : vector<16x512xi32> to vector<16x8xi32>
    %slice3A_676 = vector.extract_strided_slice %select_n3A_659 {offsets = [0, 0], sizes = [16, 504], strides = [1, 1]} : vector<16x512xi32> to vector<16x504xi32>
    %concatenate3A_677 = tpu.concatenate %slice3A_675, %slice3A_676 in 1 : vector<16x8xi32>, vector<16x504xi32> -> vector<16x512xi32>
    %slice3A_678 = vector.extract_strided_slice %select_n3A_659 {offsets = [0, 8], sizes = [16, 504], strides = [1, 1]} : vector<16x512xi32> to vector<16x504xi32>
    %slice3A_679 = vector.extract_strided_slice %select_n3A_659 {offsets = [0, 0], sizes = [16, 8], strides = [1, 1]} : vector<16x512xi32> to vector<16x8xi32>
    %concatenate3A_680 = tpu.concatenate %slice3A_678, %slice3A_679 in 1 : vector<16x504xi32>, vector<16x8xi32> -> vector<16x512xi32>
    %broadcast_in_dim3A_681 = vector.shape_cast %ne3A_665 : vector<1x512xi1> to vector<1x512xi1>
    %broadcast_in_dim3A_682 = vector.broadcast %broadcast_in_dim3A_681 : vector<1x512xi1> to vector<16x512xi1>
    %select_n3A_683 = arith.select %broadcast_in_dim3A_682, %concatenate3A_677, %concatenate3A_680 : vector<16x512xi1>, vector<16x512xi32>
    %gt3A_684 = arith.cmpf ogt, %select_n3A_658, %select_n3A_674 : vector<16x512xf32>
    %eq3A_685 = arith.cmpf oeq, %select_n3A_658, %select_n3A_674 : vector<16x512xf32>
    %lt3A_686 = arith.cmpi slt, %select_n3A_659, %select_n3A_683 : vector<16x512xi32>
    %and3A_687 = arith.andi %eq3A_685, %lt3A_686 : vector<16x512xi1>
    %or3A_688 = arith.ori %gt3A_684, %and3A_687 : vector<16x512xi1>
    %ne3A_689 = arith.xori %eq3A_585, %ne3A_665 : vector<1x512xi1>
    %eq3A_690 = vector.broadcast %ne3A_689 : vector<1x512xi1> to vector<16x512xi1>
    %eq3A_691 = vector.broadcast %eq3A_690 : vector<16x512xi1> to vector<16x512xi1>
    %eq3A_692 = arith.xori %eq3A_691, %or3A_688 : vector<16x512xi1>
    %eq3A_693 = arith.constant dense<true> : vector<16x512xi1>
    %eq3A_694 = arith.xori %eq3A_692, %eq3A_693 : vector<16x512xi1>
    %select_n3A_695 = arith.select %eq3A_694, %select_n3A_658, %select_n3A_674 : vector<16x512xi1>, vector<16x512xf32>
    %select_n3A_696 = arith.select %eq3A_694, %select_n3A_659, %select_n3A_683 : vector<16x512xi1>, vector<16x512xi32>
    %and3A_697 = arith.constant 4 : i32
    %and3A_698 = vector.broadcast %and3A_697 : i32 to vector<1x512xi32>
    %and3A_699 = arith.andi %iota3A, %and3A_698 : vector<1x512xi32>
    %ne3A_700 = arith.constant 0 : i32
    %ne3A_701 = vector.broadcast %ne3A_700 : i32 to vector<1x512xi32>
    %ne3A_702 = arith.cmpi ne, %and3A_699, %ne3A_701 : vector<1x512xi32>
    %slice3A_703 = vector.extract_strided_slice %select_n3A_695 {offsets = [0, 508], sizes = [16, 4], strides = [1, 1]} : vector<16x512xf32> to vector<16x4xf32>
    %slice3A_704 = vector.extract_strided_slice %select_n3A_695 {offsets = [0, 0], sizes = [16, 508], strides = [1, 1]} : vector<16x512xf32> to vector<16x508xf32>
    %concatenate3A_705 = tpu.concatenate %slice3A_703, %slice3A_704 in 1 : vector<16x4xf32>, vector<16x508xf32> -> vector<16x512xf32>
    %slice3A_706 = vector.extract_strided_slice %select_n3A_695 {offsets = [0, 4], sizes = [16, 508], strides = [1, 1]} : vector<16x512xf32> to vector<16x508xf32>
    %slice3A_707 = vector.extract_strided_slice %select_n3A_695 {offsets = [0, 0], sizes = [16, 4], strides = [1, 1]} : vector<16x512xf32> to vector<16x4xf32>
    %concatenate3A_708 = tpu.concatenate %slice3A_706, %slice3A_707 in 1 : vector<16x508xf32>, vector<16x4xf32> -> vector<16x512xf32>
    %broadcast_in_dim3A_709 = vector.shape_cast %ne3A_702 : vector<1x512xi1> to vector<1x512xi1>
    %broadcast_in_dim3A_710 = vector.broadcast %broadcast_in_dim3A_709 : vector<1x512xi1> to vector<16x512xi1>
    %select_n3A_711 = arith.select %broadcast_in_dim3A_710, %concatenate3A_705, %concatenate3A_708 : vector<16x512xi1>, vector<16x512xf32>
    %slice3A_712 = vector.extract_strided_slice %select_n3A_696 {offsets = [0, 508], sizes = [16, 4], strides = [1, 1]} : vector<16x512xi32> to vector<16x4xi32>
    %slice3A_713 = vector.extract_strided_slice %select_n3A_696 {offsets = [0, 0], sizes = [16, 508], strides = [1, 1]} : vector<16x512xi32> to vector<16x508xi32>
    %concatenate3A_714 = tpu.concatenate %slice3A_712, %slice3A_713 in 1 : vector<16x4xi32>, vector<16x508xi32> -> vector<16x512xi32>
    %slice3A_715 = vector.extract_strided_slice %select_n3A_696 {offsets = [0, 4], sizes = [16, 508], strides = [1, 1]} : vector<16x512xi32> to vector<16x508xi32>
    %slice3A_716 = vector.extract_strided_slice %select_n3A_696 {offsets = [0, 0], sizes = [16, 4], strides = [1, 1]} : vector<16x512xi32> to vector<16x4xi32>
    %concatenate3A_717 = tpu.concatenate %slice3A_715, %slice3A_716 in 1 : vector<16x508xi32>, vector<16x4xi32> -> vector<16x512xi32>
    %broadcast_in_dim3A_718 = vector.shape_cast %ne3A_702 : vector<1x512xi1> to vector<1x512xi1>
    %broadcast_in_dim3A_719 = vector.broadcast %broadcast_in_dim3A_718 : vector<1x512xi1> to vector<16x512xi1>
    %select_n3A_720 = arith.select %broadcast_in_dim3A_719, %concatenate3A_714, %concatenate3A_717 : vector<16x512xi1>, vector<16x512xi32>
    %gt3A_721 = arith.cmpf ogt, %select_n3A_695, %select_n3A_711 : vector<16x512xf32>
    %eq3A_722 = arith.cmpf oeq, %select_n3A_695, %select_n3A_711 : vector<16x512xf32>
    %lt3A_723 = arith.cmpi slt, %select_n3A_696, %select_n3A_720 : vector<16x512xi32>
    %and3A_724 = arith.andi %eq3A_722, %lt3A_723 : vector<16x512xi1>
    %or3A_725 = arith.ori %gt3A_721, %and3A_724 : vector<16x512xi1>
    %ne3A_726 = arith.xori %eq3A_585, %ne3A_702 : vector<1x512xi1>
    %eq3A_727 = vector.broadcast %ne3A_726 : vector<1x512xi1> to vector<16x512xi1>
    %eq3A_728 = vector.broadcast %eq3A_727 : vector<16x512xi1> to vector<16x512xi1>
    %eq3A_729 = arith.xori %eq3A_728, %or3A_725 : vector<16x512xi1>
    %eq3A_730 = arith.constant dense<true> : vector<16x512xi1>
    %eq3A_731 = arith.xori %eq3A_729, %eq3A_730 : vector<16x512xi1>
    %select_n3A_732 = arith.select %eq3A_731, %select_n3A_695, %select_n3A_711 : vector<16x512xi1>, vector<16x512xf32>
    %select_n3A_733 = arith.select %eq3A_731, %select_n3A_696, %select_n3A_720 : vector<16x512xi1>, vector<16x512xi32>
    %and3A_734 = arith.constant 2 : i32
    %and3A_735 = vector.broadcast %and3A_734 : i32 to vector<1x512xi32>
    %and3A_736 = arith.andi %iota3A, %and3A_735 : vector<1x512xi32>
    %ne3A_737 = arith.constant 0 : i32
    %ne3A_738 = vector.broadcast %ne3A_737 : i32 to vector<1x512xi32>
    %ne3A_739 = arith.cmpi ne, %and3A_736, %ne3A_738 : vector<1x512xi32>
    %slice3A_740 = vector.extract_strided_slice %select_n3A_732 {offsets = [0, 510], sizes = [16, 2], strides = [1, 1]} : vector<16x512xf32> to vector<16x2xf32>
    %slice3A_741 = vector.extract_strided_slice %select_n3A_732 {offsets = [0, 0], sizes = [16, 510], strides = [1, 1]} : vector<16x512xf32> to vector<16x510xf32>
    %concatenate3A_742 = tpu.concatenate %slice3A_740, %slice3A_741 in 1 : vector<16x2xf32>, vector<16x510xf32> -> vector<16x512xf32>
    %slice3A_743 = vector.extract_strided_slice %select_n3A_732 {offsets = [0, 2], sizes = [16, 510], strides = [1, 1]} : vector<16x512xf32> to vector<16x510xf32>
    %slice3A_744 = vector.extract_strided_slice %select_n3A_732 {offsets = [0, 0], sizes = [16, 2], strides = [1, 1]} : vector<16x512xf32> to vector<16x2xf32>
    %concatenate3A_745 = tpu.concatenate %slice3A_743, %slice3A_744 in 1 : vector<16x510xf32>, vector<16x2xf32> -> vector<16x512xf32>
    %broadcast_in_dim3A_746 = vector.shape_cast %ne3A_739 : vector<1x512xi1> to vector<1x512xi1>
    %broadcast_in_dim3A_747 = vector.broadcast %broadcast_in_dim3A_746 : vector<1x512xi1> to vector<16x512xi1>
    %select_n3A_748 = arith.select %broadcast_in_dim3A_747, %concatenate3A_742, %concatenate3A_745 : vector<16x512xi1>, vector<16x512xf32>
    %slice3A_749 = vector.extract_strided_slice %select_n3A_733 {offsets = [0, 510], sizes = [16, 2], strides = [1, 1]} : vector<16x512xi32> to vector<16x2xi32>
    %slice3A_750 = vector.extract_strided_slice %select_n3A_733 {offsets = [0, 0], sizes = [16, 510], strides = [1, 1]} : vector<16x512xi32> to vector<16x510xi32>
    %concatenate3A_751 = tpu.concatenate %slice3A_749, %slice3A_750 in 1 : vector<16x2xi32>, vector<16x510xi32> -> vector<16x512xi32>
    %slice3A_752 = vector.extract_strided_slice %select_n3A_733 {offsets = [0, 2], sizes = [16, 510], strides = [1, 1]} : vector<16x512xi32> to vector<16x510xi32>
    %slice3A_753 = vector.extract_strided_slice %select_n3A_733 {offsets = [0, 0], sizes = [16, 2], strides = [1, 1]} : vector<16x512xi32> to vector<16x2xi32>
    %concatenate3A_754 = tpu.concatenate %slice3A_752, %slice3A_753 in 1 : vector<16x510xi32>, vector<16x2xi32> -> vector<16x512xi32>
    %broadcast_in_dim3A_755 = vector.shape_cast %ne3A_739 : vector<1x512xi1> to vector<1x512xi1>
    %broadcast_in_dim3A_756 = vector.broadcast %broadcast_in_dim3A_755 : vector<1x512xi1> to vector<16x512xi1>
    %select_n3A_757 = arith.select %broadcast_in_dim3A_756, %concatenate3A_751, %concatenate3A_754 : vector<16x512xi1>, vector<16x512xi32>
    %gt3A_758 = arith.cmpf ogt, %select_n3A_732, %select_n3A_748 : vector<16x512xf32>
    %eq3A_759 = arith.cmpf oeq, %select_n3A_732, %select_n3A_748 : vector<16x512xf32>
    %lt3A_760 = arith.cmpi slt, %select_n3A_733, %select_n3A_757 : vector<16x512xi32>
    %and3A_761 = arith.andi %eq3A_759, %lt3A_760 : vector<16x512xi1>
    %or3A_762 = arith.ori %gt3A_758, %and3A_761 : vector<16x512xi1>
    %ne3A_763 = arith.xori %eq3A_585, %ne3A_739 : vector<1x512xi1>
    %eq3A_764 = vector.broadcast %ne3A_763 : vector<1x512xi1> to vector<16x512xi1>
    %eq3A_765 = vector.broadcast %eq3A_764 : vector<16x512xi1> to vector<16x512xi1>
    %eq3A_766 = arith.xori %eq3A_765, %or3A_762 : vector<16x512xi1>
    %eq3A_767 = arith.constant dense<true> : vector<16x512xi1>
    %eq3A_768 = arith.xori %eq3A_766, %eq3A_767 : vector<16x512xi1>
    %select_n3A_769 = arith.select %eq3A_768, %select_n3A_732, %select_n3A_748 : vector<16x512xi1>, vector<16x512xf32>
    %select_n3A_770 = arith.select %eq3A_768, %select_n3A_733, %select_n3A_757 : vector<16x512xi1>, vector<16x512xi32>
    %and3A_771 = arith.constant 1 : i32
    %and3A_772 = vector.broadcast %and3A_771 : i32 to vector<1x512xi32>
    %and3A_773 = arith.andi %iota3A, %and3A_772 : vector<1x512xi32>
    %ne3A_774 = arith.constant 0 : i32
    %ne3A_775 = vector.broadcast %ne3A_774 : i32 to vector<1x512xi32>
    %ne3A_776 = arith.cmpi ne, %and3A_773, %ne3A_775 : vector<1x512xi32>
    %slice3A_777 = vector.extract_strided_slice %select_n3A_769 {offsets = [0, 511], sizes = [16, 1], strides = [1, 1]} : vector<16x512xf32> to vector<16x1xf32>
    %slice3A_778 = vector.extract_strided_slice %select_n3A_769 {offsets = [0, 0], sizes = [16, 511], strides = [1, 1]} : vector<16x512xf32> to vector<16x511xf32>
    %concatenate3A_779 = tpu.concatenate %slice3A_777, %slice3A_778 in 1 : vector<16x1xf32>, vector<16x511xf32> -> vector<16x512xf32>
    %slice3A_780 = vector.extract_strided_slice %select_n3A_769 {offsets = [0, 1], sizes = [16, 511], strides = [1, 1]} : vector<16x512xf32> to vector<16x511xf32>
    %slice3A_781 = vector.extract_strided_slice %select_n3A_769 {offsets = [0, 0], sizes = [16, 1], strides = [1, 1]} : vector<16x512xf32> to vector<16x1xf32>
    %concatenate3A_782 = tpu.concatenate %slice3A_780, %slice3A_781 in 1 : vector<16x511xf32>, vector<16x1xf32> -> vector<16x512xf32>
    %broadcast_in_dim3A_783 = vector.shape_cast %ne3A_776 : vector<1x512xi1> to vector<1x512xi1>
    %broadcast_in_dim3A_784 = vector.broadcast %broadcast_in_dim3A_783 : vector<1x512xi1> to vector<16x512xi1>
    %select_n3A_785 = arith.select %broadcast_in_dim3A_784, %concatenate3A_779, %concatenate3A_782 : vector<16x512xi1>, vector<16x512xf32>
    %slice3A_786 = vector.extract_strided_slice %select_n3A_770 {offsets = [0, 511], sizes = [16, 1], strides = [1, 1]} : vector<16x512xi32> to vector<16x1xi32>
    %slice3A_787 = vector.extract_strided_slice %select_n3A_770 {offsets = [0, 0], sizes = [16, 511], strides = [1, 1]} : vector<16x512xi32> to vector<16x511xi32>
    %concatenate3A_788 = tpu.concatenate %slice3A_786, %slice3A_787 in 1 : vector<16x1xi32>, vector<16x511xi32> -> vector<16x512xi32>
    %slice3A_789 = vector.extract_strided_slice %select_n3A_770 {offsets = [0, 1], sizes = [16, 511], strides = [1, 1]} : vector<16x512xi32> to vector<16x511xi32>
    %slice3A_790 = vector.extract_strided_slice %select_n3A_770 {offsets = [0, 0], sizes = [16, 1], strides = [1, 1]} : vector<16x512xi32> to vector<16x1xi32>
    %concatenate3A_791 = tpu.concatenate %slice3A_789, %slice3A_790 in 1 : vector<16x511xi32>, vector<16x1xi32> -> vector<16x512xi32>
    %broadcast_in_dim3A_792 = vector.shape_cast %ne3A_776 : vector<1x512xi1> to vector<1x512xi1>
    %broadcast_in_dim3A_793 = vector.broadcast %broadcast_in_dim3A_792 : vector<1x512xi1> to vector<16x512xi1>
    %select_n3A_794 = arith.select %broadcast_in_dim3A_793, %concatenate3A_788, %concatenate3A_791 : vector<16x512xi1>, vector<16x512xi32>
    %gt3A_795 = arith.cmpf ogt, %select_n3A_769, %select_n3A_785 : vector<16x512xf32>
    %eq3A_796 = arith.cmpf oeq, %select_n3A_769, %select_n3A_785 : vector<16x512xf32>
    %lt3A_797 = arith.cmpi slt, %select_n3A_770, %select_n3A_794 : vector<16x512xi32>
    %and3A_798 = arith.andi %eq3A_796, %lt3A_797 : vector<16x512xi1>
    %or3A_799 = arith.ori %gt3A_795, %and3A_798 : vector<16x512xi1>
    %ne3A_800 = arith.xori %eq3A_585, %ne3A_776 : vector<1x512xi1>
    %eq3A_801 = vector.broadcast %ne3A_800 : vector<1x512xi1> to vector<16x512xi1>
    %eq3A_802 = vector.broadcast %eq3A_801 : vector<16x512xi1> to vector<16x512xi1>
    %eq3A_803 = arith.xori %eq3A_802, %or3A_799 : vector<16x512xi1>
    %eq3A_804 = arith.constant dense<true> : vector<16x512xi1>
    %eq3A_805 = arith.xori %eq3A_803, %eq3A_804 : vector<16x512xi1>
    %select_n3A_806 = arith.select %eq3A_805, %select_n3A_769, %select_n3A_785 : vector<16x512xi1>, vector<16x512xf32>
    %select_n3A_807 = arith.select %eq3A_805, %select_n3A_770, %select_n3A_794 : vector<16x512xi1>, vector<16x512xi32>
    %and3A_808 = arith.constant 128 : i32
    %and3A_809 = vector.broadcast %and3A_808 : i32 to vector<1x512xi32>
    %and3A_810 = arith.andi %iota3A, %and3A_809 : vector<1x512xi32>
    %eq3A_811 = arith.constant 0 : i32
    %eq3A_812 = vector.broadcast %eq3A_811 : i32 to vector<1x512xi32>
    %eq3A_813 = arith.cmpi eq, %and3A_810, %eq3A_812 : vector<1x512xi32>
    %and3A_814 = arith.constant 64 : i32
    %and3A_815 = vector.broadcast %and3A_814 : i32 to vector<1x512xi32>
    %and3A_816 = arith.andi %iota3A, %and3A_815 : vector<1x512xi32>
    %ne3A_817 = arith.constant 0 : i32
    %ne3A_818 = vector.broadcast %ne3A_817 : i32 to vector<1x512xi32>
    %ne3A_819 = arith.cmpi ne, %and3A_816, %ne3A_818 : vector<1x512xi32>
    %slice3A_820 = vector.extract_strided_slice %select_n3A_806 {offsets = [0, 448], sizes = [16, 64], strides = [1, 1]} : vector<16x512xf32> to vector<16x64xf32>
    %slice3A_821 = vector.extract_strided_slice %select_n3A_806 {offsets = [0, 0], sizes = [16, 448], strides = [1, 1]} : vector<16x512xf32> to vector<16x448xf32>
    %concatenate3A_822 = tpu.concatenate %slice3A_820, %slice3A_821 in 1 : vector<16x64xf32>, vector<16x448xf32> -> vector<16x512xf32>
    %slice3A_823 = vector.extract_strided_slice %select_n3A_806 {offsets = [0, 64], sizes = [16, 448], strides = [1, 1]} : vector<16x512xf32> to vector<16x448xf32>
    %slice3A_824 = vector.extract_strided_slice %select_n3A_806 {offsets = [0, 0], sizes = [16, 64], strides = [1, 1]} : vector<16x512xf32> to vector<16x64xf32>
    %concatenate3A_825 = tpu.concatenate %slice3A_823, %slice3A_824 in 1 : vector<16x448xf32>, vector<16x64xf32> -> vector<16x512xf32>
    %broadcast_in_dim3A_826 = vector.shape_cast %ne3A_819 : vector<1x512xi1> to vector<1x512xi1>
    %broadcast_in_dim3A_827 = vector.broadcast %broadcast_in_dim3A_826 : vector<1x512xi1> to vector<16x512xi1>
    %select_n3A_828 = arith.select %broadcast_in_dim3A_827, %concatenate3A_822, %concatenate3A_825 : vector<16x512xi1>, vector<16x512xf32>
    %slice3A_829 = vector.extract_strided_slice %select_n3A_807 {offsets = [0, 448], sizes = [16, 64], strides = [1, 1]} : vector<16x512xi32> to vector<16x64xi32>
    %slice3A_830 = vector.extract_strided_slice %select_n3A_807 {offsets = [0, 0], sizes = [16, 448], strides = [1, 1]} : vector<16x512xi32> to vector<16x448xi32>
    %concatenate3A_831 = tpu.concatenate %slice3A_829, %slice3A_830 in 1 : vector<16x64xi32>, vector<16x448xi32> -> vector<16x512xi32>
    %slice3A_832 = vector.extract_strided_slice %select_n3A_807 {offsets = [0, 64], sizes = [16, 448], strides = [1, 1]} : vector<16x512xi32> to vector<16x448xi32>
    %slice3A_833 = vector.extract_strided_slice %select_n3A_807 {offsets = [0, 0], sizes = [16, 64], strides = [1, 1]} : vector<16x512xi32> to vector<16x64xi32>
    %concatenate3A_834 = tpu.concatenate %slice3A_832, %slice3A_833 in 1 : vector<16x448xi32>, vector<16x64xi32> -> vector<16x512xi32>
    %broadcast_in_dim3A_835 = vector.shape_cast %ne3A_819 : vector<1x512xi1> to vector<1x512xi1>
    %broadcast_in_dim3A_836 = vector.broadcast %broadcast_in_dim3A_835 : vector<1x512xi1> to vector<16x512xi1>
    %select_n3A_837 = arith.select %broadcast_in_dim3A_836, %concatenate3A_831, %concatenate3A_834 : vector<16x512xi1>, vector<16x512xi32>
    %gt3A_838 = arith.cmpf ogt, %select_n3A_806, %select_n3A_828 : vector<16x512xf32>
    %eq3A_839 = arith.cmpf oeq, %select_n3A_806, %select_n3A_828 : vector<16x512xf32>
    %lt3A_840 = arith.cmpi slt, %select_n3A_807, %select_n3A_837 : vector<16x512xi32>
    %and3A_841 = arith.andi %eq3A_839, %lt3A_840 : vector<16x512xi1>
    %or3A_842 = arith.ori %gt3A_838, %and3A_841 : vector<16x512xi1>
    %ne3A_843 = arith.xori %eq3A_813, %ne3A_819 : vector<1x512xi1>
    %eq3A_844 = vector.broadcast %ne3A_843 : vector<1x512xi1> to vector<16x512xi1>
    %eq3A_845 = vector.broadcast %eq3A_844 : vector<16x512xi1> to vector<16x512xi1>
    %eq3A_846 = arith.xori %eq3A_845, %or3A_842 : vector<16x512xi1>
    %eq3A_847 = arith.constant dense<true> : vector<16x512xi1>
    %eq3A_848 = arith.xori %eq3A_846, %eq3A_847 : vector<16x512xi1>
    %select_n3A_849 = arith.select %eq3A_848, %select_n3A_806, %select_n3A_828 : vector<16x512xi1>, vector<16x512xf32>
    %select_n3A_850 = arith.select %eq3A_848, %select_n3A_807, %select_n3A_837 : vector<16x512xi1>, vector<16x512xi32>
    %and3A_851 = arith.constant 32 : i32
    %and3A_852 = vector.broadcast %and3A_851 : i32 to vector<1x512xi32>
    %and3A_853 = arith.andi %iota3A, %and3A_852 : vector<1x512xi32>
    %ne3A_854 = arith.constant 0 : i32
    %ne3A_855 = vector.broadcast %ne3A_854 : i32 to vector<1x512xi32>
    %ne3A_856 = arith.cmpi ne, %and3A_853, %ne3A_855 : vector<1x512xi32>
    %slice3A_857 = vector.extract_strided_slice %select_n3A_849 {offsets = [0, 480], sizes = [16, 32], strides = [1, 1]} : vector<16x512xf32> to vector<16x32xf32>
    %slice3A_858 = vector.extract_strided_slice %select_n3A_849 {offsets = [0, 0], sizes = [16, 480], strides = [1, 1]} : vector<16x512xf32> to vector<16x480xf32>
    %concatenate3A_859 = tpu.concatenate %slice3A_857, %slice3A_858 in 1 : vector<16x32xf32>, vector<16x480xf32> -> vector<16x512xf32>
    %slice3A_860 = vector.extract_strided_slice %select_n3A_849 {offsets = [0, 32], sizes = [16, 480], strides = [1, 1]} : vector<16x512xf32> to vector<16x480xf32>
    %slice3A_861 = vector.extract_strided_slice %select_n3A_849 {offsets = [0, 0], sizes = [16, 32], strides = [1, 1]} : vector<16x512xf32> to vector<16x32xf32>
    %concatenate3A_862 = tpu.concatenate %slice3A_860, %slice3A_861 in 1 : vector<16x480xf32>, vector<16x32xf32> -> vector<16x512xf32>
    %broadcast_in_dim3A_863 = vector.shape_cast %ne3A_856 : vector<1x512xi1> to vector<1x512xi1>
    %broadcast_in_dim3A_864 = vector.broadcast %broadcast_in_dim3A_863 : vector<1x512xi1> to vector<16x512xi1>
    %select_n3A_865 = arith.select %broadcast_in_dim3A_864, %concatenate3A_859, %concatenate3A_862 : vector<16x512xi1>, vector<16x512xf32>
    %slice3A_866 = vector.extract_strided_slice %select_n3A_850 {offsets = [0, 480], sizes = [16, 32], strides = [1, 1]} : vector<16x512xi32> to vector<16x32xi32>
    %slice3A_867 = vector.extract_strided_slice %select_n3A_850 {offsets = [0, 0], sizes = [16, 480], strides = [1, 1]} : vector<16x512xi32> to vector<16x480xi32>
    %concatenate3A_868 = tpu.concatenate %slice3A_866, %slice3A_867 in 1 : vector<16x32xi32>, vector<16x480xi32> -> vector<16x512xi32>
    %slice3A_869 = vector.extract_strided_slice %select_n3A_850 {offsets = [0, 32], sizes = [16, 480], strides = [1, 1]} : vector<16x512xi32> to vector<16x480xi32>
    %slice3A_870 = vector.extract_strided_slice %select_n3A_850 {offsets = [0, 0], sizes = [16, 32], strides = [1, 1]} : vector<16x512xi32> to vector<16x32xi32>
    %concatenate3A_871 = tpu.concatenate %slice3A_869, %slice3A_870 in 1 : vector<16x480xi32>, vector<16x32xi32> -> vector<16x512xi32>
    %broadcast_in_dim3A_872 = vector.shape_cast %ne3A_856 : vector<1x512xi1> to vector<1x512xi1>
    %broadcast_in_dim3A_873 = vector.broadcast %broadcast_in_dim3A_872 : vector<1x512xi1> to vector<16x512xi1>
    %select_n3A_874 = arith.select %broadcast_in_dim3A_873, %concatenate3A_868, %concatenate3A_871 : vector<16x512xi1>, vector<16x512xi32>
    %gt3A_875 = arith.cmpf ogt, %select_n3A_849, %select_n3A_865 : vector<16x512xf32>
    %eq3A_876 = arith.cmpf oeq, %select_n3A_849, %select_n3A_865 : vector<16x512xf32>
    %lt3A_877 = arith.cmpi slt, %select_n3A_850, %select_n3A_874 : vector<16x512xi32>
    %and3A_878 = arith.andi %eq3A_876, %lt3A_877 : vector<16x512xi1>
    %or3A_879 = arith.ori %gt3A_875, %and3A_878 : vector<16x512xi1>
    %ne3A_880 = arith.xori %eq3A_813, %ne3A_856 : vector<1x512xi1>
    %eq3A_881 = vector.broadcast %ne3A_880 : vector<1x512xi1> to vector<16x512xi1>
    %eq3A_882 = vector.broadcast %eq3A_881 : vector<16x512xi1> to vector<16x512xi1>
    %eq3A_883 = arith.xori %eq3A_882, %or3A_879 : vector<16x512xi1>
    %eq3A_884 = arith.constant dense<true> : vector<16x512xi1>
    %eq3A_885 = arith.xori %eq3A_883, %eq3A_884 : vector<16x512xi1>
    %select_n3A_886 = arith.select %eq3A_885, %select_n3A_849, %select_n3A_865 : vector<16x512xi1>, vector<16x512xf32>
    %select_n3A_887 = arith.select %eq3A_885, %select_n3A_850, %select_n3A_874 : vector<16x512xi1>, vector<16x512xi32>
    %and3A_888 = arith.constant 16 : i32
    %and3A_889 = vector.broadcast %and3A_888 : i32 to vector<1x512xi32>
    %and3A_890 = arith.andi %iota3A, %and3A_889 : vector<1x512xi32>
    %ne3A_891 = arith.constant 0 : i32
    %ne3A_892 = vector.broadcast %ne3A_891 : i32 to vector<1x512xi32>
    %ne3A_893 = arith.cmpi ne, %and3A_890, %ne3A_892 : vector<1x512xi32>
    %slice3A_894 = vector.extract_strided_slice %select_n3A_886 {offsets = [0, 496], sizes = [16, 16], strides = [1, 1]} : vector<16x512xf32> to vector<16x16xf32>
    %slice3A_895 = vector.extract_strided_slice %select_n3A_886 {offsets = [0, 0], sizes = [16, 496], strides = [1, 1]} : vector<16x512xf32> to vector<16x496xf32>
    %concatenate3A_896 = tpu.concatenate %slice3A_894, %slice3A_895 in 1 : vector<16x16xf32>, vector<16x496xf32> -> vector<16x512xf32>
    %slice3A_897 = vector.extract_strided_slice %select_n3A_886 {offsets = [0, 16], sizes = [16, 496], strides = [1, 1]} : vector<16x512xf32> to vector<16x496xf32>
    %slice3A_898 = vector.extract_strided_slice %select_n3A_886 {offsets = [0, 0], sizes = [16, 16], strides = [1, 1]} : vector<16x512xf32> to vector<16x16xf32>
    %concatenate3A_899 = tpu.concatenate %slice3A_897, %slice3A_898 in 1 : vector<16x496xf32>, vector<16x16xf32> -> vector<16x512xf32>
    %broadcast_in_dim3A_900 = vector.shape_cast %ne3A_893 : vector<1x512xi1> to vector<1x512xi1>
    %broadcast_in_dim3A_901 = vector.broadcast %broadcast_in_dim3A_900 : vector<1x512xi1> to vector<16x512xi1>
    %select_n3A_902 = arith.select %broadcast_in_dim3A_901, %concatenate3A_896, %concatenate3A_899 : vector<16x512xi1>, vector<16x512xf32>
    %slice3A_903 = vector.extract_strided_slice %select_n3A_887 {offsets = [0, 496], sizes = [16, 16], strides = [1, 1]} : vector<16x512xi32> to vector<16x16xi32>
    %slice3A_904 = vector.extract_strided_slice %select_n3A_887 {offsets = [0, 0], sizes = [16, 496], strides = [1, 1]} : vector<16x512xi32> to vector<16x496xi32>
    %concatenate3A_905 = tpu.concatenate %slice3A_903, %slice3A_904 in 1 : vector<16x16xi32>, vector<16x496xi32> -> vector<16x512xi32>
    %slice3A_906 = vector.extract_strided_slice %select_n3A_887 {offsets = [0, 16], sizes = [16, 496], strides = [1, 1]} : vector<16x512xi32> to vector<16x496xi32>
    %slice3A_907 = vector.extract_strided_slice %select_n3A_887 {offsets = [0, 0], sizes = [16, 16], strides = [1, 1]} : vector<16x512xi32> to vector<16x16xi32>
    %concatenate3A_908 = tpu.concatenate %slice3A_906, %slice3A_907 in 1 : vector<16x496xi32>, vector<16x16xi32> -> vector<16x512xi32>
    %broadcast_in_dim3A_909 = vector.shape_cast %ne3A_893 : vector<1x512xi1> to vector<1x512xi1>
    %broadcast_in_dim3A_910 = vector.broadcast %broadcast_in_dim3A_909 : vector<1x512xi1> to vector<16x512xi1>
    %select_n3A_911 = arith.select %broadcast_in_dim3A_910, %concatenate3A_905, %concatenate3A_908 : vector<16x512xi1>, vector<16x512xi32>
    %gt3A_912 = arith.cmpf ogt, %select_n3A_886, %select_n3A_902 : vector<16x512xf32>
    %eq3A_913 = arith.cmpf oeq, %select_n3A_886, %select_n3A_902 : vector<16x512xf32>
    %lt3A_914 = arith.cmpi slt, %select_n3A_887, %select_n3A_911 : vector<16x512xi32>
    %and3A_915 = arith.andi %eq3A_913, %lt3A_914 : vector<16x512xi1>
    %or3A_916 = arith.ori %gt3A_912, %and3A_915 : vector<16x512xi1>
    %ne3A_917 = arith.xori %eq3A_813, %ne3A_893 : vector<1x512xi1>
    %eq3A_918 = vector.broadcast %ne3A_917 : vector<1x512xi1> to vector<16x512xi1>
    %eq3A_919 = vector.broadcast %eq3A_918 : vector<16x512xi1> to vector<16x512xi1>
    %eq3A_920 = arith.xori %eq3A_919, %or3A_916 : vector<16x512xi1>
    %eq3A_921 = arith.constant dense<true> : vector<16x512xi1>
    %eq3A_922 = arith.xori %eq3A_920, %eq3A_921 : vector<16x512xi1>
    %select_n3A_923 = arith.select %eq3A_922, %select_n3A_886, %select_n3A_902 : vector<16x512xi1>, vector<16x512xf32>
    %select_n3A_924 = arith.select %eq3A_922, %select_n3A_887, %select_n3A_911 : vector<16x512xi1>, vector<16x512xi32>
    %and3A_925 = arith.constant 8 : i32
    %and3A_926 = vector.broadcast %and3A_925 : i32 to vector<1x512xi32>
    %and3A_927 = arith.andi %iota3A, %and3A_926 : vector<1x512xi32>
    %ne3A_928 = arith.constant 0 : i32
    %ne3A_929 = vector.broadcast %ne3A_928 : i32 to vector<1x512xi32>
    %ne3A_930 = arith.cmpi ne, %and3A_927, %ne3A_929 : vector<1x512xi32>
    %slice3A_931 = vector.extract_strided_slice %select_n3A_923 {offsets = [0, 504], sizes = [16, 8], strides = [1, 1]} : vector<16x512xf32> to vector<16x8xf32>
    %slice3A_932 = vector.extract_strided_slice %select_n3A_923 {offsets = [0, 0], sizes = [16, 504], strides = [1, 1]} : vector<16x512xf32> to vector<16x504xf32>
    %concatenate3A_933 = tpu.concatenate %slice3A_931, %slice3A_932 in 1 : vector<16x8xf32>, vector<16x504xf32> -> vector<16x512xf32>
    %slice3A_934 = vector.extract_strided_slice %select_n3A_923 {offsets = [0, 8], sizes = [16, 504], strides = [1, 1]} : vector<16x512xf32> to vector<16x504xf32>
    %slice3A_935 = vector.extract_strided_slice %select_n3A_923 {offsets = [0, 0], sizes = [16, 8], strides = [1, 1]} : vector<16x512xf32> to vector<16x8xf32>
    %concatenate3A_936 = tpu.concatenate %slice3A_934, %slice3A_935 in 1 : vector<16x504xf32>, vector<16x8xf32> -> vector<16x512xf32>
    %broadcast_in_dim3A_937 = vector.shape_cast %ne3A_930 : vector<1x512xi1> to vector<1x512xi1>
    %broadcast_in_dim3A_938 = vector.broadcast %broadcast_in_dim3A_937 : vector<1x512xi1> to vector<16x512xi1>
    %select_n3A_939 = arith.select %broadcast_in_dim3A_938, %concatenate3A_933, %concatenate3A_936 : vector<16x512xi1>, vector<16x512xf32>
    %slice3A_940 = vector.extract_strided_slice %select_n3A_924 {offsets = [0, 504], sizes = [16, 8], strides = [1, 1]} : vector<16x512xi32> to vector<16x8xi32>
    %slice3A_941 = vector.extract_strided_slice %select_n3A_924 {offsets = [0, 0], sizes = [16, 504], strides = [1, 1]} : vector<16x512xi32> to vector<16x504xi32>
    %concatenate3A_942 = tpu.concatenate %slice3A_940, %slice3A_941 in 1 : vector<16x8xi32>, vector<16x504xi32> -> vector<16x512xi32>
    %slice3A_943 = vector.extract_strided_slice %select_n3A_924 {offsets = [0, 8], sizes = [16, 504], strides = [1, 1]} : vector<16x512xi32> to vector<16x504xi32>
    %slice3A_944 = vector.extract_strided_slice %select_n3A_924 {offsets = [0, 0], sizes = [16, 8], strides = [1, 1]} : vector<16x512xi32> to vector<16x8xi32>
    %concatenate3A_945 = tpu.concatenate %slice3A_943, %slice3A_944 in 1 : vector<16x504xi32>, vector<16x8xi32> -> vector<16x512xi32>
    %broadcast_in_dim3A_946 = vector.shape_cast %ne3A_930 : vector<1x512xi1> to vector<1x512xi1>
    %broadcast_in_dim3A_947 = vector.broadcast %broadcast_in_dim3A_946 : vector<1x512xi1> to vector<16x512xi1>
    %select_n3A_948 = arith.select %broadcast_in_dim3A_947, %concatenate3A_942, %concatenate3A_945 : vector<16x512xi1>, vector<16x512xi32>
    %gt3A_949 = arith.cmpf ogt, %select_n3A_923, %select_n3A_939 : vector<16x512xf32>
    %eq3A_950 = arith.cmpf oeq, %select_n3A_923, %select_n3A_939 : vector<16x512xf32>
    %lt3A_951 = arith.cmpi slt, %select_n3A_924, %select_n3A_948 : vector<16x512xi32>
    %and3A_952 = arith.andi %eq3A_950, %lt3A_951 : vector<16x512xi1>
    %or3A_953 = arith.ori %gt3A_949, %and3A_952 : vector<16x512xi1>
    %ne3A_954 = arith.xori %eq3A_813, %ne3A_930 : vector<1x512xi1>
    %eq3A_955 = vector.broadcast %ne3A_954 : vector<1x512xi1> to vector<16x512xi1>
    %eq3A_956 = vector.broadcast %eq3A_955 : vector<16x512xi1> to vector<16x512xi1>
    %eq3A_957 = arith.xori %eq3A_956, %or3A_953 : vector<16x512xi1>
    %eq3A_958 = arith.constant dense<true> : vector<16x512xi1>
    %eq3A_959 = arith.xori %eq3A_957, %eq3A_958 : vector<16x512xi1>
    %select_n3A_960 = arith.select %eq3A_959, %select_n3A_923, %select_n3A_939 : vector<16x512xi1>, vector<16x512xf32>
    %select_n3A_961 = arith.select %eq3A_959, %select_n3A_924, %select_n3A_948 : vector<16x512xi1>, vector<16x512xi32>
    %and3A_962 = arith.constant 4 : i32
    %and3A_963 = vector.broadcast %and3A_962 : i32 to vector<1x512xi32>
    %and3A_964 = arith.andi %iota3A, %and3A_963 : vector<1x512xi32>
    %ne3A_965 = arith.constant 0 : i32
    %ne3A_966 = vector.broadcast %ne3A_965 : i32 to vector<1x512xi32>
    %ne3A_967 = arith.cmpi ne, %and3A_964, %ne3A_966 : vector<1x512xi32>
    %slice3A_968 = vector.extract_strided_slice %select_n3A_960 {offsets = [0, 508], sizes = [16, 4], strides = [1, 1]} : vector<16x512xf32> to vector<16x4xf32>
    %slice3A_969 = vector.extract_strided_slice %select_n3A_960 {offsets = [0, 0], sizes = [16, 508], strides = [1, 1]} : vector<16x512xf32> to vector<16x508xf32>
    %concatenate3A_970 = tpu.concatenate %slice3A_968, %slice3A_969 in 1 : vector<16x4xf32>, vector<16x508xf32> -> vector<16x512xf32>
    %slice3A_971 = vector.extract_strided_slice %select_n3A_960 {offsets = [0, 4], sizes = [16, 508], strides = [1, 1]} : vector<16x512xf32> to vector<16x508xf32>
    %slice3A_972 = vector.extract_strided_slice %select_n3A_960 {offsets = [0, 0], sizes = [16, 4], strides = [1, 1]} : vector<16x512xf32> to vector<16x4xf32>
    %concatenate3A_973 = tpu.concatenate %slice3A_971, %slice3A_972 in 1 : vector<16x508xf32>, vector<16x4xf32> -> vector<16x512xf32>
    %broadcast_in_dim3A_974 = vector.shape_cast %ne3A_967 : vector<1x512xi1> to vector<1x512xi1>
    %broadcast_in_dim3A_975 = vector.broadcast %broadcast_in_dim3A_974 : vector<1x512xi1> to vector<16x512xi1>
    %select_n3A_976 = arith.select %broadcast_in_dim3A_975, %concatenate3A_970, %concatenate3A_973 : vector<16x512xi1>, vector<16x512xf32>
    %slice3A_977 = vector.extract_strided_slice %select_n3A_961 {offsets = [0, 508], sizes = [16, 4], strides = [1, 1]} : vector<16x512xi32> to vector<16x4xi32>
    %slice3A_978 = vector.extract_strided_slice %select_n3A_961 {offsets = [0, 0], sizes = [16, 508], strides = [1, 1]} : vector<16x512xi32> to vector<16x508xi32>
    %concatenate3A_979 = tpu.concatenate %slice3A_977, %slice3A_978 in 1 : vector<16x4xi32>, vector<16x508xi32> -> vector<16x512xi32>
    %slice3A_980 = vector.extract_strided_slice %select_n3A_961 {offsets = [0, 4], sizes = [16, 508], strides = [1, 1]} : vector<16x512xi32> to vector<16x508xi32>
    %slice3A_981 = vector.extract_strided_slice %select_n3A_961 {offsets = [0, 0], sizes = [16, 4], strides = [1, 1]} : vector<16x512xi32> to vector<16x4xi32>
    %concatenate3A_982 = tpu.concatenate %slice3A_980, %slice3A_981 in 1 : vector<16x508xi32>, vector<16x4xi32> -> vector<16x512xi32>
    %broadcast_in_dim3A_983 = vector.shape_cast %ne3A_967 : vector<1x512xi1> to vector<1x512xi1>
    %broadcast_in_dim3A_984 = vector.broadcast %broadcast_in_dim3A_983 : vector<1x512xi1> to vector<16x512xi1>
    %select_n3A_985 = arith.select %broadcast_in_dim3A_984, %concatenate3A_979, %concatenate3A_982 : vector<16x512xi1>, vector<16x512xi32>
    %gt3A_986 = arith.cmpf ogt, %select_n3A_960, %select_n3A_976 : vector<16x512xf32>
    %eq3A_987 = arith.cmpf oeq, %select_n3A_960, %select_n3A_976 : vector<16x512xf32>
    %lt3A_988 = arith.cmpi slt, %select_n3A_961, %select_n3A_985 : vector<16x512xi32>
    %and3A_989 = arith.andi %eq3A_987, %lt3A_988 : vector<16x512xi1>
    %or3A_990 = arith.ori %gt3A_986, %and3A_989 : vector<16x512xi1>
    %ne3A_991 = arith.xori %eq3A_813, %ne3A_967 : vector<1x512xi1>
    %eq3A_992 = vector.broadcast %ne3A_991 : vector<1x512xi1> to vector<16x512xi1>
    %eq3A_993 = vector.broadcast %eq3A_992 : vector<16x512xi1> to vector<16x512xi1>
    %eq3A_994 = arith.xori %eq3A_993, %or3A_990 : vector<16x512xi1>
    %eq3A_995 = arith.constant dense<true> : vector<16x512xi1>
    %eq3A_996 = arith.xori %eq3A_994, %eq3A_995 : vector<16x512xi1>
    %select_n3A_997 = arith.select %eq3A_996, %select_n3A_960, %select_n3A_976 : vector<16x512xi1>, vector<16x512xf32>
    %select_n3A_998 = arith.select %eq3A_996, %select_n3A_961, %select_n3A_985 : vector<16x512xi1>, vector<16x512xi32>
    %and3A_999 = arith.constant 2 : i32
    %and3A_1000 = vector.broadcast %and3A_999 : i32 to vector<1x512xi32>
    %and3A_1001 = arith.andi %iota3A, %and3A_1000 : vector<1x512xi32>
    %ne3A_1002 = arith.constant 0 : i32
    %ne3A_1003 = vector.broadcast %ne3A_1002 : i32 to vector<1x512xi32>
    %ne3A_1004 = arith.cmpi ne, %and3A_1001, %ne3A_1003 : vector<1x512xi32>
    %slice3A_1005 = vector.extract_strided_slice %select_n3A_997 {offsets = [0, 510], sizes = [16, 2], strides = [1, 1]} : vector<16x512xf32> to vector<16x2xf32>
    %slice3A_1006 = vector.extract_strided_slice %select_n3A_997 {offsets = [0, 0], sizes = [16, 510], strides = [1, 1]} : vector<16x512xf32> to vector<16x510xf32>
    %concatenate3A_1007 = tpu.concatenate %slice3A_1005, %slice3A_1006 in 1 : vector<16x2xf32>, vector<16x510xf32> -> vector<16x512xf32>
    %slice3A_1008 = vector.extract_strided_slice %select_n3A_997 {offsets = [0, 2], sizes = [16, 510], strides = [1, 1]} : vector<16x512xf32> to vector<16x510xf32>
    %slice3A_1009 = vector.extract_strided_slice %select_n3A_997 {offsets = [0, 0], sizes = [16, 2], strides = [1, 1]} : vector<16x512xf32> to vector<16x2xf32>
    %concatenate3A_1010 = tpu.concatenate %slice3A_1008, %slice3A_1009 in 1 : vector<16x510xf32>, vector<16x2xf32> -> vector<16x512xf32>
    %broadcast_in_dim3A_1011 = vector.shape_cast %ne3A_1004 : vector<1x512xi1> to vector<1x512xi1>
    %broadcast_in_dim3A_1012 = vector.broadcast %broadcast_in_dim3A_1011 : vector<1x512xi1> to vector<16x512xi1>
    %select_n3A_1013 = arith.select %broadcast_in_dim3A_1012, %concatenate3A_1007, %concatenate3A_1010 : vector<16x512xi1>, vector<16x512xf32>
    %slice3A_1014 = vector.extract_strided_slice %select_n3A_998 {offsets = [0, 510], sizes = [16, 2], strides = [1, 1]} : vector<16x512xi32> to vector<16x2xi32>
    %slice3A_1015 = vector.extract_strided_slice %select_n3A_998 {offsets = [0, 0], sizes = [16, 510], strides = [1, 1]} : vector<16x512xi32> to vector<16x510xi32>
    %concatenate3A_1016 = tpu.concatenate %slice3A_1014, %slice3A_1015 in 1 : vector<16x2xi32>, vector<16x510xi32> -> vector<16x512xi32>
    %slice3A_1017 = vector.extract_strided_slice %select_n3A_998 {offsets = [0, 2], sizes = [16, 510], strides = [1, 1]} : vector<16x512xi32> to vector<16x510xi32>
    %slice3A_1018 = vector.extract_strided_slice %select_n3A_998 {offsets = [0, 0], sizes = [16, 2], strides = [1, 1]} : vector<16x512xi32> to vector<16x2xi32>
    %concatenate3A_1019 = tpu.concatenate %slice3A_1017, %slice3A_1018 in 1 : vector<16x510xi32>, vector<16x2xi32> -> vector<16x512xi32>
    %broadcast_in_dim3A_1020 = vector.shape_cast %ne3A_1004 : vector<1x512xi1> to vector<1x512xi1>
    %broadcast_in_dim3A_1021 = vector.broadcast %broadcast_in_dim3A_1020 : vector<1x512xi1> to vector<16x512xi1>
    %select_n3A_1022 = arith.select %broadcast_in_dim3A_1021, %concatenate3A_1016, %concatenate3A_1019 : vector<16x512xi1>, vector<16x512xi32>
    %gt3A_1023 = arith.cmpf ogt, %select_n3A_997, %select_n3A_1013 : vector<16x512xf32>
    %eq3A_1024 = arith.cmpf oeq, %select_n3A_997, %select_n3A_1013 : vector<16x512xf32>
    %lt3A_1025 = arith.cmpi slt, %select_n3A_998, %select_n3A_1022 : vector<16x512xi32>
    %and3A_1026 = arith.andi %eq3A_1024, %lt3A_1025 : vector<16x512xi1>
    %or3A_1027 = arith.ori %gt3A_1023, %and3A_1026 : vector<16x512xi1>
    %ne3A_1028 = arith.xori %eq3A_813, %ne3A_1004 : vector<1x512xi1>
    %eq3A_1029 = vector.broadcast %ne3A_1028 : vector<1x512xi1> to vector<16x512xi1>
    %eq3A_1030 = vector.broadcast %eq3A_1029 : vector<16x512xi1> to vector<16x512xi1>
    %eq3A_1031 = arith.xori %eq3A_1030, %or3A_1027 : vector<16x512xi1>
    %eq3A_1032 = arith.constant dense<true> : vector<16x512xi1>
    %eq3A_1033 = arith.xori %eq3A_1031, %eq3A_1032 : vector<16x512xi1>
    %select_n3A_1034 = arith.select %eq3A_1033, %select_n3A_997, %select_n3A_1013 : vector<16x512xi1>, vector<16x512xf32>
    %select_n3A_1035 = arith.select %eq3A_1033, %select_n3A_998, %select_n3A_1022 : vector<16x512xi1>, vector<16x512xi32>
    %and3A_1036 = arith.constant 1 : i32
    %and3A_1037 = vector.broadcast %and3A_1036 : i32 to vector<1x512xi32>
    %and3A_1038 = arith.andi %iota3A, %and3A_1037 : vector<1x512xi32>
    %ne3A_1039 = arith.constant 0 : i32
    %ne3A_1040 = vector.broadcast %ne3A_1039 : i32 to vector<1x512xi32>
    %ne3A_1041 = arith.cmpi ne, %and3A_1038, %ne3A_1040 : vector<1x512xi32>
    %slice3A_1042 = vector.extract_strided_slice %select_n3A_1034 {offsets = [0, 511], sizes = [16, 1], strides = [1, 1]} : vector<16x512xf32> to vector<16x1xf32>
    %slice3A_1043 = vector.extract_strided_slice %select_n3A_1034 {offsets = [0, 0], sizes = [16, 511], strides = [1, 1]} : vector<16x512xf32> to vector<16x511xf32>
    %concatenate3A_1044 = tpu.concatenate %slice3A_1042, %slice3A_1043 in 1 : vector<16x1xf32>, vector<16x511xf32> -> vector<16x512xf32>
    %slice3A_1045 = vector.extract_strided_slice %select_n3A_1034 {offsets = [0, 1], sizes = [16, 511], strides = [1, 1]} : vector<16x512xf32> to vector<16x511xf32>
    %slice3A_1046 = vector.extract_strided_slice %select_n3A_1034 {offsets = [0, 0], sizes = [16, 1], strides = [1, 1]} : vector<16x512xf32> to vector<16x1xf32>
    %concatenate3A_1047 = tpu.concatenate %slice3A_1045, %slice3A_1046 in 1 : vector<16x511xf32>, vector<16x1xf32> -> vector<16x512xf32>
    %broadcast_in_dim3A_1048 = vector.shape_cast %ne3A_1041 : vector<1x512xi1> to vector<1x512xi1>
    %broadcast_in_dim3A_1049 = vector.broadcast %broadcast_in_dim3A_1048 : vector<1x512xi1> to vector<16x512xi1>
    %select_n3A_1050 = arith.select %broadcast_in_dim3A_1049, %concatenate3A_1044, %concatenate3A_1047 : vector<16x512xi1>, vector<16x512xf32>
    %slice3A_1051 = vector.extract_strided_slice %select_n3A_1035 {offsets = [0, 511], sizes = [16, 1], strides = [1, 1]} : vector<16x512xi32> to vector<16x1xi32>
    %slice3A_1052 = vector.extract_strided_slice %select_n3A_1035 {offsets = [0, 0], sizes = [16, 511], strides = [1, 1]} : vector<16x512xi32> to vector<16x511xi32>
    %concatenate3A_1053 = tpu.concatenate %slice3A_1051, %slice3A_1052 in 1 : vector<16x1xi32>, vector<16x511xi32> -> vector<16x512xi32>
    %slice3A_1054 = vector.extract_strided_slice %select_n3A_1035 {offsets = [0, 1], sizes = [16, 511], strides = [1, 1]} : vector<16x512xi32> to vector<16x511xi32>
    %slice3A_1055 = vector.extract_strided_slice %select_n3A_1035 {offsets = [0, 0], sizes = [16, 1], strides = [1, 1]} : vector<16x512xi32> to vector<16x1xi32>
    %concatenate3A_1056 = tpu.concatenate %slice3A_1054, %slice3A_1055 in 1 : vector<16x511xi32>, vector<16x1xi32> -> vector<16x512xi32>
    %broadcast_in_dim3A_1057 = vector.shape_cast %ne3A_1041 : vector<1x512xi1> to vector<1x512xi1>
    %broadcast_in_dim3A_1058 = vector.broadcast %broadcast_in_dim3A_1057 : vector<1x512xi1> to vector<16x512xi1>
    %select_n3A_1059 = arith.select %broadcast_in_dim3A_1058, %concatenate3A_1053, %concatenate3A_1056 : vector<16x512xi1>, vector<16x512xi32>
    %gt3A_1060 = arith.cmpf ogt, %select_n3A_1034, %select_n3A_1050 : vector<16x512xf32>
    %eq3A_1061 = arith.cmpf oeq, %select_n3A_1034, %select_n3A_1050 : vector<16x512xf32>
    %lt3A_1062 = arith.cmpi slt, %select_n3A_1035, %select_n3A_1059 : vector<16x512xi32>
    %and3A_1063 = arith.andi %eq3A_1061, %lt3A_1062 : vector<16x512xi1>
    %or3A_1064 = arith.ori %gt3A_1060, %and3A_1063 : vector<16x512xi1>
    %ne3A_1065 = arith.xori %eq3A_813, %ne3A_1041 : vector<1x512xi1>
    %eq3A_1066 = vector.broadcast %ne3A_1065 : vector<1x512xi1> to vector<16x512xi1>
    %eq3A_1067 = vector.broadcast %eq3A_1066 : vector<16x512xi1> to vector<16x512xi1>
    %eq3A_1068 = arith.xori %eq3A_1067, %or3A_1064 : vector<16x512xi1>
    %eq3A_1069 = arith.constant dense<true> : vector<16x512xi1>
    %eq3A_1070 = arith.xori %eq3A_1068, %eq3A_1069 : vector<16x512xi1>
    %select_n3A_1071 = arith.select %eq3A_1070, %select_n3A_1034, %select_n3A_1050 : vector<16x512xi1>, vector<16x512xf32>
    %select_n3A_1072 = arith.select %eq3A_1070, %select_n3A_1035, %select_n3A_1059 : vector<16x512xi1>, vector<16x512xi32>
    %and3A_1073 = arith.constant 256 : i32
    %and3A_1074 = vector.broadcast %and3A_1073 : i32 to vector<1x512xi32>
    %and3A_1075 = arith.andi %iota3A, %and3A_1074 : vector<1x512xi32>
    %eq3A_1076 = arith.constant 0 : i32
    %eq3A_1077 = vector.broadcast %eq3A_1076 : i32 to vector<1x512xi32>
    %eq3A_1078 = arith.cmpi eq, %and3A_1075, %eq3A_1077 : vector<1x512xi32>
    %and3A_1079 = arith.constant 128 : i32
    %and3A_1080 = vector.broadcast %and3A_1079 : i32 to vector<1x512xi32>
    %and3A_1081 = arith.andi %iota3A, %and3A_1080 : vector<1x512xi32>
    %ne3A_1082 = arith.constant 0 : i32
    %ne3A_1083 = vector.broadcast %ne3A_1082 : i32 to vector<1x512xi32>
    %ne3A_1084 = arith.cmpi ne, %and3A_1081, %ne3A_1083 : vector<1x512xi32>
    %slice3A_1085 = vector.extract_strided_slice %select_n3A_1071 {offsets = [0, 384], sizes = [16, 128], strides = [1, 1]} : vector<16x512xf32> to vector<16x128xf32>
    %slice3A_1086 = vector.extract_strided_slice %select_n3A_1071 {offsets = [0, 0], sizes = [16, 384], strides = [1, 1]} : vector<16x512xf32> to vector<16x384xf32>
    %concatenate3A_1087 = tpu.concatenate %slice3A_1085, %slice3A_1086 in 1 : vector<16x128xf32>, vector<16x384xf32> -> vector<16x512xf32>
    %slice3A_1088 = vector.extract_strided_slice %select_n3A_1071 {offsets = [0, 128], sizes = [16, 384], strides = [1, 1]} : vector<16x512xf32> to vector<16x384xf32>
    %slice3A_1089 = vector.extract_strided_slice %select_n3A_1071 {offsets = [0, 0], sizes = [16, 128], strides = [1, 1]} : vector<16x512xf32> to vector<16x128xf32>
    %concatenate3A_1090 = tpu.concatenate %slice3A_1088, %slice3A_1089 in 1 : vector<16x384xf32>, vector<16x128xf32> -> vector<16x512xf32>
    %broadcast_in_dim3A_1091 = vector.shape_cast %ne3A_1084 : vector<1x512xi1> to vector<1x512xi1>
    %broadcast_in_dim3A_1092 = vector.broadcast %broadcast_in_dim3A_1091 : vector<1x512xi1> to vector<16x512xi1>
    %select_n3A_1093 = arith.select %broadcast_in_dim3A_1092, %concatenate3A_1087, %concatenate3A_1090 : vector<16x512xi1>, vector<16x512xf32>
    %slice3A_1094 = vector.extract_strided_slice %select_n3A_1072 {offsets = [0, 384], sizes = [16, 128], strides = [1, 1]} : vector<16x512xi32> to vector<16x128xi32>
    %slice3A_1095 = vector.extract_strided_slice %select_n3A_1072 {offsets = [0, 0], sizes = [16, 384], strides = [1, 1]} : vector<16x512xi32> to vector<16x384xi32>
    %concatenate3A_1096 = tpu.concatenate %slice3A_1094, %slice3A_1095 in 1 : vector<16x128xi32>, vector<16x384xi32> -> vector<16x512xi32>
    %slice3A_1097 = vector.extract_strided_slice %select_n3A_1072 {offsets = [0, 128], sizes = [16, 384], strides = [1, 1]} : vector<16x512xi32> to vector<16x384xi32>
    %slice3A_1098 = vector.extract_strided_slice %select_n3A_1072 {offsets = [0, 0], sizes = [16, 128], strides = [1, 1]} : vector<16x512xi32> to vector<16x128xi32>
    %concatenate3A_1099 = tpu.concatenate %slice3A_1097, %slice3A_1098 in 1 : vector<16x384xi32>, vector<16x128xi32> -> vector<16x512xi32>
    %broadcast_in_dim3A_1100 = vector.shape_cast %ne3A_1084 : vector<1x512xi1> to vector<1x512xi1>
    %broadcast_in_dim3A_1101 = vector.broadcast %broadcast_in_dim3A_1100 : vector<1x512xi1> to vector<16x512xi1>
    %select_n3A_1102 = arith.select %broadcast_in_dim3A_1101, %concatenate3A_1096, %concatenate3A_1099 : vector<16x512xi1>, vector<16x512xi32>
    %gt3A_1103 = arith.cmpf ogt, %select_n3A_1071, %select_n3A_1093 : vector<16x512xf32>
    %eq3A_1104 = arith.cmpf oeq, %select_n3A_1071, %select_n3A_1093 : vector<16x512xf32>
    %lt3A_1105 = arith.cmpi slt, %select_n3A_1072, %select_n3A_1102 : vector<16x512xi32>
    %and3A_1106 = arith.andi %eq3A_1104, %lt3A_1105 : vector<16x512xi1>
    %or3A_1107 = arith.ori %gt3A_1103, %and3A_1106 : vector<16x512xi1>
    %ne3A_1108 = arith.xori %eq3A_1078, %ne3A_1084 : vector<1x512xi1>
    %eq3A_1109 = vector.broadcast %ne3A_1108 : vector<1x512xi1> to vector<16x512xi1>
    %eq3A_1110 = vector.broadcast %eq3A_1109 : vector<16x512xi1> to vector<16x512xi1>
    %eq3A_1111 = arith.xori %eq3A_1110, %or3A_1107 : vector<16x512xi1>
    %eq3A_1112 = arith.constant dense<true> : vector<16x512xi1>
    %eq3A_1113 = arith.xori %eq3A_1111, %eq3A_1112 : vector<16x512xi1>
    %select_n3A_1114 = arith.select %eq3A_1113, %select_n3A_1071, %select_n3A_1093 : vector<16x512xi1>, vector<16x512xf32>
    %select_n3A_1115 = arith.select %eq3A_1113, %select_n3A_1072, %select_n3A_1102 : vector<16x512xi1>, vector<16x512xi32>
    %and3A_1116 = arith.constant 64 : i32
    %and3A_1117 = vector.broadcast %and3A_1116 : i32 to vector<1x512xi32>
    %and3A_1118 = arith.andi %iota3A, %and3A_1117 : vector<1x512xi32>
    %ne3A_1119 = arith.constant 0 : i32
    %ne3A_1120 = vector.broadcast %ne3A_1119 : i32 to vector<1x512xi32>
    %ne3A_1121 = arith.cmpi ne, %and3A_1118, %ne3A_1120 : vector<1x512xi32>
    %slice3A_1122 = vector.extract_strided_slice %select_n3A_1114 {offsets = [0, 448], sizes = [16, 64], strides = [1, 1]} : vector<16x512xf32> to vector<16x64xf32>
    %slice3A_1123 = vector.extract_strided_slice %select_n3A_1114 {offsets = [0, 0], sizes = [16, 448], strides = [1, 1]} : vector<16x512xf32> to vector<16x448xf32>
    %concatenate3A_1124 = tpu.concatenate %slice3A_1122, %slice3A_1123 in 1 : vector<16x64xf32>, vector<16x448xf32> -> vector<16x512xf32>
    %slice3A_1125 = vector.extract_strided_slice %select_n3A_1114 {offsets = [0, 64], sizes = [16, 448], strides = [1, 1]} : vector<16x512xf32> to vector<16x448xf32>
    %slice3A_1126 = vector.extract_strided_slice %select_n3A_1114 {offsets = [0, 0], sizes = [16, 64], strides = [1, 1]} : vector<16x512xf32> to vector<16x64xf32>
    %concatenate3A_1127 = tpu.concatenate %slice3A_1125, %slice3A_1126 in 1 : vector<16x448xf32>, vector<16x64xf32> -> vector<16x512xf32>
    %broadcast_in_dim3A_1128 = vector.shape_cast %ne3A_1121 : vector<1x512xi1> to vector<1x512xi1>
    %broadcast_in_dim3A_1129 = vector.broadcast %broadcast_in_dim3A_1128 : vector<1x512xi1> to vector<16x512xi1>
    %select_n3A_1130 = arith.select %broadcast_in_dim3A_1129, %concatenate3A_1124, %concatenate3A_1127 : vector<16x512xi1>, vector<16x512xf32>
    %slice3A_1131 = vector.extract_strided_slice %select_n3A_1115 {offsets = [0, 448], sizes = [16, 64], strides = [1, 1]} : vector<16x512xi32> to vector<16x64xi32>
    %slice3A_1132 = vector.extract_strided_slice %select_n3A_1115 {offsets = [0, 0], sizes = [16, 448], strides = [1, 1]} : vector<16x512xi32> to vector<16x448xi32>
    %concatenate3A_1133 = tpu.concatenate %slice3A_1131, %slice3A_1132 in 1 : vector<16x64xi32>, vector<16x448xi32> -> vector<16x512xi32>
    %slice3A_1134 = vector.extract_strided_slice %select_n3A_1115 {offsets = [0, 64], sizes = [16, 448], strides = [1, 1]} : vector<16x512xi32> to vector<16x448xi32>
    %slice3A_1135 = vector.extract_strided_slice %select_n3A_1115 {offsets = [0, 0], sizes = [16, 64], strides = [1, 1]} : vector<16x512xi32> to vector<16x64xi32>
    %concatenate3A_1136 = tpu.concatenate %slice3A_1134, %slice3A_1135 in 1 : vector<16x448xi32>, vector<16x64xi32> -> vector<16x512xi32>
    %broadcast_in_dim3A_1137 = vector.shape_cast %ne3A_1121 : vector<1x512xi1> to vector<1x512xi1>
    %broadcast_in_dim3A_1138 = vector.broadcast %broadcast_in_dim3A_1137 : vector<1x512xi1> to vector<16x512xi1>
    %select_n3A_1139 = arith.select %broadcast_in_dim3A_1138, %concatenate3A_1133, %concatenate3A_1136 : vector<16x512xi1>, vector<16x512xi32>
    %gt3A_1140 = arith.cmpf ogt, %select_n3A_1114, %select_n3A_1130 : vector<16x512xf32>
    %eq3A_1141 = arith.cmpf oeq, %select_n3A_1114, %select_n3A_1130 : vector<16x512xf32>
    %lt3A_1142 = arith.cmpi slt, %select_n3A_1115, %select_n3A_1139 : vector<16x512xi32>
    %and3A_1143 = arith.andi %eq3A_1141, %lt3A_1142 : vector<16x512xi1>
    %or3A_1144 = arith.ori %gt3A_1140, %and3A_1143 : vector<16x512xi1>
    %ne3A_1145 = arith.xori %eq3A_1078, %ne3A_1121 : vector<1x512xi1>
    %eq3A_1146 = vector.broadcast %ne3A_1145 : vector<1x512xi1> to vector<16x512xi1>
    %eq3A_1147 = vector.broadcast %eq3A_1146 : vector<16x512xi1> to vector<16x512xi1>
    %eq3A_1148 = arith.xori %eq3A_1147, %or3A_1144 : vector<16x512xi1>
    %eq3A_1149 = arith.constant dense<true> : vector<16x512xi1>
    %eq3A_1150 = arith.xori %eq3A_1148, %eq3A_1149 : vector<16x512xi1>
    %select_n3A_1151 = arith.select %eq3A_1150, %select_n3A_1114, %select_n3A_1130 : vector<16x512xi1>, vector<16x512xf32>
    %select_n3A_1152 = arith.select %eq3A_1150, %select_n3A_1115, %select_n3A_1139 : vector<16x512xi1>, vector<16x512xi32>
    %and3A_1153 = arith.constant 32 : i32
    %and3A_1154 = vector.broadcast %and3A_1153 : i32 to vector<1x512xi32>
    %and3A_1155 = arith.andi %iota3A, %and3A_1154 : vector<1x512xi32>
    %ne3A_1156 = arith.constant 0 : i32
    %ne3A_1157 = vector.broadcast %ne3A_1156 : i32 to vector<1x512xi32>
    %ne3A_1158 = arith.cmpi ne, %and3A_1155, %ne3A_1157 : vector<1x512xi32>
    %slice3A_1159 = vector.extract_strided_slice %select_n3A_1151 {offsets = [0, 480], sizes = [16, 32], strides = [1, 1]} : vector<16x512xf32> to vector<16x32xf32>
    %slice3A_1160 = vector.extract_strided_slice %select_n3A_1151 {offsets = [0, 0], sizes = [16, 480], strides = [1, 1]} : vector<16x512xf32> to vector<16x480xf32>
    %concatenate3A_1161 = tpu.concatenate %slice3A_1159, %slice3A_1160 in 1 : vector<16x32xf32>, vector<16x480xf32> -> vector<16x512xf32>
    %slice3A_1162 = vector.extract_strided_slice %select_n3A_1151 {offsets = [0, 32], sizes = [16, 480], strides = [1, 1]} : vector<16x512xf32> to vector<16x480xf32>
    %slice3A_1163 = vector.extract_strided_slice %select_n3A_1151 {offsets = [0, 0], sizes = [16, 32], strides = [1, 1]} : vector<16x512xf32> to vector<16x32xf32>
    %concatenate3A_1164 = tpu.concatenate %slice3A_1162, %slice3A_1163 in 1 : vector<16x480xf32>, vector<16x32xf32> -> vector<16x512xf32>
    %broadcast_in_dim3A_1165 = vector.shape_cast %ne3A_1158 : vector<1x512xi1> to vector<1x512xi1>
    %broadcast_in_dim3A_1166 = vector.broadcast %broadcast_in_dim3A_1165 : vector<1x512xi1> to vector<16x512xi1>
    %select_n3A_1167 = arith.select %broadcast_in_dim3A_1166, %concatenate3A_1161, %concatenate3A_1164 : vector<16x512xi1>, vector<16x512xf32>
    %slice3A_1168 = vector.extract_strided_slice %select_n3A_1152 {offsets = [0, 480], sizes = [16, 32], strides = [1, 1]} : vector<16x512xi32> to vector<16x32xi32>
    %slice3A_1169 = vector.extract_strided_slice %select_n3A_1152 {offsets = [0, 0], sizes = [16, 480], strides = [1, 1]} : vector<16x512xi32> to vector<16x480xi32>
    %concatenate3A_1170 = tpu.concatenate %slice3A_1168, %slice3A_1169 in 1 : vector<16x32xi32>, vector<16x480xi32> -> vector<16x512xi32>
    %slice3A_1171 = vector.extract_strided_slice %select_n3A_1152 {offsets = [0, 32], sizes = [16, 480], strides = [1, 1]} : vector<16x512xi32> to vector<16x480xi32>
    %slice3A_1172 = vector.extract_strided_slice %select_n3A_1152 {offsets = [0, 0], sizes = [16, 32], strides = [1, 1]} : vector<16x512xi32> to vector<16x32xi32>
    %concatenate3A_1173 = tpu.concatenate %slice3A_1171, %slice3A_1172 in 1 : vector<16x480xi32>, vector<16x32xi32> -> vector<16x512xi32>
    %broadcast_in_dim3A_1174 = vector.shape_cast %ne3A_1158 : vector<1x512xi1> to vector<1x512xi1>
    %broadcast_in_dim3A_1175 = vector.broadcast %broadcast_in_dim3A_1174 : vector<1x512xi1> to vector<16x512xi1>
    %select_n3A_1176 = arith.select %broadcast_in_dim3A_1175, %concatenate3A_1170, %concatenate3A_1173 : vector<16x512xi1>, vector<16x512xi32>
    %gt3A_1177 = arith.cmpf ogt, %select_n3A_1151, %select_n3A_1167 : vector<16x512xf32>
    %eq3A_1178 = arith.cmpf oeq, %select_n3A_1151, %select_n3A_1167 : vector<16x512xf32>
    %lt3A_1179 = arith.cmpi slt, %select_n3A_1152, %select_n3A_1176 : vector<16x512xi32>
    %and3A_1180 = arith.andi %eq3A_1178, %lt3A_1179 : vector<16x512xi1>
    %or3A_1181 = arith.ori %gt3A_1177, %and3A_1180 : vector<16x512xi1>
    %ne3A_1182 = arith.xori %eq3A_1078, %ne3A_1158 : vector<1x512xi1>
    %eq3A_1183 = vector.broadcast %ne3A_1182 : vector<1x512xi1> to vector<16x512xi1>
    %eq3A_1184 = vector.broadcast %eq3A_1183 : vector<16x512xi1> to vector<16x512xi1>
    %eq3A_1185 = arith.xori %eq3A_1184, %or3A_1181 : vector<16x512xi1>
    %eq3A_1186 = arith.constant dense<true> : vector<16x512xi1>
    %eq3A_1187 = arith.xori %eq3A_1185, %eq3A_1186 : vector<16x512xi1>
    %select_n3A_1188 = arith.select %eq3A_1187, %select_n3A_1151, %select_n3A_1167 : vector<16x512xi1>, vector<16x512xf32>
    %select_n3A_1189 = arith.select %eq3A_1187, %select_n3A_1152, %select_n3A_1176 : vector<16x512xi1>, vector<16x512xi32>
    %and3A_1190 = arith.constant 16 : i32
    %and3A_1191 = vector.broadcast %and3A_1190 : i32 to vector<1x512xi32>
    %and3A_1192 = arith.andi %iota3A, %and3A_1191 : vector<1x512xi32>
    %ne3A_1193 = arith.constant 0 : i32
    %ne3A_1194 = vector.broadcast %ne3A_1193 : i32 to vector<1x512xi32>
    %ne3A_1195 = arith.cmpi ne, %and3A_1192, %ne3A_1194 : vector<1x512xi32>
    %slice3A_1196 = vector.extract_strided_slice %select_n3A_1188 {offsets = [0, 496], sizes = [16, 16], strides = [1, 1]} : vector<16x512xf32> to vector<16x16xf32>
    %slice3A_1197 = vector.extract_strided_slice %select_n3A_1188 {offsets = [0, 0], sizes = [16, 496], strides = [1, 1]} : vector<16x512xf32> to vector<16x496xf32>
    %concatenate3A_1198 = tpu.concatenate %slice3A_1196, %slice3A_1197 in 1 : vector<16x16xf32>, vector<16x496xf32> -> vector<16x512xf32>
    %slice3A_1199 = vector.extract_strided_slice %select_n3A_1188 {offsets = [0, 16], sizes = [16, 496], strides = [1, 1]} : vector<16x512xf32> to vector<16x496xf32>
    %slice3A_1200 = vector.extract_strided_slice %select_n3A_1188 {offsets = [0, 0], sizes = [16, 16], strides = [1, 1]} : vector<16x512xf32> to vector<16x16xf32>
    %concatenate3A_1201 = tpu.concatenate %slice3A_1199, %slice3A_1200 in 1 : vector<16x496xf32>, vector<16x16xf32> -> vector<16x512xf32>
    %broadcast_in_dim3A_1202 = vector.shape_cast %ne3A_1195 : vector<1x512xi1> to vector<1x512xi1>
    %broadcast_in_dim3A_1203 = vector.broadcast %broadcast_in_dim3A_1202 : vector<1x512xi1> to vector<16x512xi1>
    %select_n3A_1204 = arith.select %broadcast_in_dim3A_1203, %concatenate3A_1198, %concatenate3A_1201 : vector<16x512xi1>, vector<16x512xf32>
    %slice3A_1205 = vector.extract_strided_slice %select_n3A_1189 {offsets = [0, 496], sizes = [16, 16], strides = [1, 1]} : vector<16x512xi32> to vector<16x16xi32>
    %slice3A_1206 = vector.extract_strided_slice %select_n3A_1189 {offsets = [0, 0], sizes = [16, 496], strides = [1, 1]} : vector<16x512xi32> to vector<16x496xi32>
    %concatenate3A_1207 = tpu.concatenate %slice3A_1205, %slice3A_1206 in 1 : vector<16x16xi32>, vector<16x496xi32> -> vector<16x512xi32>
    %slice3A_1208 = vector.extract_strided_slice %select_n3A_1189 {offsets = [0, 16], sizes = [16, 496], strides = [1, 1]} : vector<16x512xi32> to vector<16x496xi32>
    %slice3A_1209 = vector.extract_strided_slice %select_n3A_1189 {offsets = [0, 0], sizes = [16, 16], strides = [1, 1]} : vector<16x512xi32> to vector<16x16xi32>
    %concatenate3A_1210 = tpu.concatenate %slice3A_1208, %slice3A_1209 in 1 : vector<16x496xi32>, vector<16x16xi32> -> vector<16x512xi32>
    %broadcast_in_dim3A_1211 = vector.shape_cast %ne3A_1195 : vector<1x512xi1> to vector<1x512xi1>
    %broadcast_in_dim3A_1212 = vector.broadcast %broadcast_in_dim3A_1211 : vector<1x512xi1> to vector<16x512xi1>
    %select_n3A_1213 = arith.select %broadcast_in_dim3A_1212, %concatenate3A_1207, %concatenate3A_1210 : vector<16x512xi1>, vector<16x512xi32>
    %gt3A_1214 = arith.cmpf ogt, %select_n3A_1188, %select_n3A_1204 : vector<16x512xf32>
    %eq3A_1215 = arith.cmpf oeq, %select_n3A_1188, %select_n3A_1204 : vector<16x512xf32>
    %lt3A_1216 = arith.cmpi slt, %select_n3A_1189, %select_n3A_1213 : vector<16x512xi32>
    %and3A_1217 = arith.andi %eq3A_1215, %lt3A_1216 : vector<16x512xi1>
    %or3A_1218 = arith.ori %gt3A_1214, %and3A_1217 : vector<16x512xi1>
    %ne3A_1219 = arith.xori %eq3A_1078, %ne3A_1195 : vector<1x512xi1>
    %eq3A_1220 = vector.broadcast %ne3A_1219 : vector<1x512xi1> to vector<16x512xi1>
    %eq3A_1221 = vector.broadcast %eq3A_1220 : vector<16x512xi1> to vector<16x512xi1>
    %eq3A_1222 = arith.xori %eq3A_1221, %or3A_1218 : vector<16x512xi1>
    %eq3A_1223 = arith.constant dense<true> : vector<16x512xi1>
    %eq3A_1224 = arith.xori %eq3A_1222, %eq3A_1223 : vector<16x512xi1>
    %select_n3A_1225 = arith.select %eq3A_1224, %select_n3A_1188, %select_n3A_1204 : vector<16x512xi1>, vector<16x512xf32>
    %select_n3A_1226 = arith.select %eq3A_1224, %select_n3A_1189, %select_n3A_1213 : vector<16x512xi1>, vector<16x512xi32>
    %and3A_1227 = arith.constant 8 : i32
    %and3A_1228 = vector.broadcast %and3A_1227 : i32 to vector<1x512xi32>
    %and3A_1229 = arith.andi %iota3A, %and3A_1228 : vector<1x512xi32>
    %ne3A_1230 = arith.constant 0 : i32
    %ne3A_1231 = vector.broadcast %ne3A_1230 : i32 to vector<1x512xi32>
    %ne3A_1232 = arith.cmpi ne, %and3A_1229, %ne3A_1231 : vector<1x512xi32>
    %slice3A_1233 = vector.extract_strided_slice %select_n3A_1225 {offsets = [0, 504], sizes = [16, 8], strides = [1, 1]} : vector<16x512xf32> to vector<16x8xf32>
    %slice3A_1234 = vector.extract_strided_slice %select_n3A_1225 {offsets = [0, 0], sizes = [16, 504], strides = [1, 1]} : vector<16x512xf32> to vector<16x504xf32>
    %concatenate3A_1235 = tpu.concatenate %slice3A_1233, %slice3A_1234 in 1 : vector<16x8xf32>, vector<16x504xf32> -> vector<16x512xf32>
    %slice3A_1236 = vector.extract_strided_slice %select_n3A_1225 {offsets = [0, 8], sizes = [16, 504], strides = [1, 1]} : vector<16x512xf32> to vector<16x504xf32>
    %slice3A_1237 = vector.extract_strided_slice %select_n3A_1225 {offsets = [0, 0], sizes = [16, 8], strides = [1, 1]} : vector<16x512xf32> to vector<16x8xf32>
    %concatenate3A_1238 = tpu.concatenate %slice3A_1236, %slice3A_1237 in 1 : vector<16x504xf32>, vector<16x8xf32> -> vector<16x512xf32>
    %broadcast_in_dim3A_1239 = vector.shape_cast %ne3A_1232 : vector<1x512xi1> to vector<1x512xi1>
    %broadcast_in_dim3A_1240 = vector.broadcast %broadcast_in_dim3A_1239 : vector<1x512xi1> to vector<16x512xi1>
    %select_n3A_1241 = arith.select %broadcast_in_dim3A_1240, %concatenate3A_1235, %concatenate3A_1238 : vector<16x512xi1>, vector<16x512xf32>
    %slice3A_1242 = vector.extract_strided_slice %select_n3A_1226 {offsets = [0, 504], sizes = [16, 8], strides = [1, 1]} : vector<16x512xi32> to vector<16x8xi32>
    %slice3A_1243 = vector.extract_strided_slice %select_n3A_1226 {offsets = [0, 0], sizes = [16, 504], strides = [1, 1]} : vector<16x512xi32> to vector<16x504xi32>
    %concatenate3A_1244 = tpu.concatenate %slice3A_1242, %slice3A_1243 in 1 : vector<16x8xi32>, vector<16x504xi32> -> vector<16x512xi32>
    %slice3A_1245 = vector.extract_strided_slice %select_n3A_1226 {offsets = [0, 8], sizes = [16, 504], strides = [1, 1]} : vector<16x512xi32> to vector<16x504xi32>
    %slice3A_1246 = vector.extract_strided_slice %select_n3A_1226 {offsets = [0, 0], sizes = [16, 8], strides = [1, 1]} : vector<16x512xi32> to vector<16x8xi32>
    %concatenate3A_1247 = tpu.concatenate %slice3A_1245, %slice3A_1246 in 1 : vector<16x504xi32>, vector<16x8xi32> -> vector<16x512xi32>
    %broadcast_in_dim3A_1248 = vector.shape_cast %ne3A_1232 : vector<1x512xi1> to vector<1x512xi1>
    %broadcast_in_dim3A_1249 = vector.broadcast %broadcast_in_dim3A_1248 : vector<1x512xi1> to vector<16x512xi1>
    %select_n3A_1250 = arith.select %broadcast_in_dim3A_1249, %concatenate3A_1244, %concatenate3A_1247 : vector<16x512xi1>, vector<16x512xi32>
    %gt3A_1251 = arith.cmpf ogt, %select_n3A_1225, %select_n3A_1241 : vector<16x512xf32>
    %eq3A_1252 = arith.cmpf oeq, %select_n3A_1225, %select_n3A_1241 : vector<16x512xf32>
    %lt3A_1253 = arith.cmpi slt, %select_n3A_1226, %select_n3A_1250 : vector<16x512xi32>
    %and3A_1254 = arith.andi %eq3A_1252, %lt3A_1253 : vector<16x512xi1>
    %or3A_1255 = arith.ori %gt3A_1251, %and3A_1254 : vector<16x512xi1>
    %ne3A_1256 = arith.xori %eq3A_1078, %ne3A_1232 : vector<1x512xi1>
    %eq3A_1257 = vector.broadcast %ne3A_1256 : vector<1x512xi1> to vector<16x512xi1>
    %eq3A_1258 = vector.broadcast %eq3A_1257 : vector<16x512xi1> to vector<16x512xi1>
    %eq3A_1259 = arith.xori %eq3A_1258, %or3A_1255 : vector<16x512xi1>
    %eq3A_1260 = arith.constant dense<true> : vector<16x512xi1>
    %eq3A_1261 = arith.xori %eq3A_1259, %eq3A_1260 : vector<16x512xi1>
    %select_n3A_1262 = arith.select %eq3A_1261, %select_n3A_1225, %select_n3A_1241 : vector<16x512xi1>, vector<16x512xf32>
    %select_n3A_1263 = arith.select %eq3A_1261, %select_n3A_1226, %select_n3A_1250 : vector<16x512xi1>, vector<16x512xi32>
    %and3A_1264 = arith.constant 4 : i32
    %and3A_1265 = vector.broadcast %and3A_1264 : i32 to vector<1x512xi32>
    %and3A_1266 = arith.andi %iota3A, %and3A_1265 : vector<1x512xi32>
    %ne3A_1267 = arith.constant 0 : i32
    %ne3A_1268 = vector.broadcast %ne3A_1267 : i32 to vector<1x512xi32>
    %ne3A_1269 = arith.cmpi ne, %and3A_1266, %ne3A_1268 : vector<1x512xi32>
    %slice3A_1270 = vector.extract_strided_slice %select_n3A_1262 {offsets = [0, 508], sizes = [16, 4], strides = [1, 1]} : vector<16x512xf32> to vector<16x4xf32>
    %slice3A_1271 = vector.extract_strided_slice %select_n3A_1262 {offsets = [0, 0], sizes = [16, 508], strides = [1, 1]} : vector<16x512xf32> to vector<16x508xf32>
    %concatenate3A_1272 = tpu.concatenate %slice3A_1270, %slice3A_1271 in 1 : vector<16x4xf32>, vector<16x508xf32> -> vector<16x512xf32>
    %slice3A_1273 = vector.extract_strided_slice %select_n3A_1262 {offsets = [0, 4], sizes = [16, 508], strides = [1, 1]} : vector<16x512xf32> to vector<16x508xf32>
    %slice3A_1274 = vector.extract_strided_slice %select_n3A_1262 {offsets = [0, 0], sizes = [16, 4], strides = [1, 1]} : vector<16x512xf32> to vector<16x4xf32>
    %concatenate3A_1275 = tpu.concatenate %slice3A_1273, %slice3A_1274 in 1 : vector<16x508xf32>, vector<16x4xf32> -> vector<16x512xf32>
    %broadcast_in_dim3A_1276 = vector.shape_cast %ne3A_1269 : vector<1x512xi1> to vector<1x512xi1>
    %broadcast_in_dim3A_1277 = vector.broadcast %broadcast_in_dim3A_1276 : vector<1x512xi1> to vector<16x512xi1>
    %select_n3A_1278 = arith.select %broadcast_in_dim3A_1277, %concatenate3A_1272, %concatenate3A_1275 : vector<16x512xi1>, vector<16x512xf32>
    %slice3A_1279 = vector.extract_strided_slice %select_n3A_1263 {offsets = [0, 508], sizes = [16, 4], strides = [1, 1]} : vector<16x512xi32> to vector<16x4xi32>
    %slice3A_1280 = vector.extract_strided_slice %select_n3A_1263 {offsets = [0, 0], sizes = [16, 508], strides = [1, 1]} : vector<16x512xi32> to vector<16x508xi32>
    %concatenate3A_1281 = tpu.concatenate %slice3A_1279, %slice3A_1280 in 1 : vector<16x4xi32>, vector<16x508xi32> -> vector<16x512xi32>
    %slice3A_1282 = vector.extract_strided_slice %select_n3A_1263 {offsets = [0, 4], sizes = [16, 508], strides = [1, 1]} : vector<16x512xi32> to vector<16x508xi32>
    %slice3A_1283 = vector.extract_strided_slice %select_n3A_1263 {offsets = [0, 0], sizes = [16, 4], strides = [1, 1]} : vector<16x512xi32> to vector<16x4xi32>
    %concatenate3A_1284 = tpu.concatenate %slice3A_1282, %slice3A_1283 in 1 : vector<16x508xi32>, vector<16x4xi32> -> vector<16x512xi32>
    %broadcast_in_dim3A_1285 = vector.shape_cast %ne3A_1269 : vector<1x512xi1> to vector<1x512xi1>
    %broadcast_in_dim3A_1286 = vector.broadcast %broadcast_in_dim3A_1285 : vector<1x512xi1> to vector<16x512xi1>
    %select_n3A_1287 = arith.select %broadcast_in_dim3A_1286, %concatenate3A_1281, %concatenate3A_1284 : vector<16x512xi1>, vector<16x512xi32>
    %gt3A_1288 = arith.cmpf ogt, %select_n3A_1262, %select_n3A_1278 : vector<16x512xf32>
    %eq3A_1289 = arith.cmpf oeq, %select_n3A_1262, %select_n3A_1278 : vector<16x512xf32>
    %lt3A_1290 = arith.cmpi slt, %select_n3A_1263, %select_n3A_1287 : vector<16x512xi32>
    %and3A_1291 = arith.andi %eq3A_1289, %lt3A_1290 : vector<16x512xi1>
    %or3A_1292 = arith.ori %gt3A_1288, %and3A_1291 : vector<16x512xi1>
    %ne3A_1293 = arith.xori %eq3A_1078, %ne3A_1269 : vector<1x512xi1>
    %eq3A_1294 = vector.broadcast %ne3A_1293 : vector<1x512xi1> to vector<16x512xi1>
    %eq3A_1295 = vector.broadcast %eq3A_1294 : vector<16x512xi1> to vector<16x512xi1>
    %eq3A_1296 = arith.xori %eq3A_1295, %or3A_1292 : vector<16x512xi1>
    %eq3A_1297 = arith.constant dense<true> : vector<16x512xi1>
    %eq3A_1298 = arith.xori %eq3A_1296, %eq3A_1297 : vector<16x512xi1>
    %select_n3A_1299 = arith.select %eq3A_1298, %select_n3A_1262, %select_n3A_1278 : vector<16x512xi1>, vector<16x512xf32>
    %select_n3A_1300 = arith.select %eq3A_1298, %select_n3A_1263, %select_n3A_1287 : vector<16x512xi1>, vector<16x512xi32>
    %and3A_1301 = arith.constant 2 : i32
    %and3A_1302 = vector.broadcast %and3A_1301 : i32 to vector<1x512xi32>
    %and3A_1303 = arith.andi %iota3A, %and3A_1302 : vector<1x512xi32>
    %ne3A_1304 = arith.constant 0 : i32
    %ne3A_1305 = vector.broadcast %ne3A_1304 : i32 to vector<1x512xi32>
    %ne3A_1306 = arith.cmpi ne, %and3A_1303, %ne3A_1305 : vector<1x512xi32>
    %slice3A_1307 = vector.extract_strided_slice %select_n3A_1299 {offsets = [0, 510], sizes = [16, 2], strides = [1, 1]} : vector<16x512xf32> to vector<16x2xf32>
    %slice3A_1308 = vector.extract_strided_slice %select_n3A_1299 {offsets = [0, 0], sizes = [16, 510], strides = [1, 1]} : vector<16x512xf32> to vector<16x510xf32>
    %concatenate3A_1309 = tpu.concatenate %slice3A_1307, %slice3A_1308 in 1 : vector<16x2xf32>, vector<16x510xf32> -> vector<16x512xf32>
    %slice3A_1310 = vector.extract_strided_slice %select_n3A_1299 {offsets = [0, 2], sizes = [16, 510], strides = [1, 1]} : vector<16x512xf32> to vector<16x510xf32>
    %slice3A_1311 = vector.extract_strided_slice %select_n3A_1299 {offsets = [0, 0], sizes = [16, 2], strides = [1, 1]} : vector<16x512xf32> to vector<16x2xf32>
    %concatenate3A_1312 = tpu.concatenate %slice3A_1310, %slice3A_1311 in 1 : vector<16x510xf32>, vector<16x2xf32> -> vector<16x512xf32>
    %broadcast_in_dim3A_1313 = vector.shape_cast %ne3A_1306 : vector<1x512xi1> to vector<1x512xi1>
    %broadcast_in_dim3A_1314 = vector.broadcast %broadcast_in_dim3A_1313 : vector<1x512xi1> to vector<16x512xi1>
    %select_n3A_1315 = arith.select %broadcast_in_dim3A_1314, %concatenate3A_1309, %concatenate3A_1312 : vector<16x512xi1>, vector<16x512xf32>
    %slice3A_1316 = vector.extract_strided_slice %select_n3A_1300 {offsets = [0, 510], sizes = [16, 2], strides = [1, 1]} : vector<16x512xi32> to vector<16x2xi32>
    %slice3A_1317 = vector.extract_strided_slice %select_n3A_1300 {offsets = [0, 0], sizes = [16, 510], strides = [1, 1]} : vector<16x512xi32> to vector<16x510xi32>
    %concatenate3A_1318 = tpu.concatenate %slice3A_1316, %slice3A_1317 in 1 : vector<16x2xi32>, vector<16x510xi32> -> vector<16x512xi32>
    %slice3A_1319 = vector.extract_strided_slice %select_n3A_1300 {offsets = [0, 2], sizes = [16, 510], strides = [1, 1]} : vector<16x512xi32> to vector<16x510xi32>
    %slice3A_1320 = vector.extract_strided_slice %select_n3A_1300 {offsets = [0, 0], sizes = [16, 2], strides = [1, 1]} : vector<16x512xi32> to vector<16x2xi32>
    %concatenate3A_1321 = tpu.concatenate %slice3A_1319, %slice3A_1320 in 1 : vector<16x510xi32>, vector<16x2xi32> -> vector<16x512xi32>
    %broadcast_in_dim3A_1322 = vector.shape_cast %ne3A_1306 : vector<1x512xi1> to vector<1x512xi1>
    %broadcast_in_dim3A_1323 = vector.broadcast %broadcast_in_dim3A_1322 : vector<1x512xi1> to vector<16x512xi1>
    %select_n3A_1324 = arith.select %broadcast_in_dim3A_1323, %concatenate3A_1318, %concatenate3A_1321 : vector<16x512xi1>, vector<16x512xi32>
    %gt3A_1325 = arith.cmpf ogt, %select_n3A_1299, %select_n3A_1315 : vector<16x512xf32>
    %eq3A_1326 = arith.cmpf oeq, %select_n3A_1299, %select_n3A_1315 : vector<16x512xf32>
    %lt3A_1327 = arith.cmpi slt, %select_n3A_1300, %select_n3A_1324 : vector<16x512xi32>
    %and3A_1328 = arith.andi %eq3A_1326, %lt3A_1327 : vector<16x512xi1>
    %or3A_1329 = arith.ori %gt3A_1325, %and3A_1328 : vector<16x512xi1>
    %ne3A_1330 = arith.xori %eq3A_1078, %ne3A_1306 : vector<1x512xi1>
    %eq3A_1331 = vector.broadcast %ne3A_1330 : vector<1x512xi1> to vector<16x512xi1>
    %eq3A_1332 = vector.broadcast %eq3A_1331 : vector<16x512xi1> to vector<16x512xi1>
    %eq3A_1333 = arith.xori %eq3A_1332, %or3A_1329 : vector<16x512xi1>
    %eq3A_1334 = arith.constant dense<true> : vector<16x512xi1>
    %eq3A_1335 = arith.xori %eq3A_1333, %eq3A_1334 : vector<16x512xi1>
    %select_n3A_1336 = arith.select %eq3A_1335, %select_n3A_1299, %select_n3A_1315 : vector<16x512xi1>, vector<16x512xf32>
    %select_n3A_1337 = arith.select %eq3A_1335, %select_n3A_1300, %select_n3A_1324 : vector<16x512xi1>, vector<16x512xi32>
    %and3A_1338 = arith.constant 1 : i32
    %and3A_1339 = vector.broadcast %and3A_1338 : i32 to vector<1x512xi32>
    %and3A_1340 = arith.andi %iota3A, %and3A_1339 : vector<1x512xi32>
    %ne3A_1341 = arith.constant 0 : i32
    %ne3A_1342 = vector.broadcast %ne3A_1341 : i32 to vector<1x512xi32>
    %ne3A_1343 = arith.cmpi ne, %and3A_1340, %ne3A_1342 : vector<1x512xi32>
    %slice3A_1344 = vector.extract_strided_slice %select_n3A_1336 {offsets = [0, 511], sizes = [16, 1], strides = [1, 1]} : vector<16x512xf32> to vector<16x1xf32>
    %slice3A_1345 = vector.extract_strided_slice %select_n3A_1336 {offsets = [0, 0], sizes = [16, 511], strides = [1, 1]} : vector<16x512xf32> to vector<16x511xf32>
    %concatenate3A_1346 = tpu.concatenate %slice3A_1344, %slice3A_1345 in 1 : vector<16x1xf32>, vector<16x511xf32> -> vector<16x512xf32>
    %slice3A_1347 = vector.extract_strided_slice %select_n3A_1336 {offsets = [0, 1], sizes = [16, 511], strides = [1, 1]} : vector<16x512xf32> to vector<16x511xf32>
    %slice3A_1348 = vector.extract_strided_slice %select_n3A_1336 {offsets = [0, 0], sizes = [16, 1], strides = [1, 1]} : vector<16x512xf32> to vector<16x1xf32>
    %concatenate3A_1349 = tpu.concatenate %slice3A_1347, %slice3A_1348 in 1 : vector<16x511xf32>, vector<16x1xf32> -> vector<16x512xf32>
    %broadcast_in_dim3A_1350 = vector.shape_cast %ne3A_1343 : vector<1x512xi1> to vector<1x512xi1>
    %broadcast_in_dim3A_1351 = vector.broadcast %broadcast_in_dim3A_1350 : vector<1x512xi1> to vector<16x512xi1>
    %select_n3A_1352 = arith.select %broadcast_in_dim3A_1351, %concatenate3A_1346, %concatenate3A_1349 : vector<16x512xi1>, vector<16x512xf32>
    %slice3A_1353 = vector.extract_strided_slice %select_n3A_1337 {offsets = [0, 511], sizes = [16, 1], strides = [1, 1]} : vector<16x512xi32> to vector<16x1xi32>
    %slice3A_1354 = vector.extract_strided_slice %select_n3A_1337 {offsets = [0, 0], sizes = [16, 511], strides = [1, 1]} : vector<16x512xi32> to vector<16x511xi32>
    %concatenate3A_1355 = tpu.concatenate %slice3A_1353, %slice3A_1354 in 1 : vector<16x1xi32>, vector<16x511xi32> -> vector<16x512xi32>
    %slice3A_1356 = vector.extract_strided_slice %select_n3A_1337 {offsets = [0, 1], sizes = [16, 511], strides = [1, 1]} : vector<16x512xi32> to vector<16x511xi32>
    %slice3A_1357 = vector.extract_strided_slice %select_n3A_1337 {offsets = [0, 0], sizes = [16, 1], strides = [1, 1]} : vector<16x512xi32> to vector<16x1xi32>
    %concatenate3A_1358 = tpu.concatenate %slice3A_1356, %slice3A_1357 in 1 : vector<16x511xi32>, vector<16x1xi32> -> vector<16x512xi32>
    %broadcast_in_dim3A_1359 = vector.shape_cast %ne3A_1343 : vector<1x512xi1> to vector<1x512xi1>
    %broadcast_in_dim3A_1360 = vector.broadcast %broadcast_in_dim3A_1359 : vector<1x512xi1> to vector<16x512xi1>
    %select_n3A_1361 = arith.select %broadcast_in_dim3A_1360, %concatenate3A_1355, %concatenate3A_1358 : vector<16x512xi1>, vector<16x512xi32>
    %gt3A_1362 = arith.cmpf ogt, %select_n3A_1336, %select_n3A_1352 : vector<16x512xf32>
    %eq3A_1363 = arith.cmpf oeq, %select_n3A_1336, %select_n3A_1352 : vector<16x512xf32>
    %lt3A_1364 = arith.cmpi slt, %select_n3A_1337, %select_n3A_1361 : vector<16x512xi32>
    %and3A_1365 = arith.andi %eq3A_1363, %lt3A_1364 : vector<16x512xi1>
    %or3A_1366 = arith.ori %gt3A_1362, %and3A_1365 : vector<16x512xi1>
    %ne3A_1367 = arith.xori %eq3A_1078, %ne3A_1343 : vector<1x512xi1>
    %eq3A_1368 = vector.broadcast %ne3A_1367 : vector<1x512xi1> to vector<16x512xi1>
    %eq3A_1369 = vector.broadcast %eq3A_1368 : vector<16x512xi1> to vector<16x512xi1>
    %eq3A_1370 = arith.xori %eq3A_1369, %or3A_1366 : vector<16x512xi1>
    %eq3A_1371 = arith.constant dense<true> : vector<16x512xi1>
    %eq3A_1372 = arith.xori %eq3A_1370, %eq3A_1371 : vector<16x512xi1>
    %select_n3A_1373 = arith.select %eq3A_1372, %select_n3A_1336, %select_n3A_1352 : vector<16x512xi1>, vector<16x512xf32>
    %select_n3A_1374 = arith.select %eq3A_1372, %select_n3A_1337, %select_n3A_1361 : vector<16x512xi1>, vector<16x512xi32>
    %and3A_1375 = arith.constant 512 : i32
    %and3A_1376 = vector.broadcast %and3A_1375 : i32 to vector<1x512xi32>
    %and3A_1377 = arith.andi %iota3A, %and3A_1376 : vector<1x512xi32>
    %eq3A_1378 = arith.constant 0 : i32
    %eq3A_1379 = vector.broadcast %eq3A_1378 : i32 to vector<1x512xi32>
    %eq3A_1380 = arith.cmpi eq, %and3A_1377, %eq3A_1379 : vector<1x512xi32>
    %and3A_1381 = arith.constant 256 : i32
    %and3A_1382 = vector.broadcast %and3A_1381 : i32 to vector<1x512xi32>
    %and3A_1383 = arith.andi %iota3A, %and3A_1382 : vector<1x512xi32>
    %ne3A_1384 = arith.constant 0 : i32
    %ne3A_1385 = vector.broadcast %ne3A_1384 : i32 to vector<1x512xi32>
    %ne3A_1386 = arith.cmpi ne, %and3A_1383, %ne3A_1385 : vector<1x512xi32>
    %slice3A_1387 = vector.extract_strided_slice %select_n3A_1373 {offsets = [0, 256], sizes = [16, 256], strides = [1, 1]} : vector<16x512xf32> to vector<16x256xf32>
    %slice3A_1388 = vector.extract_strided_slice %select_n3A_1373 {offsets = [0, 0], sizes = [16, 256], strides = [1, 1]} : vector<16x512xf32> to vector<16x256xf32>
    %concatenate3A_1389 = tpu.concatenate %slice3A_1387, %slice3A_1388 in 1 : vector<16x256xf32>, vector<16x256xf32> -> vector<16x512xf32>
    %slice3A_1390 = vector.extract_strided_slice %select_n3A_1373 {offsets = [0, 256], sizes = [16, 256], strides = [1, 1]} : vector<16x512xf32> to vector<16x256xf32>
    %slice3A_1391 = vector.extract_strided_slice %select_n3A_1373 {offsets = [0, 0], sizes = [16, 256], strides = [1, 1]} : vector<16x512xf32> to vector<16x256xf32>
    %concatenate3A_1392 = tpu.concatenate %slice3A_1390, %slice3A_1391 in 1 : vector<16x256xf32>, vector<16x256xf32> -> vector<16x512xf32>
    %broadcast_in_dim3A_1393 = vector.shape_cast %ne3A_1386 : vector<1x512xi1> to vector<1x512xi1>
    %broadcast_in_dim3A_1394 = vector.broadcast %broadcast_in_dim3A_1393 : vector<1x512xi1> to vector<16x512xi1>
    %select_n3A_1395 = arith.select %broadcast_in_dim3A_1394, %concatenate3A_1389, %concatenate3A_1392 : vector<16x512xi1>, vector<16x512xf32>
    %slice3A_1396 = vector.extract_strided_slice %select_n3A_1374 {offsets = [0, 256], sizes = [16, 256], strides = [1, 1]} : vector<16x512xi32> to vector<16x256xi32>
    %slice3A_1397 = vector.extract_strided_slice %select_n3A_1374 {offsets = [0, 0], sizes = [16, 256], strides = [1, 1]} : vector<16x512xi32> to vector<16x256xi32>
    %concatenate3A_1398 = tpu.concatenate %slice3A_1396, %slice3A_1397 in 1 : vector<16x256xi32>, vector<16x256xi32> -> vector<16x512xi32>
    %slice3A_1399 = vector.extract_strided_slice %select_n3A_1374 {offsets = [0, 256], sizes = [16, 256], strides = [1, 1]} : vector<16x512xi32> to vector<16x256xi32>
    %slice3A_1400 = vector.extract_strided_slice %select_n3A_1374 {offsets = [0, 0], sizes = [16, 256], strides = [1, 1]} : vector<16x512xi32> to vector<16x256xi32>
    %concatenate3A_1401 = tpu.concatenate %slice3A_1399, %slice3A_1400 in 1 : vector<16x256xi32>, vector<16x256xi32> -> vector<16x512xi32>
    %broadcast_in_dim3A_1402 = vector.shape_cast %ne3A_1386 : vector<1x512xi1> to vector<1x512xi1>
    %broadcast_in_dim3A_1403 = vector.broadcast %broadcast_in_dim3A_1402 : vector<1x512xi1> to vector<16x512xi1>
    %select_n3A_1404 = arith.select %broadcast_in_dim3A_1403, %concatenate3A_1398, %concatenate3A_1401 : vector<16x512xi1>, vector<16x512xi32>
    %gt3A_1405 = arith.cmpf ogt, %select_n3A_1373, %select_n3A_1395 : vector<16x512xf32>
    %eq3A_1406 = arith.cmpf oeq, %select_n3A_1373, %select_n3A_1395 : vector<16x512xf32>
    %lt3A_1407 = arith.cmpi slt, %select_n3A_1374, %select_n3A_1404 : vector<16x512xi32>
    %and3A_1408 = arith.andi %eq3A_1406, %lt3A_1407 : vector<16x512xi1>
    %or3A_1409 = arith.ori %gt3A_1405, %and3A_1408 : vector<16x512xi1>
    %ne3A_1410 = arith.xori %eq3A_1380, %ne3A_1386 : vector<1x512xi1>
    %eq3A_1411 = vector.broadcast %ne3A_1410 : vector<1x512xi1> to vector<16x512xi1>
    %eq3A_1412 = vector.broadcast %eq3A_1411 : vector<16x512xi1> to vector<16x512xi1>
    %eq3A_1413 = arith.xori %eq3A_1412, %or3A_1409 : vector<16x512xi1>
    %eq3A_1414 = arith.constant dense<true> : vector<16x512xi1>
    %eq3A_1415 = arith.xori %eq3A_1413, %eq3A_1414 : vector<16x512xi1>
    %select_n3A_1416 = arith.select %eq3A_1415, %select_n3A_1373, %select_n3A_1395 : vector<16x512xi1>, vector<16x512xf32>
    %select_n3A_1417 = arith.select %eq3A_1415, %select_n3A_1374, %select_n3A_1404 : vector<16x512xi1>, vector<16x512xi32>
    %and3A_1418 = arith.constant 128 : i32
    %and3A_1419 = vector.broadcast %and3A_1418 : i32 to vector<1x512xi32>
    %and3A_1420 = arith.andi %iota3A, %and3A_1419 : vector<1x512xi32>
    %ne3A_1421 = arith.constant 0 : i32
    %ne3A_1422 = vector.broadcast %ne3A_1421 : i32 to vector<1x512xi32>
    %ne3A_1423 = arith.cmpi ne, %and3A_1420, %ne3A_1422 : vector<1x512xi32>
    %slice3A_1424 = vector.extract_strided_slice %select_n3A_1416 {offsets = [0, 384], sizes = [16, 128], strides = [1, 1]} : vector<16x512xf32> to vector<16x128xf32>
    %slice3A_1425 = vector.extract_strided_slice %select_n3A_1416 {offsets = [0, 0], sizes = [16, 384], strides = [1, 1]} : vector<16x512xf32> to vector<16x384xf32>
    %concatenate3A_1426 = tpu.concatenate %slice3A_1424, %slice3A_1425 in 1 : vector<16x128xf32>, vector<16x384xf32> -> vector<16x512xf32>
    %slice3A_1427 = vector.extract_strided_slice %select_n3A_1416 {offsets = [0, 128], sizes = [16, 384], strides = [1, 1]} : vector<16x512xf32> to vector<16x384xf32>
    %slice3A_1428 = vector.extract_strided_slice %select_n3A_1416 {offsets = [0, 0], sizes = [16, 128], strides = [1, 1]} : vector<16x512xf32> to vector<16x128xf32>
    %concatenate3A_1429 = tpu.concatenate %slice3A_1427, %slice3A_1428 in 1 : vector<16x384xf32>, vector<16x128xf32> -> vector<16x512xf32>
    %broadcast_in_dim3A_1430 = vector.shape_cast %ne3A_1423 : vector<1x512xi1> to vector<1x512xi1>
    %broadcast_in_dim3A_1431 = vector.broadcast %broadcast_in_dim3A_1430 : vector<1x512xi1> to vector<16x512xi1>
    %select_n3A_1432 = arith.select %broadcast_in_dim3A_1431, %concatenate3A_1426, %concatenate3A_1429 : vector<16x512xi1>, vector<16x512xf32>
    %slice3A_1433 = vector.extract_strided_slice %select_n3A_1417 {offsets = [0, 384], sizes = [16, 128], strides = [1, 1]} : vector<16x512xi32> to vector<16x128xi32>
    %slice3A_1434 = vector.extract_strided_slice %select_n3A_1417 {offsets = [0, 0], sizes = [16, 384], strides = [1, 1]} : vector<16x512xi32> to vector<16x384xi32>
    %concatenate3A_1435 = tpu.concatenate %slice3A_1433, %slice3A_1434 in 1 : vector<16x128xi32>, vector<16x384xi32> -> vector<16x512xi32>
    %slice3A_1436 = vector.extract_strided_slice %select_n3A_1417 {offsets = [0, 128], sizes = [16, 384], strides = [1, 1]} : vector<16x512xi32> to vector<16x384xi32>
    %slice3A_1437 = vector.extract_strided_slice %select_n3A_1417 {offsets = [0, 0], sizes = [16, 128], strides = [1, 1]} : vector<16x512xi32> to vector<16x128xi32>
    %concatenate3A_1438 = tpu.concatenate %slice3A_1436, %slice3A_1437 in 1 : vector<16x384xi32>, vector<16x128xi32> -> vector<16x512xi32>
    %broadcast_in_dim3A_1439 = vector.shape_cast %ne3A_1423 : vector<1x512xi1> to vector<1x512xi1>
    %broadcast_in_dim3A_1440 = vector.broadcast %broadcast_in_dim3A_1439 : vector<1x512xi1> to vector<16x512xi1>
    %select_n3A_1441 = arith.select %broadcast_in_dim3A_1440, %concatenate3A_1435, %concatenate3A_1438 : vector<16x512xi1>, vector<16x512xi32>
    %gt3A_1442 = arith.cmpf ogt, %select_n3A_1416, %select_n3A_1432 : vector<16x512xf32>
    %eq3A_1443 = arith.cmpf oeq, %select_n3A_1416, %select_n3A_1432 : vector<16x512xf32>
    %lt3A_1444 = arith.cmpi slt, %select_n3A_1417, %select_n3A_1441 : vector<16x512xi32>
    %and3A_1445 = arith.andi %eq3A_1443, %lt3A_1444 : vector<16x512xi1>
    %or3A_1446 = arith.ori %gt3A_1442, %and3A_1445 : vector<16x512xi1>
    %ne3A_1447 = arith.xori %eq3A_1380, %ne3A_1423 : vector<1x512xi1>
    %eq3A_1448 = vector.broadcast %ne3A_1447 : vector<1x512xi1> to vector<16x512xi1>
    %eq3A_1449 = vector.broadcast %eq3A_1448 : vector<16x512xi1> to vector<16x512xi1>
    %eq3A_1450 = arith.xori %eq3A_1449, %or3A_1446 : vector<16x512xi1>
    %eq3A_1451 = arith.constant dense<true> : vector<16x512xi1>
    %eq3A_1452 = arith.xori %eq3A_1450, %eq3A_1451 : vector<16x512xi1>
    %select_n3A_1453 = arith.select %eq3A_1452, %select_n3A_1416, %select_n3A_1432 : vector<16x512xi1>, vector<16x512xf32>
    %select_n3A_1454 = arith.select %eq3A_1452, %select_n3A_1417, %select_n3A_1441 : vector<16x512xi1>, vector<16x512xi32>
    %and3A_1455 = arith.constant 64 : i32
    %and3A_1456 = vector.broadcast %and3A_1455 : i32 to vector<1x512xi32>
    %and3A_1457 = arith.andi %iota3A, %and3A_1456 : vector<1x512xi32>
    %ne3A_1458 = arith.constant 0 : i32
    %ne3A_1459 = vector.broadcast %ne3A_1458 : i32 to vector<1x512xi32>
    %ne3A_1460 = arith.cmpi ne, %and3A_1457, %ne3A_1459 : vector<1x512xi32>
    %slice3A_1461 = vector.extract_strided_slice %select_n3A_1453 {offsets = [0, 448], sizes = [16, 64], strides = [1, 1]} : vector<16x512xf32> to vector<16x64xf32>
    %slice3A_1462 = vector.extract_strided_slice %select_n3A_1453 {offsets = [0, 0], sizes = [16, 448], strides = [1, 1]} : vector<16x512xf32> to vector<16x448xf32>
    %concatenate3A_1463 = tpu.concatenate %slice3A_1461, %slice3A_1462 in 1 : vector<16x64xf32>, vector<16x448xf32> -> vector<16x512xf32>
    %slice3A_1464 = vector.extract_strided_slice %select_n3A_1453 {offsets = [0, 64], sizes = [16, 448], strides = [1, 1]} : vector<16x512xf32> to vector<16x448xf32>
    %slice3A_1465 = vector.extract_strided_slice %select_n3A_1453 {offsets = [0, 0], sizes = [16, 64], strides = [1, 1]} : vector<16x512xf32> to vector<16x64xf32>
    %concatenate3A_1466 = tpu.concatenate %slice3A_1464, %slice3A_1465 in 1 : vector<16x448xf32>, vector<16x64xf32> -> vector<16x512xf32>
    %broadcast_in_dim3A_1467 = vector.shape_cast %ne3A_1460 : vector<1x512xi1> to vector<1x512xi1>
    %broadcast_in_dim3A_1468 = vector.broadcast %broadcast_in_dim3A_1467 : vector<1x512xi1> to vector<16x512xi1>
    %select_n3A_1469 = arith.select %broadcast_in_dim3A_1468, %concatenate3A_1463, %concatenate3A_1466 : vector<16x512xi1>, vector<16x512xf32>
    %slice3A_1470 = vector.extract_strided_slice %select_n3A_1454 {offsets = [0, 448], sizes = [16, 64], strides = [1, 1]} : vector<16x512xi32> to vector<16x64xi32>
    %slice3A_1471 = vector.extract_strided_slice %select_n3A_1454 {offsets = [0, 0], sizes = [16, 448], strides = [1, 1]} : vector<16x512xi32> to vector<16x448xi32>
    %concatenate3A_1472 = tpu.concatenate %slice3A_1470, %slice3A_1471 in 1 : vector<16x64xi32>, vector<16x448xi32> -> vector<16x512xi32>
    %slice3A_1473 = vector.extract_strided_slice %select_n3A_1454 {offsets = [0, 64], sizes = [16, 448], strides = [1, 1]} : vector<16x512xi32> to vector<16x448xi32>
    %slice3A_1474 = vector.extract_strided_slice %select_n3A_1454 {offsets = [0, 0], sizes = [16, 64], strides = [1, 1]} : vector<16x512xi32> to vector<16x64xi32>
    %concatenate3A_1475 = tpu.concatenate %slice3A_1473, %slice3A_1474 in 1 : vector<16x448xi32>, vector<16x64xi32> -> vector<16x512xi32>
    %broadcast_in_dim3A_1476 = vector.shape_cast %ne3A_1460 : vector<1x512xi1> to vector<1x512xi1>
    %broadcast_in_dim3A_1477 = vector.broadcast %broadcast_in_dim3A_1476 : vector<1x512xi1> to vector<16x512xi1>
    %select_n3A_1478 = arith.select %broadcast_in_dim3A_1477, %concatenate3A_1472, %concatenate3A_1475 : vector<16x512xi1>, vector<16x512xi32>
    %gt3A_1479 = arith.cmpf ogt, %select_n3A_1453, %select_n3A_1469 : vector<16x512xf32>
    %eq3A_1480 = arith.cmpf oeq, %select_n3A_1453, %select_n3A_1469 : vector<16x512xf32>
    %lt3A_1481 = arith.cmpi slt, %select_n3A_1454, %select_n3A_1478 : vector<16x512xi32>
    %and3A_1482 = arith.andi %eq3A_1480, %lt3A_1481 : vector<16x512xi1>
    %or3A_1483 = arith.ori %gt3A_1479, %and3A_1482 : vector<16x512xi1>
    %ne3A_1484 = arith.xori %eq3A_1380, %ne3A_1460 : vector<1x512xi1>
    %eq3A_1485 = vector.broadcast %ne3A_1484 : vector<1x512xi1> to vector<16x512xi1>
    %eq3A_1486 = vector.broadcast %eq3A_1485 : vector<16x512xi1> to vector<16x512xi1>
    %eq3A_1487 = arith.xori %eq3A_1486, %or3A_1483 : vector<16x512xi1>
    %eq3A_1488 = arith.constant dense<true> : vector<16x512xi1>
    %eq3A_1489 = arith.xori %eq3A_1487, %eq3A_1488 : vector<16x512xi1>
    %select_n3A_1490 = arith.select %eq3A_1489, %select_n3A_1453, %select_n3A_1469 : vector<16x512xi1>, vector<16x512xf32>
    %select_n3A_1491 = arith.select %eq3A_1489, %select_n3A_1454, %select_n3A_1478 : vector<16x512xi1>, vector<16x512xi32>
    %and3A_1492 = arith.constant 32 : i32
    %and3A_1493 = vector.broadcast %and3A_1492 : i32 to vector<1x512xi32>
    %and3A_1494 = arith.andi %iota3A, %and3A_1493 : vector<1x512xi32>
    %ne3A_1495 = arith.constant 0 : i32
    %ne3A_1496 = vector.broadcast %ne3A_1495 : i32 to vector<1x512xi32>
    %ne3A_1497 = arith.cmpi ne, %and3A_1494, %ne3A_1496 : vector<1x512xi32>
    %slice3A_1498 = vector.extract_strided_slice %select_n3A_1490 {offsets = [0, 480], sizes = [16, 32], strides = [1, 1]} : vector<16x512xf32> to vector<16x32xf32>
    %slice3A_1499 = vector.extract_strided_slice %select_n3A_1490 {offsets = [0, 0], sizes = [16, 480], strides = [1, 1]} : vector<16x512xf32> to vector<16x480xf32>
    %concatenate3A_1500 = tpu.concatenate %slice3A_1498, %slice3A_1499 in 1 : vector<16x32xf32>, vector<16x480xf32> -> vector<16x512xf32>
    %slice3A_1501 = vector.extract_strided_slice %select_n3A_1490 {offsets = [0, 32], sizes = [16, 480], strides = [1, 1]} : vector<16x512xf32> to vector<16x480xf32>
    %slice3A_1502 = vector.extract_strided_slice %select_n3A_1490 {offsets = [0, 0], sizes = [16, 32], strides = [1, 1]} : vector<16x512xf32> to vector<16x32xf32>
    %concatenate3A_1503 = tpu.concatenate %slice3A_1501, %slice3A_1502 in 1 : vector<16x480xf32>, vector<16x32xf32> -> vector<16x512xf32>
    %broadcast_in_dim3A_1504 = vector.shape_cast %ne3A_1497 : vector<1x512xi1> to vector<1x512xi1>
    %broadcast_in_dim3A_1505 = vector.broadcast %broadcast_in_dim3A_1504 : vector<1x512xi1> to vector<16x512xi1>
    %select_n3A_1506 = arith.select %broadcast_in_dim3A_1505, %concatenate3A_1500, %concatenate3A_1503 : vector<16x512xi1>, vector<16x512xf32>
    %slice3A_1507 = vector.extract_strided_slice %select_n3A_1491 {offsets = [0, 480], sizes = [16, 32], strides = [1, 1]} : vector<16x512xi32> to vector<16x32xi32>
    %slice3A_1508 = vector.extract_strided_slice %select_n3A_1491 {offsets = [0, 0], sizes = [16, 480], strides = [1, 1]} : vector<16x512xi32> to vector<16x480xi32>
    %concatenate3A_1509 = tpu.concatenate %slice3A_1507, %slice3A_1508 in 1 : vector<16x32xi32>, vector<16x480xi32> -> vector<16x512xi32>
    %slice3A_1510 = vector.extract_strided_slice %select_n3A_1491 {offsets = [0, 32], sizes = [16, 480], strides = [1, 1]} : vector<16x512xi32> to vector<16x480xi32>
    %slice3A_1511 = vector.extract_strided_slice %select_n3A_1491 {offsets = [0, 0], sizes = [16, 32], strides = [1, 1]} : vector<16x512xi32> to vector<16x32xi32>
    %concatenate3A_1512 = tpu.concatenate %slice3A_1510, %slice3A_1511 in 1 : vector<16x480xi32>, vector<16x32xi32> -> vector<16x512xi32>
    %broadcast_in_dim3A_1513 = vector.shape_cast %ne3A_1497 : vector<1x512xi1> to vector<1x512xi1>
    %broadcast_in_dim3A_1514 = vector.broadcast %broadcast_in_dim3A_1513 : vector<1x512xi1> to vector<16x512xi1>
    %select_n3A_1515 = arith.select %broadcast_in_dim3A_1514, %concatenate3A_1509, %concatenate3A_1512 : vector<16x512xi1>, vector<16x512xi32>
    %gt3A_1516 = arith.cmpf ogt, %select_n3A_1490, %select_n3A_1506 : vector<16x512xf32>
    %eq3A_1517 = arith.cmpf oeq, %select_n3A_1490, %select_n3A_1506 : vector<16x512xf32>
    %lt3A_1518 = arith.cmpi slt, %select_n3A_1491, %select_n3A_1515 : vector<16x512xi32>
    %and3A_1519 = arith.andi %eq3A_1517, %lt3A_1518 : vector<16x512xi1>
    %or3A_1520 = arith.ori %gt3A_1516, %and3A_1519 : vector<16x512xi1>
    %ne3A_1521 = arith.xori %eq3A_1380, %ne3A_1497 : vector<1x512xi1>
    %eq3A_1522 = vector.broadcast %ne3A_1521 : vector<1x512xi1> to vector<16x512xi1>
    %eq3A_1523 = vector.broadcast %eq3A_1522 : vector<16x512xi1> to vector<16x512xi1>
    %eq3A_1524 = arith.xori %eq3A_1523, %or3A_1520 : vector<16x512xi1>
    %eq3A_1525 = arith.constant dense<true> : vector<16x512xi1>
    %eq3A_1526 = arith.xori %eq3A_1524, %eq3A_1525 : vector<16x512xi1>
    %select_n3A_1527 = arith.select %eq3A_1526, %select_n3A_1490, %select_n3A_1506 : vector<16x512xi1>, vector<16x512xf32>
    %select_n3A_1528 = arith.select %eq3A_1526, %select_n3A_1491, %select_n3A_1515 : vector<16x512xi1>, vector<16x512xi32>
    %and3A_1529 = arith.constant 16 : i32
    %and3A_1530 = vector.broadcast %and3A_1529 : i32 to vector<1x512xi32>
    %and3A_1531 = arith.andi %iota3A, %and3A_1530 : vector<1x512xi32>
    %ne3A_1532 = arith.constant 0 : i32
    %ne3A_1533 = vector.broadcast %ne3A_1532 : i32 to vector<1x512xi32>
    %ne3A_1534 = arith.cmpi ne, %and3A_1531, %ne3A_1533 : vector<1x512xi32>
    %slice3A_1535 = vector.extract_strided_slice %select_n3A_1527 {offsets = [0, 496], sizes = [16, 16], strides = [1, 1]} : vector<16x512xf32> to vector<16x16xf32>
    %slice3A_1536 = vector.extract_strided_slice %select_n3A_1527 {offsets = [0, 0], sizes = [16, 496], strides = [1, 1]} : vector<16x512xf32> to vector<16x496xf32>
    %concatenate3A_1537 = tpu.concatenate %slice3A_1535, %slice3A_1536 in 1 : vector<16x16xf32>, vector<16x496xf32> -> vector<16x512xf32>
    %slice3A_1538 = vector.extract_strided_slice %select_n3A_1527 {offsets = [0, 16], sizes = [16, 496], strides = [1, 1]} : vector<16x512xf32> to vector<16x496xf32>
    %slice3A_1539 = vector.extract_strided_slice %select_n3A_1527 {offsets = [0, 0], sizes = [16, 16], strides = [1, 1]} : vector<16x512xf32> to vector<16x16xf32>
    %concatenate3A_1540 = tpu.concatenate %slice3A_1538, %slice3A_1539 in 1 : vector<16x496xf32>, vector<16x16xf32> -> vector<16x512xf32>
    %broadcast_in_dim3A_1541 = vector.shape_cast %ne3A_1534 : vector<1x512xi1> to vector<1x512xi1>
    %broadcast_in_dim3A_1542 = vector.broadcast %broadcast_in_dim3A_1541 : vector<1x512xi1> to vector<16x512xi1>
    %select_n3A_1543 = arith.select %broadcast_in_dim3A_1542, %concatenate3A_1537, %concatenate3A_1540 : vector<16x512xi1>, vector<16x512xf32>
    %slice3A_1544 = vector.extract_strided_slice %select_n3A_1528 {offsets = [0, 496], sizes = [16, 16], strides = [1, 1]} : vector<16x512xi32> to vector<16x16xi32>
    %slice3A_1545 = vector.extract_strided_slice %select_n3A_1528 {offsets = [0, 0], sizes = [16, 496], strides = [1, 1]} : vector<16x512xi32> to vector<16x496xi32>
    %concatenate3A_1546 = tpu.concatenate %slice3A_1544, %slice3A_1545 in 1 : vector<16x16xi32>, vector<16x496xi32> -> vector<16x512xi32>
    %slice3A_1547 = vector.extract_strided_slice %select_n3A_1528 {offsets = [0, 16], sizes = [16, 496], strides = [1, 1]} : vector<16x512xi32> to vector<16x496xi32>
    %slice3A_1548 = vector.extract_strided_slice %select_n3A_1528 {offsets = [0, 0], sizes = [16, 16], strides = [1, 1]} : vector<16x512xi32> to vector<16x16xi32>
    %concatenate3A_1549 = tpu.concatenate %slice3A_1547, %slice3A_1548 in 1 : vector<16x496xi32>, vector<16x16xi32> -> vector<16x512xi32>
    %broadcast_in_dim3A_1550 = vector.shape_cast %ne3A_1534 : vector<1x512xi1> to vector<1x512xi1>
    %broadcast_in_dim3A_1551 = vector.broadcast %broadcast_in_dim3A_1550 : vector<1x512xi1> to vector<16x512xi1>
    %select_n3A_1552 = arith.select %broadcast_in_dim3A_1551, %concatenate3A_1546, %concatenate3A_1549 : vector<16x512xi1>, vector<16x512xi32>
    %gt3A_1553 = arith.cmpf ogt, %select_n3A_1527, %select_n3A_1543 : vector<16x512xf32>
    %eq3A_1554 = arith.cmpf oeq, %select_n3A_1527, %select_n3A_1543 : vector<16x512xf32>
    %lt3A_1555 = arith.cmpi slt, %select_n3A_1528, %select_n3A_1552 : vector<16x512xi32>
    %and3A_1556 = arith.andi %eq3A_1554, %lt3A_1555 : vector<16x512xi1>
    %or3A_1557 = arith.ori %gt3A_1553, %and3A_1556 : vector<16x512xi1>
    %ne3A_1558 = arith.xori %eq3A_1380, %ne3A_1534 : vector<1x512xi1>
    %eq3A_1559 = vector.broadcast %ne3A_1558 : vector<1x512xi1> to vector<16x512xi1>
    %eq3A_1560 = vector.broadcast %eq3A_1559 : vector<16x512xi1> to vector<16x512xi1>
    %eq3A_1561 = arith.xori %eq3A_1560, %or3A_1557 : vector<16x512xi1>
    %eq3A_1562 = arith.constant dense<true> : vector<16x512xi1>
    %eq3A_1563 = arith.xori %eq3A_1561, %eq3A_1562 : vector<16x512xi1>
    %select_n3A_1564 = arith.select %eq3A_1563, %select_n3A_1527, %select_n3A_1543 : vector<16x512xi1>, vector<16x512xf32>
    %select_n3A_1565 = arith.select %eq3A_1563, %select_n3A_1528, %select_n3A_1552 : vector<16x512xi1>, vector<16x512xi32>
    %and3A_1566 = arith.constant 8 : i32
    %and3A_1567 = vector.broadcast %and3A_1566 : i32 to vector<1x512xi32>
    %and3A_1568 = arith.andi %iota3A, %and3A_1567 : vector<1x512xi32>
    %ne3A_1569 = arith.constant 0 : i32
    %ne3A_1570 = vector.broadcast %ne3A_1569 : i32 to vector<1x512xi32>
    %ne3A_1571 = arith.cmpi ne, %and3A_1568, %ne3A_1570 : vector<1x512xi32>
    %slice3A_1572 = vector.extract_strided_slice %select_n3A_1564 {offsets = [0, 504], sizes = [16, 8], strides = [1, 1]} : vector<16x512xf32> to vector<16x8xf32>
    %slice3A_1573 = vector.extract_strided_slice %select_n3A_1564 {offsets = [0, 0], sizes = [16, 504], strides = [1, 1]} : vector<16x512xf32> to vector<16x504xf32>
    %concatenate3A_1574 = tpu.concatenate %slice3A_1572, %slice3A_1573 in 1 : vector<16x8xf32>, vector<16x504xf32> -> vector<16x512xf32>
    %slice3A_1575 = vector.extract_strided_slice %select_n3A_1564 {offsets = [0, 8], sizes = [16, 504], strides = [1, 1]} : vector<16x512xf32> to vector<16x504xf32>
    %slice3A_1576 = vector.extract_strided_slice %select_n3A_1564 {offsets = [0, 0], sizes = [16, 8], strides = [1, 1]} : vector<16x512xf32> to vector<16x8xf32>
    %concatenate3A_1577 = tpu.concatenate %slice3A_1575, %slice3A_1576 in 1 : vector<16x504xf32>, vector<16x8xf32> -> vector<16x512xf32>
    %broadcast_in_dim3A_1578 = vector.shape_cast %ne3A_1571 : vector<1x512xi1> to vector<1x512xi1>
    %broadcast_in_dim3A_1579 = vector.broadcast %broadcast_in_dim3A_1578 : vector<1x512xi1> to vector<16x512xi1>
    %select_n3A_1580 = arith.select %broadcast_in_dim3A_1579, %concatenate3A_1574, %concatenate3A_1577 : vector<16x512xi1>, vector<16x512xf32>
    %slice3A_1581 = vector.extract_strided_slice %select_n3A_1565 {offsets = [0, 504], sizes = [16, 8], strides = [1, 1]} : vector<16x512xi32> to vector<16x8xi32>
    %slice3A_1582 = vector.extract_strided_slice %select_n3A_1565 {offsets = [0, 0], sizes = [16, 504], strides = [1, 1]} : vector<16x512xi32> to vector<16x504xi32>
    %concatenate3A_1583 = tpu.concatenate %slice3A_1581, %slice3A_1582 in 1 : vector<16x8xi32>, vector<16x504xi32> -> vector<16x512xi32>
    %slice3A_1584 = vector.extract_strided_slice %select_n3A_1565 {offsets = [0, 8], sizes = [16, 504], strides = [1, 1]} : vector<16x512xi32> to vector<16x504xi32>
    %slice3A_1585 = vector.extract_strided_slice %select_n3A_1565 {offsets = [0, 0], sizes = [16, 8], strides = [1, 1]} : vector<16x512xi32> to vector<16x8xi32>
    %concatenate3A_1586 = tpu.concatenate %slice3A_1584, %slice3A_1585 in 1 : vector<16x504xi32>, vector<16x8xi32> -> vector<16x512xi32>
    %broadcast_in_dim3A_1587 = vector.shape_cast %ne3A_1571 : vector<1x512xi1> to vector<1x512xi1>
    %broadcast_in_dim3A_1588 = vector.broadcast %broadcast_in_dim3A_1587 : vector<1x512xi1> to vector<16x512xi1>
    %select_n3A_1589 = arith.select %broadcast_in_dim3A_1588, %concatenate3A_1583, %concatenate3A_1586 : vector<16x512xi1>, vector<16x512xi32>
    %gt3A_1590 = arith.cmpf ogt, %select_n3A_1564, %select_n3A_1580 : vector<16x512xf32>
    %eq3A_1591 = arith.cmpf oeq, %select_n3A_1564, %select_n3A_1580 : vector<16x512xf32>
    %lt3A_1592 = arith.cmpi slt, %select_n3A_1565, %select_n3A_1589 : vector<16x512xi32>
    %and3A_1593 = arith.andi %eq3A_1591, %lt3A_1592 : vector<16x512xi1>
    %or3A_1594 = arith.ori %gt3A_1590, %and3A_1593 : vector<16x512xi1>
    %ne3A_1595 = arith.xori %eq3A_1380, %ne3A_1571 : vector<1x512xi1>
    %eq3A_1596 = vector.broadcast %ne3A_1595 : vector<1x512xi1> to vector<16x512xi1>
    %eq3A_1597 = vector.broadcast %eq3A_1596 : vector<16x512xi1> to vector<16x512xi1>
    %eq3A_1598 = arith.xori %eq3A_1597, %or3A_1594 : vector<16x512xi1>
    %eq3A_1599 = arith.constant dense<true> : vector<16x512xi1>
    %eq3A_1600 = arith.xori %eq3A_1598, %eq3A_1599 : vector<16x512xi1>
    %select_n3A_1601 = arith.select %eq3A_1600, %select_n3A_1564, %select_n3A_1580 : vector<16x512xi1>, vector<16x512xf32>
    %select_n3A_1602 = arith.select %eq3A_1600, %select_n3A_1565, %select_n3A_1589 : vector<16x512xi1>, vector<16x512xi32>
    %and3A_1603 = arith.constant 4 : i32
    %and3A_1604 = vector.broadcast %and3A_1603 : i32 to vector<1x512xi32>
    %and3A_1605 = arith.andi %iota3A, %and3A_1604 : vector<1x512xi32>
    %ne3A_1606 = arith.constant 0 : i32
    %ne3A_1607 = vector.broadcast %ne3A_1606 : i32 to vector<1x512xi32>
    %ne3A_1608 = arith.cmpi ne, %and3A_1605, %ne3A_1607 : vector<1x512xi32>
    %slice3A_1609 = vector.extract_strided_slice %select_n3A_1601 {offsets = [0, 508], sizes = [16, 4], strides = [1, 1]} : vector<16x512xf32> to vector<16x4xf32>
    %slice3A_1610 = vector.extract_strided_slice %select_n3A_1601 {offsets = [0, 0], sizes = [16, 508], strides = [1, 1]} : vector<16x512xf32> to vector<16x508xf32>
    %concatenate3A_1611 = tpu.concatenate %slice3A_1609, %slice3A_1610 in 1 : vector<16x4xf32>, vector<16x508xf32> -> vector<16x512xf32>
    %slice3A_1612 = vector.extract_strided_slice %select_n3A_1601 {offsets = [0, 4], sizes = [16, 508], strides = [1, 1]} : vector<16x512xf32> to vector<16x508xf32>
    %slice3A_1613 = vector.extract_strided_slice %select_n3A_1601 {offsets = [0, 0], sizes = [16, 4], strides = [1, 1]} : vector<16x512xf32> to vector<16x4xf32>
    %concatenate3A_1614 = tpu.concatenate %slice3A_1612, %slice3A_1613 in 1 : vector<16x508xf32>, vector<16x4xf32> -> vector<16x512xf32>
    %broadcast_in_dim3A_1615 = vector.shape_cast %ne3A_1608 : vector<1x512xi1> to vector<1x512xi1>
    %broadcast_in_dim3A_1616 = vector.broadcast %broadcast_in_dim3A_1615 : vector<1x512xi1> to vector<16x512xi1>
    %select_n3A_1617 = arith.select %broadcast_in_dim3A_1616, %concatenate3A_1611, %concatenate3A_1614 : vector<16x512xi1>, vector<16x512xf32>
    %slice3A_1618 = vector.extract_strided_slice %select_n3A_1602 {offsets = [0, 508], sizes = [16, 4], strides = [1, 1]} : vector<16x512xi32> to vector<16x4xi32>
    %slice3A_1619 = vector.extract_strided_slice %select_n3A_1602 {offsets = [0, 0], sizes = [16, 508], strides = [1, 1]} : vector<16x512xi32> to vector<16x508xi32>
    %concatenate3A_1620 = tpu.concatenate %slice3A_1618, %slice3A_1619 in 1 : vector<16x4xi32>, vector<16x508xi32> -> vector<16x512xi32>
    %slice3A_1621 = vector.extract_strided_slice %select_n3A_1602 {offsets = [0, 4], sizes = [16, 508], strides = [1, 1]} : vector<16x512xi32> to vector<16x508xi32>
    %slice3A_1622 = vector.extract_strided_slice %select_n3A_1602 {offsets = [0, 0], sizes = [16, 4], strides = [1, 1]} : vector<16x512xi32> to vector<16x4xi32>
    %concatenate3A_1623 = tpu.concatenate %slice3A_1621, %slice3A_1622 in 1 : vector<16x508xi32>, vector<16x4xi32> -> vector<16x512xi32>
    %broadcast_in_dim3A_1624 = vector.shape_cast %ne3A_1608 : vector<1x512xi1> to vector<1x512xi1>
    %broadcast_in_dim3A_1625 = vector.broadcast %broadcast_in_dim3A_1624 : vector<1x512xi1> to vector<16x512xi1>
    %select_n3A_1626 = arith.select %broadcast_in_dim3A_1625, %concatenate3A_1620, %concatenate3A_1623 : vector<16x512xi1>, vector<16x512xi32>
    %gt3A_1627 = arith.cmpf ogt, %select_n3A_1601, %select_n3A_1617 : vector<16x512xf32>
    %eq3A_1628 = arith.cmpf oeq, %select_n3A_1601, %select_n3A_1617 : vector<16x512xf32>
    %lt3A_1629 = arith.cmpi slt, %select_n3A_1602, %select_n3A_1626 : vector<16x512xi32>
    %and3A_1630 = arith.andi %eq3A_1628, %lt3A_1629 : vector<16x512xi1>
    %or3A_1631 = arith.ori %gt3A_1627, %and3A_1630 : vector<16x512xi1>
    %ne3A_1632 = arith.xori %eq3A_1380, %ne3A_1608 : vector<1x512xi1>
    %eq3A_1633 = vector.broadcast %ne3A_1632 : vector<1x512xi1> to vector<16x512xi1>
    %eq3A_1634 = vector.broadcast %eq3A_1633 : vector<16x512xi1> to vector<16x512xi1>
    %eq3A_1635 = arith.xori %eq3A_1634, %or3A_1631 : vector<16x512xi1>
    %eq3A_1636 = arith.constant dense<true> : vector<16x512xi1>
    %eq3A_1637 = arith.xori %eq3A_1635, %eq3A_1636 : vector<16x512xi1>
    %select_n3A_1638 = arith.select %eq3A_1637, %select_n3A_1601, %select_n3A_1617 : vector<16x512xi1>, vector<16x512xf32>
    %select_n3A_1639 = arith.select %eq3A_1637, %select_n3A_1602, %select_n3A_1626 : vector<16x512xi1>, vector<16x512xi32>
    %and3A_1640 = arith.constant 2 : i32
    %and3A_1641 = vector.broadcast %and3A_1640 : i32 to vector<1x512xi32>
    %and3A_1642 = arith.andi %iota3A, %and3A_1641 : vector<1x512xi32>
    %ne3A_1643 = arith.constant 0 : i32
    %ne3A_1644 = vector.broadcast %ne3A_1643 : i32 to vector<1x512xi32>
    %ne3A_1645 = arith.cmpi ne, %and3A_1642, %ne3A_1644 : vector<1x512xi32>
    %slice3A_1646 = vector.extract_strided_slice %select_n3A_1638 {offsets = [0, 510], sizes = [16, 2], strides = [1, 1]} : vector<16x512xf32> to vector<16x2xf32>
    %slice3A_1647 = vector.extract_strided_slice %select_n3A_1638 {offsets = [0, 0], sizes = [16, 510], strides = [1, 1]} : vector<16x512xf32> to vector<16x510xf32>
    %concatenate3A_1648 = tpu.concatenate %slice3A_1646, %slice3A_1647 in 1 : vector<16x2xf32>, vector<16x510xf32> -> vector<16x512xf32>
    %slice3A_1649 = vector.extract_strided_slice %select_n3A_1638 {offsets = [0, 2], sizes = [16, 510], strides = [1, 1]} : vector<16x512xf32> to vector<16x510xf32>
    %slice3A_1650 = vector.extract_strided_slice %select_n3A_1638 {offsets = [0, 0], sizes = [16, 2], strides = [1, 1]} : vector<16x512xf32> to vector<16x2xf32>
    %concatenate3A_1651 = tpu.concatenate %slice3A_1649, %slice3A_1650 in 1 : vector<16x510xf32>, vector<16x2xf32> -> vector<16x512xf32>
    %broadcast_in_dim3A_1652 = vector.shape_cast %ne3A_1645 : vector<1x512xi1> to vector<1x512xi1>
    %broadcast_in_dim3A_1653 = vector.broadcast %broadcast_in_dim3A_1652 : vector<1x512xi1> to vector<16x512xi1>
    %select_n3A_1654 = arith.select %broadcast_in_dim3A_1653, %concatenate3A_1648, %concatenate3A_1651 : vector<16x512xi1>, vector<16x512xf32>
    %slice3A_1655 = vector.extract_strided_slice %select_n3A_1639 {offsets = [0, 510], sizes = [16, 2], strides = [1, 1]} : vector<16x512xi32> to vector<16x2xi32>
    %slice3A_1656 = vector.extract_strided_slice %select_n3A_1639 {offsets = [0, 0], sizes = [16, 510], strides = [1, 1]} : vector<16x512xi32> to vector<16x510xi32>
    %concatenate3A_1657 = tpu.concatenate %slice3A_1655, %slice3A_1656 in 1 : vector<16x2xi32>, vector<16x510xi32> -> vector<16x512xi32>
    %slice3A_1658 = vector.extract_strided_slice %select_n3A_1639 {offsets = [0, 2], sizes = [16, 510], strides = [1, 1]} : vector<16x512xi32> to vector<16x510xi32>
    %slice3A_1659 = vector.extract_strided_slice %select_n3A_1639 {offsets = [0, 0], sizes = [16, 2], strides = [1, 1]} : vector<16x512xi32> to vector<16x2xi32>
    %concatenate3A_1660 = tpu.concatenate %slice3A_1658, %slice3A_1659 in 1 : vector<16x510xi32>, vector<16x2xi32> -> vector<16x512xi32>
    %broadcast_in_dim3A_1661 = vector.shape_cast %ne3A_1645 : vector<1x512xi1> to vector<1x512xi1>
    %broadcast_in_dim3A_1662 = vector.broadcast %broadcast_in_dim3A_1661 : vector<1x512xi1> to vector<16x512xi1>
    %select_n3A_1663 = arith.select %broadcast_in_dim3A_1662, %concatenate3A_1657, %concatenate3A_1660 : vector<16x512xi1>, vector<16x512xi32>
    %gt3A_1664 = arith.cmpf ogt, %select_n3A_1638, %select_n3A_1654 : vector<16x512xf32>
    %eq3A_1665 = arith.cmpf oeq, %select_n3A_1638, %select_n3A_1654 : vector<16x512xf32>
    %lt3A_1666 = arith.cmpi slt, %select_n3A_1639, %select_n3A_1663 : vector<16x512xi32>
    %and3A_1667 = arith.andi %eq3A_1665, %lt3A_1666 : vector<16x512xi1>
    %or3A_1668 = arith.ori %gt3A_1664, %and3A_1667 : vector<16x512xi1>
    %ne3A_1669 = arith.xori %eq3A_1380, %ne3A_1645 : vector<1x512xi1>
    %eq3A_1670 = vector.broadcast %ne3A_1669 : vector<1x512xi1> to vector<16x512xi1>
    %eq3A_1671 = vector.broadcast %eq3A_1670 : vector<16x512xi1> to vector<16x512xi1>
    %eq3A_1672 = arith.xori %eq3A_1671, %or3A_1668 : vector<16x512xi1>
    %eq3A_1673 = arith.constant dense<true> : vector<16x512xi1>
    %eq3A_1674 = arith.xori %eq3A_1672, %eq3A_1673 : vector<16x512xi1>
    %select_n3A_1675 = arith.select %eq3A_1674, %select_n3A_1638, %select_n3A_1654 : vector<16x512xi1>, vector<16x512xf32>
    %select_n3A_1676 = arith.select %eq3A_1674, %select_n3A_1639, %select_n3A_1663 : vector<16x512xi1>, vector<16x512xi32>
    %and3A_1677 = arith.constant 1 : i32
    %and3A_1678 = vector.broadcast %and3A_1677 : i32 to vector<1x512xi32>
    %and3A_1679 = arith.andi %iota3A, %and3A_1678 : vector<1x512xi32>
    %ne3A_1680 = arith.constant 0 : i32
    %ne3A_1681 = vector.broadcast %ne3A_1680 : i32 to vector<1x512xi32>
    %ne3A_1682 = arith.cmpi ne, %and3A_1679, %ne3A_1681 : vector<1x512xi32>
    %slice3A_1683 = vector.extract_strided_slice %select_n3A_1675 {offsets = [0, 511], sizes = [16, 1], strides = [1, 1]} : vector<16x512xf32> to vector<16x1xf32>
    %slice3A_1684 = vector.extract_strided_slice %select_n3A_1675 {offsets = [0, 0], sizes = [16, 511], strides = [1, 1]} : vector<16x512xf32> to vector<16x511xf32>
    %concatenate3A_1685 = tpu.concatenate %slice3A_1683, %slice3A_1684 in 1 : vector<16x1xf32>, vector<16x511xf32> -> vector<16x512xf32>
    %slice3A_1686 = vector.extract_strided_slice %select_n3A_1675 {offsets = [0, 1], sizes = [16, 511], strides = [1, 1]} : vector<16x512xf32> to vector<16x511xf32>
    %slice3A_1687 = vector.extract_strided_slice %select_n3A_1675 {offsets = [0, 0], sizes = [16, 1], strides = [1, 1]} : vector<16x512xf32> to vector<16x1xf32>
    %concatenate3A_1688 = tpu.concatenate %slice3A_1686, %slice3A_1687 in 1 : vector<16x511xf32>, vector<16x1xf32> -> vector<16x512xf32>
    %broadcast_in_dim3A_1689 = vector.shape_cast %ne3A_1682 : vector<1x512xi1> to vector<1x512xi1>
    %broadcast_in_dim3A_1690 = vector.broadcast %broadcast_in_dim3A_1689 : vector<1x512xi1> to vector<16x512xi1>
    %select_n3A_1691 = arith.select %broadcast_in_dim3A_1690, %concatenate3A_1685, %concatenate3A_1688 : vector<16x512xi1>, vector<16x512xf32>
    %slice3A_1692 = vector.extract_strided_slice %select_n3A_1676 {offsets = [0, 511], sizes = [16, 1], strides = [1, 1]} : vector<16x512xi32> to vector<16x1xi32>
    %slice3A_1693 = vector.extract_strided_slice %select_n3A_1676 {offsets = [0, 0], sizes = [16, 511], strides = [1, 1]} : vector<16x512xi32> to vector<16x511xi32>
    %concatenate3A_1694 = tpu.concatenate %slice3A_1692, %slice3A_1693 in 1 : vector<16x1xi32>, vector<16x511xi32> -> vector<16x512xi32>
    %slice3A_1695 = vector.extract_strided_slice %select_n3A_1676 {offsets = [0, 1], sizes = [16, 511], strides = [1, 1]} : vector<16x512xi32> to vector<16x511xi32>
    %slice3A_1696 = vector.extract_strided_slice %select_n3A_1676 {offsets = [0, 0], sizes = [16, 1], strides = [1, 1]} : vector<16x512xi32> to vector<16x1xi32>
    %concatenate3A_1697 = tpu.concatenate %slice3A_1695, %slice3A_1696 in 1 : vector<16x511xi32>, vector<16x1xi32> -> vector<16x512xi32>
    %broadcast_in_dim3A_1698 = vector.shape_cast %ne3A_1682 : vector<1x512xi1> to vector<1x512xi1>
    %broadcast_in_dim3A_1699 = vector.broadcast %broadcast_in_dim3A_1698 : vector<1x512xi1> to vector<16x512xi1>
    %select_n3A_1700 = arith.select %broadcast_in_dim3A_1699, %concatenate3A_1694, %concatenate3A_1697 : vector<16x512xi1>, vector<16x512xi32>
    %gt3A_1701 = arith.cmpf ogt, %select_n3A_1675, %select_n3A_1691 : vector<16x512xf32>
    %eq3A_1702 = arith.cmpf oeq, %select_n3A_1675, %select_n3A_1691 : vector<16x512xf32>
    %lt3A_1703 = arith.cmpi slt, %select_n3A_1676, %select_n3A_1700 : vector<16x512xi32>
    %and3A_1704 = arith.andi %eq3A_1702, %lt3A_1703 : vector<16x512xi1>
    %or3A_1705 = arith.ori %gt3A_1701, %and3A_1704 : vector<16x512xi1>
    %ne3A_1706 = arith.xori %eq3A_1380, %ne3A_1682 : vector<1x512xi1>
    %eq3A_1707 = vector.broadcast %ne3A_1706 : vector<1x512xi1> to vector<16x512xi1>
    %eq3A_1708 = vector.broadcast %eq3A_1707 : vector<16x512xi1> to vector<16x512xi1>
    %eq3A_1709 = arith.xori %eq3A_1708, %or3A_1705 : vector<16x512xi1>
    %eq3A_1710 = arith.constant dense<true> : vector<16x512xi1>
    %eq3A_1711 = arith.xori %eq3A_1709, %eq3A_1710 : vector<16x512xi1>
    %select_n3A_1712 = arith.select %eq3A_1711, %select_n3A_1675, %select_n3A_1691 : vector<16x512xi1>, vector<16x512xf32>
    %select_n3A_1713 = arith.select %eq3A_1711, %select_n3A_1676, %select_n3A_1700 : vector<16x512xi1>, vector<16x512xi32>
    %jit3A = arith.constant 128 : i32
    %div3A = vector.broadcast %jit3A : i32 to vector<16x512xi32>
    %div3A_1714 = arith.divsi %select_n3A_1713, %div3A : vector<16x512xi32>
    %sign3A = arith.constant 0 : i32
    %sign3A_1715 = vector.broadcast %sign3A : i32 to vector<16x512xi32>
    %sign3A_1716 = arith.cmpi sgt, %select_n3A_1713, %sign3A_1715 : vector<16x512xi32>
    %sign3A_1717 = arith.extui %sign3A_1716 : vector<16x512xi1> to vector<16x512xi32>
    %sign3A_1718 = arith.constant 0 : i32
    %sign3A_1719 = vector.broadcast %sign3A_1718 : i32 to vector<16x512xi32>
    %sign3A_1720 = arith.cmpi slt, %select_n3A_1713, %sign3A_1719 : vector<16x512xi32>
    %sign3A_1721 = arith.extui %sign3A_1720 : vector<16x512xi1> to vector<16x512xi32>
    %sign3A_1722 = arith.subi %sign3A_1717, %sign3A_1721 : vector<16x512xi32>
    %sign3A_1723 = arith.constant 0 : i32
    %sign3A_1724 = arith.cmpi sgt, %jit3A, %sign3A_1723 : i32
    %sign3A_1725 = arith.extui %sign3A_1724 : i1 to i32
    %sign3A_1726 = arith.constant 0 : i32
    %sign3A_1727 = arith.cmpi slt, %jit3A, %sign3A_1726 : i32
    %sign3A_1728 = arith.extui %sign3A_1727 : i1 to i32
    %sign3A_1729 = arith.subi %sign3A_1725, %sign3A_1728 : i32
    %ne3A_1730 = vector.broadcast %sign3A_1729 : i32 to vector<16x512xi32>
    %ne3A_1731 = arith.cmpi ne, %sign3A_1722, %ne3A_1730 : vector<16x512xi32>
    %rem3A = vector.broadcast %jit3A : i32 to vector<16x512xi32>
    %rem3A_1732 = arith.remsi %select_n3A_1713, %rem3A : vector<16x512xi32>
    %ne3A_1733 = arith.constant 0 : i32
    %ne3A_1734 = vector.broadcast %ne3A_1733 : i32 to vector<16x512xi32>
    %ne3A_1735 = arith.cmpi ne, %rem3A_1732, %ne3A_1734 : vector<16x512xi32>
    %and3A_1736 = arith.andi %ne3A_1731, %ne3A_1735 : vector<16x512xi1>
    %sub3A = arith.constant 1 : i32
    %sub3A_1737 = vector.broadcast %sub3A : i32 to vector<16x512xi32>
    %sub3A_1738 = arith.subi %div3A_1714, %sub3A_1737 : vector<16x512xi32>
    %select_n3A_1739 = arith.select %and3A_1736, %sub3A_1738, %div3A_1714 : vector<16x512xi1>, vector<16x512xi32>
    %mul3A = arith.constant 128 : i32
    %mul3A_1740 = vector.broadcast %mul3A : i32 to vector<16x512xi32>
    %mul3A_1741 = arith.muli %select_n3A_1739, %mul3A_1740 : vector<16x512xi32>
    %sub3A_1742 = arith.subi %select_n3A_1713, %mul3A_1741 : vector<16x512xi32>
    %convert_element_type3A = arith.sitofp %select_n3A_1739 : vector<16x512xi32> to vector<16x512xf32>
    %div3A_1743 = arith.constant 1.280000e+02 : f32
    %div3A_1744 = vector.broadcast %div3A_1743 : f32 to vector<16x512xf32>
    %div3A_1745 = arith.divf %convert_element_type3A, %div3A_1744 : vector<16x512xf32>
    %swap3A = arith.constant 0 : index
    %swap3A_1746 = arith.constant 0 : index
    %swap3A_1747 = vector.load %arg2[%swap3A, %swap3A_1746] : memref<16x512xf32, #tpu.memory_space<vmem>>, vector<16x512xf32>
    tpu.vector_store %arg2[%swap3A, %swap3A_1746], %div3A_1745 {strides = array<i32>} : memref<16x512xf32, #tpu.memory_space<vmem>>, vector<16x512xf32>,
    %convert_element_type3A_1748 = arith.sitofp %sub3A_1742 : vector<16x512xi32> to vector<16x512xf32>
    %add3A = arith.constant 1.000000e+00 : f32
    %add3A_1749 = vector.broadcast %add3A : f32 to vector<16x512xf32>
    %add3A_1750 = arith.addf %convert_element_type3A_1748, %add3A_1749 : vector<16x512xf32>
    %div3A_1751 = arith.constant 1.280000e+02 : f32
    %div3A_1752 = vector.broadcast %div3A_1751 : f32 to vector<16x512xf32>
    %div3A_1753 = arith.divf %add3A_1750, %div3A_1752 : vector<16x512xf32>
    %swap3A_1754 = arith.constant 0 : index
    %swap3A_1755 = arith.constant 0 : index
    %swap3A_1756 = vector.load %arg3[%swap3A_1754, %swap3A_1755] : memref<16x512xf32, #tpu.memory_space<vmem>>, vector<16x512xf32>
    tpu.vector_store %arg3[%swap3A_1754, %swap3A_1755], %div3A_1753 {strides = array<i32>} : memref<16x512xf32, #tpu.memory_space<vmem>>, vector<16x512xf32>,
    %iota3A_1757 = tpu.iota {dimensions = array<i32: 0>} : vector<512x512xi32>
    %iota3A_1758 = tpu.iota {dimensions = array<i32: 1>} : vector<512x512xi32>
    %gt3A_1759 = arith.cmpi sgt, %iota3A_1758, %iota3A_1757 : vector<512x512xi32>
    %scan3A = arith.constant 0 : i32
    %scan3A_1760 = arith.constant 16 : i32
    %scan3A_1761 = arith.addi %scan3A, %scan3A_1760 : i32
    %scan3A_1762 = arith.constant 1 : i32
    scf.for %scan3A_1782 = %scan3A to %scan3A_1761 step %scan3A_1762  : i32 {
      %get3A_1783 = arith.index_cast %scan3A_1782 : i32 to index
      %get3A_1784 = arith.constant 0 : index
      %get3A_1785 = vector.load %arg2[%get3A_1783, %get3A_1784] : memref<16x512xf32, #tpu.memory_space<vmem>>, vector<1x512xf32>
      %get3A_1786 = arith.index_cast %scan3A_1782 : i32 to index
      %get3A_1787 = arith.constant 0 : index
      %get3A_1788 = vector.load %arg3[%get3A_1786, %get3A_1787] : memref<16x512xf32, #tpu.memory_space<vmem>>, vector<1x512xf32>
      %transpose3A = tpu.transpose %get3A_1785, [1, 0] : vector<1x512xf32> -> vector<512x1xf32>
      %transpose3A_1789 = tpu.transpose %get3A_1788, [1, 0] : vector<1x512xf32> -> vector<512x1xf32>
      %min3A = vector.broadcast %transpose3A_1789 : vector<512x1xf32> to vector<512x512xf32>
      %min3A_1790 = vector.broadcast %get3A_1788 : vector<1x512xf32> to vector<512x512xf32>
      %min3A_1791 = arith.minimumf %min3A, %min3A_1790 : vector<512x512xf32>
      %max3A = vector.broadcast %transpose3A : vector<512x1xf32> to vector<512x512xf32>
      %max3A_1792 = vector.broadcast %get3A_1785 : vector<1x512xf32> to vector<512x512xf32>
      %max3A_1793 = arith.maximumf %max3A, %max3A_1792 : vector<512x512xf32>
      %sub3A_1794 = arith.subf %min3A_1791, %max3A_1793 : vector<512x512xf32>
      %jit3A_1795 = arith.constant 0.000000e+00 : f32
      %max3A_1796 = vector.broadcast %jit3A_1795 : f32 to vector<512x512xf32>
      %max3A_1797 = arith.maximumf %max3A_1796, %sub3A_1794 : vector<512x512xf32>
      %sub3A_1798 = arith.subf %transpose3A_1789, %transpose3A : vector<512x1xf32>
      %sub3A_1799 = arith.subf %get3A_1788, %get3A_1785 : vector<1x512xf32>
      %add3A_1800 = vector.broadcast %sub3A_1798 : vector<512x1xf32> to vector<512x512xf32>
      %add3A_1801 = vector.broadcast %sub3A_1799 : vector<1x512xf32> to vector<512x512xf32>
      %add3A_1802 = arith.addf %add3A_1800, %add3A_1801 : vector<512x512xf32>
      %sub3A_1803 = arith.subf %add3A_1802, %max3A_1797 : vector<512x512xf32>
      %max3A_1804 = arith.constant 9.99999997E-7 : f32
      %max3A_1805 = vector.broadcast %max3A_1804 : f32 to vector<512x512xf32>
      %max3A_1806 = arith.maximumf %sub3A_1803, %max3A_1805 : vector<512x512xf32>
      %div3A_1807 = arith.divf %max3A_1797, %max3A_1806 : vector<512x512xf32>
      %gt3A_1808 = arith.constant 5.000000e-01 : f32
      %gt3A_1809 = vector.broadcast %gt3A_1808 : f32 to vector<512x512xf32>
      %gt3A_1810 = arith.cmpf ogt, %div3A_1807, %gt3A_1809 : vector<512x512xf32>
      %and3A_1811 = arith.andi %gt3A_1810, %gt3A_1759 : vector<512x512xi1>
      %convert_element_type3A_1812 = arith.extui %and3A_1811 : vector<512x512xi1> to vector<512x512xi32>
      %convert_element_type3A_1813 = arith.sitofp %convert_element_type3A_1812 : vector<512x512xi32> to vector<512x512xf32>
      %broadcast_in_dim3A_1814 = vector.shape_cast %convert_element_type3A_1813 : vector<512x512xf32> to vector<1x512x512xf32>
      %swap3A_1815 = arith.index_cast %scan3A_1782 : i32 to index
      %swap3A_1816 = arith.constant 0 : index
      %swap3A_1817 = arith.constant 0 : index
      %swap3A_1818 = vector.load %arg5[%swap3A_1815, %swap3A_1816, %swap3A_1817] : memref<16x512x512xf32, #tpu.memory_space<vmem>>, vector<1x512x512xf32>
      tpu.vector_store %arg5[%swap3A_1815, %swap3A_1816, %swap3A_1817], %broadcast_in_dim3A_1814 {strides = array<i32>} : memref<16x512x512xf32, #tpu.memory_space<vmem>>, vector<1x512x512xf32>,
    }
    %scan3A_1763 = arith.constant 16 : i32
    %broadcast_in_dim3A_1764 = arith.constant 1.000000e+00 : f32
    %broadcast_in_dim3A_1765 = vector.broadcast %broadcast_in_dim3A_1764 : f32 to vector<16x512xf32>
    %swap3A_1766 = arith.constant 0 : index
    %swap3A_1767 = arith.constant 0 : index
    %swap3A_1768 = vector.load %arg7[%swap3A_1766, %swap3A_1767] : memref<16x512xf32, #tpu.memory_space<vmem>>, vector<16x512xf32>
    tpu.vector_store %arg7[%swap3A_1766, %swap3A_1767], %broadcast_in_dim3A_1765 {strides = array<i32>} : memref<16x512xf32, #tpu.memory_space<vmem>>, vector<16x512xf32>,
    %while3A = arith.constant 1 : i32
    %while3A_1769 = scf.while (%while3A_1782 = %while3A) : (i32) -> i32 {
      %gt3A_1783 = arith.constant 0 : i32
      %gt3A_1784 = arith.cmpi sgt, %while3A_1782, %gt3A_1783 : i32
      scf.condition(%gt3A_1784) %while3A_1782 : i32
    } do {
    ^bb0(%while3A_1782: i32):
      %scan3A_1783 = arith.constant 0 : i32
      %scan3A_1784 = arith.constant 0 : i32
      %scan3A_1785 = arith.constant 16 : i32
      %scan3A_1786 = arith.addi %scan3A_1784, %scan3A_1785 : i32
      %scan3A_1787 = arith.constant 1 : i32
      %scan3A_1788 = scf.for %scan3A_1820 = %scan3A_1784 to %scan3A_1786 step %scan3A_1787 iter_args(%scan3A_1821 = %scan3A_1783) -> (i32)  : i32 {
        %get3A_1822 = arith.index_cast %scan3A_1820 : i32 to index
        %get3A_1823 = arith.constant 0 : index
        %get3A_1824 = vector.load %arg7[%get3A_1822, %get3A_1823] : memref<16x512xf32, #tpu.memory_space<vmem>>, vector<1x512xf32>
        %get3A_1825 = arith.index_cast %scan3A_1820 : i32 to index
        %get3A_1826 = arith.constant 0 : index
        %get3A_1827 = arith.constant 0 : index
        %get3A_1828 = vector.load %arg5[%get3A_1825, %get3A_1826, %get3A_1827] : memref<16x512x512xf32, #tpu.memory_space<vmem>>, vector<1x512x512xf32>
        %squeeze3A = vector.shape_cast %get3A_1828 : vector<1x512x512xf32> to vector<512x512xf32>
        %dot_general3A = arith.constant dense<0.000000e+00> : vector<1x512xf32>
        %dot_general3A_1829 = tpu.matmul %get3A_1824, %squeeze3A, %dot_general3A {dimension_numbers = #tpu.dot_dimension_numbers<[1], [0], [0], [1], [0, 0, 1, 1], [], []>, transpose_lhs_hint = false} : vector<1x512xf32>, vector<512x512xf32>, vector<1x512xf32> -> vector<1x512xf32>
        %swap3A_1830 = arith.index_cast %scan3A_1820 : i32 to index
        %swap3A_1831 = arith.constant 0 : index
        %swap3A_1832 = vector.load %arg6[%swap3A_1830, %swap3A_1831] : memref<16x512xf32, #tpu.memory_space<vmem>>, vector<1x512xf32>
        tpu.vector_store %arg6[%swap3A_1830, %swap3A_1831], %dot_general3A_1829 {strides = array<i32>} : memref<16x512xf32, #tpu.memory_space<vmem>>, vector<1x512xf32>,
        %scan3A_1833 = arith.constant 0 : i32
        scf.yield %scan3A_1833 : i32
      }
      %scan3A_1789 = arith.constant 16 : i32
      %get3A_1790 = arith.constant 0 : index
      %get3A_1791 = arith.constant 0 : index
      %get3A_1792 = vector.load %arg7[%get3A_1790, %get3A_1791] : memref<16x512xf32, #tpu.memory_space<vmem>>, vector<16x512xf32>
      %get3A_1793 = arith.constant 0 : index
      %get3A_1794 = arith.constant 0 : index
      %get3A_1795 = vector.load %arg6[%get3A_1793, %get3A_1794] : memref<16x512xf32, #tpu.memory_space<vmem>>, vector<16x512xf32>
      %gt3A_1796 = arith.constant 0.000000e+00 : f32
      %gt3A_1797 = vector.broadcast %gt3A_1796 : f32 to vector<16x512xf32>
      %gt3A_1798 = arith.cmpf ogt, %get3A_1795, %gt3A_1797 : vector<16x512xf32>
      %jit3A_1799 = arith.constant 0.000000e+00 : f32
      %jit3A_1800 = arith.constant 1.000000e+00 : f32
      %broadcast_in_dim3A_1801 = vector.broadcast %jit3A_1799 : f32 to vector<16x512xf32>
      %broadcast_in_dim3A_1802 = vector.broadcast %jit3A_1800 : f32 to vector<16x512xf32>
      %select_n3A_1803 = arith.select %gt3A_1798, %broadcast_in_dim3A_1801, %broadcast_in_dim3A_1802 : vector<16x512xi1>, vector<16x512xf32>
      %swap3A_1804 = arith.constant 0 : index
      %swap3A_1805 = arith.constant 0 : index
      %swap3A_1806 = vector.load %arg7[%swap3A_1804, %swap3A_1805] : memref<16x512xf32, #tpu.memory_space<vmem>>, vector<16x512xf32>
      tpu.vector_store %arg7[%swap3A_1804, %swap3A_1805], %select_n3A_1803 {strides = array<i32>} : memref<16x512xf32, #tpu.memory_space<vmem>>, vector<16x512xf32>,
      %ne3A_1807 = arith.cmpf one, %select_n3A_1803, %get3A_1792 : vector<16x512xf32>
      %reduce_or3A = arith.constant 1.000000e+00 : f32
      %reduce_or3A_1808 = arith.constant 0.000000e+00 : f32
      %reduce_or3A_1809 = vector.broadcast %reduce_or3A : f32 to vector<16x512xf32>
      %reduce_or3A_1810 = vector.broadcast %reduce_or3A_1808 : f32 to vector<16x512xf32>
      %reduce_or3A_1811 = arith.select %ne3A_1807, %reduce_or3A_1809, %reduce_or3A_1810 : vector<16x512xi1>, vector<16x512xf32>
      %reduce_or3A_1812 = vector.shape_cast %reduce_or3A_1811 : vector<16x512xf32> to vector<1x16x512xf32>
      %reduce_or3A_1813 = arith.constant dense<0xFF800000> : vector<1xf32>
      %reduce_or3A_1814 = vector.multi_reduction <maximumf>, %reduce_or3A_1812, %reduce_or3A_1813 [1, 2] : vector<1x16x512xf32> to vector<1xf32>
      %reduce_or3A_1815 = vector.shape_cast %reduce_or3A_1814 : vector<1xf32> to vector<1x1x1xf32>
      %reduce_or3A_1816 = vector.extract %reduce_or3A_1815[0, 0, 0] : f32 from vector<1x1x1xf32>
      %reduce_or3A_1817 = arith.constant 0.000000e+00 : f32
      %reduce_or3A_1818 = arith.cmpf ogt, %reduce_or3A_1816, %reduce_or3A_1817 : f32
      %convert_element_type3A_1819 = arith.extui %reduce_or3A_1818 : i1 to i32
      scf.yield %convert_element_type3A_1819 : i32
    }
    %get3A_1770 = arith.constant 0 : index
    %get3A_1771 = arith.constant 0 : index
    %get3A_1772 = vector.load %arg7[%get3A_1770, %get3A_1771] : memref<16x512xf32, #tpu.memory_space<vmem>>, vector<16x512xf32>
    %gt3A_1773 = arith.constant 0.000000e+00 : f32
    %gt3A_1774 = vector.broadcast %gt3A_1773 : f32 to vector<16x512xf32>
    %gt3A_1775 = arith.cmpf ogt, %get3A_1772, %gt3A_1774 : vector<16x512xf32>
    %jit3A_1776 = arith.constant 0.000000e+00 : f32
    %broadcast_in_dim3A_1777 = vector.broadcast %jit3A_1776 : f32 to vector<16x512xf32>
    %select_n3A_1778 = arith.select %gt3A_1775, %select_n3A_1712, %broadcast_in_dim3A_1777 : vector<16x512xi1>, vector<16x512xf32>
    %swap3A_1779 = arith.constant 0 : index
    %swap3A_1780 = arith.constant 0 : index
    %swap3A_1781 = vector.load %arg4[%swap3A_1779, %swap3A_1780] : memref<16x512xf32, #tpu.memory_space<vmem>>, vector<16x512xf32>
    tpu.vector_store %arg4[%swap3A_1779, %swap3A_1780], %select_n3A_1778 {strides = array<i32>} : memref<16x512xf32, #tpu.memory_space<vmem>>, vector<16x512xf32>,
    return
  }
}

</mosaic_0001>

<sc_bundles>
// kernel: kernel.6.cloned.1.call-start
scs
__scs_entry_jumppad:
0x0: {  	(pc) =	sbr.rel $0x88, $3  }
0x1: {  	(tag) =	ssettag $0x0;
	lr =	simm.s32 $0x1  }
0x2: {  	[smem:$0x3F96] =	sst lr;
	_ =	strace $0xD0000000  }
0x3: {  	_ = 	snop  }
0x4: {  	_ = 	snop  }
0x5: {  	_ = 	snop  }
0x6: {  	_ = 	snop  }
0x7: {  	_ = 	snop  }
__scs_overlays_trampoline_lowered:
0x8: {  	[smem:$0x3FA5] =	sst s0  }
0x9: {  	[smem:$0x3FA6] =	sst s1  }
0xa: {  	[smem:$0x3FA7] =	sst s2  }
0xb: {  	[smem:$0x3FA8] =	sst s3  }
0xc: {  	[smem:$0x3FA9] =	sst s4  }
0xd: {  	[smem:$0x3FAA] =	sst s5  }
0xe: {  	[smem:$0x3FAB] =	sst s6  }
0xf: {  	[smem:$0x3FAC] =	sst s7  }
0x10: {  	[smem:$0x3FAD] =	sst s8  }
0x11: {  	[smem:$0x3FAE] =	sst s9;
	s0 =	simm.s32 @!p0 $0x0  }
0x12: {  	s1 =	sld [smem:$0x3F94];
	s0 =	simm.s32 @p0 $0x1  }
0x13: {  	[smem:$0x3FAF] =	sst s0;
	s0 =	simm.s32 @!p1 $0x0  }
0x14: {  	s2 =	sld [smem:$0x3F93];
	s0 =	simm.s32 @p1 $0x1  }
0x15: {  	[smem:$0x3FB0] =	sst s0;
	s0 =	simm.s32 @!p2 $0x0  }
0x16: {  	s3 =	sld [smem:$0x3FDB];
	s0 =	simm.s32 @p2 $0x1  }
0x17: {  	s4 =	simm.s32 $0x1BF5;
	[smem:$0x3FB2] =	sst s0  }
0x18: {  	s0 =	sld [smem:$0x3F95];
	_ =	swait.ge [sflag:s4], $0x0  }
0x19: {  	s7 =	sld [smem:$0x3F96]  }
0x1a: {  	s8 =	sadd.s32 $0xFFFFE003, lr  }
0x1b: {  	s9 =	sadd.s32 $0xFFFFFEF7, lr;
	s5 =	simm.s32 $0xFFFFFFFF;
	p2 =	slt.u32 s8, $0xFFFFF086  }
0x1c: {  	p1 =	slt.u32 s9, $0xF7A;
	s5 =	simm.s32 @!p2 $0x0  }
0x1d: {  	s5 =	simm.s32 @p1 $0x1;
	p0 =	seq.s32 s7, s2  }
0x1e: {  	s7 =	smul.u32 @!p0 $0xF7A, s2;
	p2 =	seq.s32 @!p0 s5, $0x0  }
0x1f: {  	s9 =	smul.u32 $0xF7A, s1;
	s8 =	simm.s32 @!p0 $0x1BF5;
	p2 =	por !p2, p0  }
0x20: {  	[sflag:s8] =	ssyncset.s32 @!p0 $0xFFFFF086;
	s6 =	sadd.s32 @!p0 s3, s7;
	s7 =	simm.s32 @!p0 $0x108  }
0x21: {  	s3 =	sadd.s32 s3, s9;
	s6 =	sadd.s32 @!p0 $0x88, s6;
	s7 =	simm.s32 @p2 $0x1082  }
0x22: {  	[simem:s7], [sflag:s8] =	dma.local @!p0 [hbm:s6], $0xF7A  }
0x23: {  	s9 =	sor.u32 $0xD0000000, s2;
	s6 =	simm.s32 $0x108;
	_ =	swait.ge @!p0 [sflag:s8], $0x0  }
0x24: {  	s3 =	sadd.s32 $0x88, s3;
	s6 =	simm.s32 @!p1 $0x1082;
	[sflag:s4] =	ssyncset.s32 $0xFFFFF086  }
0x25: {  	[simem:s6], [sflag:s4] =	dma.local [hbm:s3], $0xF7A  }
0x26: {  	[smem:$0x3F96] =	sst s1;
	(tag) =	ssettag s2;
	_ =	strace s9  }
0x27: {  	s1 =	sld [smem:$0x3FA6]  }
0x28: {  	s2 =	sld [smem:$0x3FA7]  }
0x29: {  	s4 =	sld [smem:$0x3FA9]  }
0x2a: {  	p0 =	seq.s32 s5, $0x0;
	s5 =	sld [smem:$0x3FAA]  }
0x2b: {  	s6 =	sld [smem:$0x3FAB]  }
0x2c: {  	s7 =	sld [smem:$0x3FAC]  }
0x2d: {  	s3 =	simm.s32 $0x108;
	s8 =	sld [smem:$0x3FAD]  }
0x2e: {  	s3 =	simm.s32 @!p0 $0x1082;
	s9 =	sld [smem:$0x3FAE]  }
0x2f: {  	lr =	sadd.s32 s0, s3;
	s0 =	sld [smem:$0x3FA5]  }
0x30: {  	s3 =	sld [smem:$0x3FA8]  }
0x31: {  	[smem:$0x3FB1] =	sst s10  }
0x32: {  	s10 =	sld [smem:$0x3FAF];
	_ =	sdelay $0x3  }
0x33: {  	p0 =	seq.s32 s10, $0x1;
	s10 =	sld [smem:$0x3FB1];
	_ =	sdelay $0x3  }
0x34: {  	[smem:$0x3FB1] =	sst s10  }
0x35: {  	s10 =	sld [smem:$0x3FB0];
	_ =	sdelay $0x3  }
0x36: {  	p1 =	seq.s32 s10, $0x1;
	s10 =	sld [smem:$0x3FB1];
	_ =	sdelay $0x3  }
0x37: {  	[smem:$0x3FB1] =	sst s10  }
0x38: {  	s10 =	sld [smem:$0x3FB2]  }
0x39: {  	_ = 	snop;
	(pc) =	sbr.ind lr, $3  }
0x3a: {  	_ = 	snop  }
0x3b: {  	_ = 	snop  }
0x3c: {  	p2 =	seq.s32 s10, $0x1;
	s10 =	sld [smem:$0x3FB1]  }
0x3d: {  	_ =	shalt  }
0x3e: {  	_ =	shalt  }
0x3f: {  	_ =	shalt  }
0x40: {  	_ =	shalt  }
0x41: {  	_ =	shalt  }
0x42: {  	_ =	shalt  }
0x43: {  	_ =	shalt  }
0x44: {  	_ =	shalt  }
0x45: {  	_ =	shalt  }
0x46: {  	_ =	shalt  }
0x47: {  	_ =	shalt  }
0x48: {  	_ =	shalt  }
0x49: {  	_ =	shalt  }
0x4a: {  	_ =	shalt  }
0x4b: {  	_ =	shalt  }
0x4c: {  	_ =	shalt  }
0x4d: {  	_ =	shalt  }
0x4e: {  	_ =	shalt  }
0x4f: {  	_ =	shalt  }
0x50: {  	_ =	shalt  }
0x51: {  	_ =	shalt  }
0x52: {  	_ =	shalt  }
0x53: {  	_ =	shalt  }
0x54: {  	_ =	shalt  }
0x55: {  	_ =	shalt  }
0x56: {  	_ =	shalt  }
0x57: {  	_ =	shalt  }
0x58: {  	_ =	shalt  }
0x59: {  	_ =	shalt  }
0x5a: {  	_ =	shalt  }
0x5b: {  	_ =	shalt  }
0x5c: {  	_ =	shalt  }
0x5d: {  	_ =	shalt  }
0x5e: {  	_ =	shalt  }
0x5f: {  	_ =	shalt  }
0x60: {  	_ =	shalt  }
0x61: {  	_ =	shalt  }
0x62: {  	_ =	shalt  }
0x63: {  	_ =	shalt  }
0x64: {  	_ =	shalt  }
0x65: {  	_ =	shalt  }
0x66: {  	_ =	shalt  }
0x67: {  	_ =	shalt  }
0x68: {  	_ =	shalt  }
0x69: {  	_ =	shalt  }
0x6a: {  	_ =	shalt  }
0x6b: {  	_ =	shalt  }
0x6c: {  	_ =	shalt  }
0x6d: {  	_ =	shalt  }
0x6e: {  	_ =	shalt  }
0x6f: {  	_ =	shalt  }
0x70: {  	_ =	shalt  }
0x71: {  	_ =	shalt  }
0x72: {  	_ =	shalt  }
0x73: {  	_ =	shalt  }
0x74: {  	_ =	shalt  }
0x75: {  	_ =	shalt  }
0x76: {  	_ =	shalt  }
0x77: {  	_ =	shalt  }
0x78: {  	_ =	shalt  }
0x79: {  	_ =	shalt  }
0x7a: {  	_ =	shalt  }
0x7b: {  	_ =	shalt  }
0x7c: {  	_ =	shalt  }
0x7d: {  	_ =	shalt  }
0x7e: {  	_ =	shalt  }
0x7f: {  	_ =	shalt  }
0x80: {  	_ =	shalt  }
0x81: {  	_ =	shalt  }
0x82: {  	_ =	shalt  }
0x83: {  	_ =	shalt  }
0x84: {  	_ =	shalt  }
0x85: {  	_ =	shalt  }
0x86: {  	_ =	shalt  }
0x87: {  	_ =	shalt  }
.Lfunc_end0:
.L_simem_size_0:
called_computation_lowered:
.L_overlay_start_0:
0x88: {  	s2 =	sld [smem:$0x3FD9]  }
0x89: {  	s3 =	sld [smem:$0x3FFE];
	_ =	sdelay $0x1  }
0x8a: {  	s1 =	srdreg.scid  }
0x8b: {  	s0 =	sand.u32 $0x1, s1  }
0x8c: {  	s14 =	sshll.u32 s0, $0xA;
	s2 =	sadd.s32 s3, s2  }
0x8d: {  	s2 =	sadd.s32 s2, s14  }
0x8e: {  	[smem:$0x3FBD] =	sst s2  }
0x8f: {  	_ = 	snop  }
0x90: {  	s2 =	sld [smem:$0x3FD0];
	_ =	sdelay $0x2  }
0x91: {  	s15 =	simm.s32 $0xA;
	s4 =	simm.s32 $0x10  }
0x92: {  	[smem:s4], [sflag:s15] =	dma.local [hbm:s2], $0x1  }
0x93: {  	_ =	swait.eq [sflag:s15], $0x1  }
0x94: {  	[sflag:s15] =	ssyncset.done $0x0  }
0x95: {  	s16 =	sld [smem:$0x10];
	[sflag:s15] =	ssyncadd.s32 $0xFFFFFFFF  }
0x96: {  	s17 =	sld [smem:$0x11];
	(tm) =	ssettm $0x1  }
0x97: {  	s18 =	sld [smem:$0x3FFB];
	_ =	sdelay $0x3  }
0x98: {  	_ =	strace s18  }
0x99: {  	s4 =	sld [smem:$0x3FFC];
	_ =	sdelay $0x3  }
0x9a: {  	_ =	strace s4  }
0x9b: {  	s4 =	sld [smem:$0x3FFD];
	_ =	sdelay $0x3  }
0x9c: {  	_ =	strace s4  }
0x9d: {  	_ =	strace $0x8FFFFFFF  }
0x9e: {  	s19 =	sld [smem:$0x3FDB];
	_ =	sdelay $0x1  }
0x9f: {  	s5 =	simm.s32 $_scs_section_size  }
0xa0: {  	s6 =	simm.s32 $_size__tile_overlayer_lowered;
	s7 =	simm.s32 $_tile_overlayer_lowered  }
0xa1: {  	s22 =	simm.s32 $0x1BFF;
	s21 =	sshll.u32 s7, $0x1;
	s4 =	sadd.s32 s5, s19  }
0xa2: {  	s8 =	simm.s32 $0x0;
	s20 =	sshll.u32 s6, $0x1;
	s6 =	sadd.s32 s21, s4  }
0xa3: {  	[timem:s8], [sflag:s22] =	dma.local [hbm:s6], s20  }
0xa4: {  	_ =	swait.ge [sflag:s22], s20  }
0xa5: {  	s5 =	ssub.s32 $0x0, s20;
	[sflag:s22] =	ssyncset.done $0x0  }
0xa6: {  	[sflag:s22] =	ssyncadd.s32 s5;
	_ =	sdelay $0x1  }
0xa7: {  	s23 =	simm.s32 $0x1B8B  }
0xa8: {  	_ =	swait.ge [sflag:s23], $0x1  }
0xa9: {  	[sflag:s23] =	ssyncset.done $0x0  }
0xaa: {  	s25 =	simm.s32 $0x1B8E;
	s24 =	sld [smem:$0x3FFE];
	[sflag:s23] =	ssyncadd.s32 $0xFFFFFFFF  }
0xab: {  	s26 =	simm.s32 $execute0_lowered;
	[smem:$0x3FD2] =	sst s25  }
0xac: {  	s6 =	sshll.u32 s26, $0x1;
	_ =	strace $0x80000046;
	[dreg:$0x1] =	wrdreg $0xFFFFFFFF  }
0xad: {  	s28 =	simm.s32 $_size_execute0_lowered;
	s4 =	sadd.s32 s4, s6;
	[dreg:$0x0] =	wrdreg $0x0  }
0xae: {  	s6 =	sshll.u32 s28, $0x1;
	[dreg:$0x2] =	wrdreg s4  }
0xaf: {  	[dreg:$0x3] =	wrdreg s6  }
0xb0: {  	[dreg:$0x4] =	wrdreg $0xC0  }
0xb1: {  	_ =	task [dreg:s8], $0x5FFFF  }
0xb2: {  	[dreg:$0x1] =	wrdreg $0xFFFFFFFF  }
0xb3: {  	[dreg:$0x0] =	wrdreg $0x60  }
0xb4: {  	[dreg:$0x2] =	wrdreg s24  }
0xb5: {  	[dreg:$0x3] =	wrdreg s17  }
0xb6: {  	[dreg:$0x4] =	wrdreg s16  }
0xb7: {  	[dreg:$0x5] =	wrdreg $0x9  }
0xb8: {  	_ =	task.clear_ibuf [dreg:s8], $0x6FFFF;
	_ =	strace $0x90000046  }
0xb9: {  	s29 =	simm.s32 $0x9;
	_ =	strace $0x80000048  }
0xba: {  	_ =	swait.ge [sflag:s29], $0x1  }
0xbb: {  	[sflag:s29] =	ssyncadd.s32 $0xFFFFFFFF  }
0xbc: {  	_ =	strace $0x90000048  }
0xbd: {  	_ =	sfence  }
0xbe: {  	s30 =	sld [smem:$0x0];
	_ =	sdelay $0x2  }
0xbf: {  	s31 =	sshll.u32 s1, $0xD;
	s1 =	sshrl.u32 s1, $0x2  }
0xc0: {  	s3 =	sand.u32 $0x4000, s31;
	s1 =	sadd.s32 s1, s30  }
0xc1: {  	s0 =	sor.u32 s3, s0;
	s1 =	sshll.u32 s1, $0x11  }
0xc2: {  	s0 =	sor.u32 s1, s0  }
0xc3: {  	s0 =	sadd.s32 $0x8F2B, s0  }
0xc4: {  	[sflag:s0] =	ssyncadd.remote.s32 $0x1  }
0xc5: {  	_ =	sfence.sel $0xFFFF  }
0xc6: {  	[dreg:$0x0] =	wrdreg $0xFFFFFFFF;
	(pc) =	sbr.abs _section_cstart, $3  }
0xc7: {  	[dreg:$0x1] =	wrdreg $0xFFFFFFFF  }
0xc8: {  	_ =	task.clear_ibuf [dreg:s8], $0x2FFFF;
	_ =	strace $0x9FFFFFFF  }
0xc9: {  	(tm) =	ssettm $0x7FFFFFFF  }
tec
execute0_lowered:
.L_overlay_start_1:
0x0: {  	(tag) =	ssettag $0x1  }
0x1: {  	s1 =	stileid.u32  }
0x2: {  	p0 =	sgt.u32 s1, $0x7  }
.Ltmp0:
0x3: {  	s3 =	rddreg [dreg:$0x0];
	(pc) =	sbr.rel @p0 .LBB2_5-.Ltmp0, $4  }
0x4: {  	s5 =	rddreg [dreg:$0x1]  }
0x5: {  	s6 =	rddreg [dreg:$0x2];
	s2 =	simm.s32 $0x0  }
0x6: {  	[smem:$0x7FF] =	sst s2  }
0x7: {  	s0 =	rddreg [dreg:$0x3];
	_ =	strace $0x80000047  }
0x8: {  	s4 =	srdreg.scid;
	s26 =	sshll.u32 s1, $0x1  }
0x9: {  	s8 =	sadd.s32 $0x2E00, s3;
	s10 =	sshrl.u32 s1, $0x2;
	s13 =	simm.s32 $0x4080  }
0xa: {  	s14 =	simm.s32 $0x4100;
	s15 =	simm.s32 $0x4300;
	s7 =	sand.u32 $0x1, s4  }
0xb: {  	s12 =	sshll.u32 s10, $0xC;
	s10 =	sshll.u32 s10, $0x11;
	s4 =	sor.u32 s7, s26  }
0xc: {  	s7 =	ssub.s32 $0x2, s7;
	s9 =	sshll.u32 s4, $0x4;
	s4 =	sshll.u32 s4, $0x7  }
0xd: {  	s29 =	sshrl.u32 s7, $0x1;
	s9 =	sadd.s32 s9, s3;
	s11 =	sand.u32 $0x380, s4  }
0xe: {  	s30 =	ssub.s32 s7, s29;
	s3 =	sadd.s32 $0xAE00, s9;
	s4 =	sadd.s32 $0xB000, s9  }
0xf: {  	s28 =	sor.u32 s12, s11;
	s10 =	sor.u32 s10, s11;
	s11 =	simm.s32 $0x1  }
0x10: {  	s12 =	simm.s32 $0x4000;
	s9 =	sshrl.u32 s28, $0x3;
	s31 =	sshrl.u32 s10, $0x3  }
0x11: {  	s10 =	simm.s32 $0x400;
	s5 =	sadd.s32 s5, s9;
	s6 =	sadd.s32 s6, s9  }
0x12: {  	v0 =	vlaneseq.u32;
	v1 =	vimm.s32 $0x0;
	s7 =	sadd.s32 s8, s31;
	s8 =	smax.u32 s30, $0x1;
	s9 =	simm.s32 $0x80  }
.LBB2_2:
0x13: {  	s16 =	simm.s32 $0x0  }
0x14: {  	[tilespmem:s16], [sflag:$0x1] =	stream.strided.gather [hbm4b:s7+s9], $0x4000, s10, s9, $0x38;
	[tilespmem:$0x4500] =	vst v63  }
0x15: {  	_ =	swait.ge [sflag:s11], $0x4000  }
0x16: {  	[sflag:s11] =	ssyncset.done $0x0  }
0x17: {  	[sflag:s11] =	ssyncadd.s32 $0xFFFFC000  }
0x18: {  	[tilespmem:s12], [sflag:$0x1] =	stream.linear.gather [hbm4b:s3+s16], $0x80, $0x38;
	[tilespmem:$0x4500] =	vst v63  }
0x19: {  	_ =	swait.ge [sflag:s11], $0x80  }
0x1a: {  	[sflag:s11] =	ssyncset.done $0x0  }
0x1b: {  	[sflag:s11] =	ssyncadd.s32 $0xFFFFFF80  }
0x1c: {  	[tilespmem:s13], [sflag:$0x1] =	stream.linear.gather [hbm4b:s4+s16], $0x80, $0x38;
	[tilespmem:$0x4500] =	vst v63  }
0x1d: {  	_ =	swait.ge [sflag:s11], $0x80  }
0x1e: {  	[sflag:s11] =	ssyncset.done $0x0  }
0x1f: {  	[sflag:s11] =	ssyncadd.s32 $0xFFFFFF80  }
0x20: {  	v4 =	vld [tilespmem:$0x4000]  }
0x21: {  	v5 =	vld [tilespmem:$0x4080]  }
0x22: {  	v2 =	vld [tilespmem:s16+$0x0]  }
0x23: {  	s17 =	simm.s32 $0x10;
	v6 =	vimm.s32 $0x0;
	v3 =	vimm.s32 $0x0;
	s18 =	simm.s32 $0x0  }
.LBB2_3:
0x24: {  	p0 =	sne.s32 s17, $0x3FF0;
	_ =	sdelay $0x1  }
0x25: {  	v7 =	vor.u32 s16, v0;
	s16 =	smov.u32 s17  }
0x26: {  	vm1 =	vlt.s32 v7, v5;
	vm0 =	veq.f32 v2, v4  }
0x27: {  	vm2 =	vgt.f32 v2, v4;
	vm0 =	vmand vm1, vm0  }
0x28: {  	vm0 =	vmor vm2, vm0  }
0x29: {  	v8 =	vsel vm0, $0x1, v1;
	v9 =	vmpcnt.ones.xlane vm0  }
0x2a: {  	(xrf0) =	vadd.scan.msk.s32 $0xffff, v8  }
0x2b: {  	v6 =	vadd.s32 v6, v9;
	_ =	sdelay $0x4  }
0x2c: {  	v8, _, _ =	vpop (xrf0)  }
0x2d: {  	v8 =	vadd.s32 v8, v3;
	v3 =	vmov v6  }
0x2e: {  	v8 =	vadd.s32 $0xFFFFFFFF, v8;
	_ =	sdelay $0x3  }
.Ltmp1:
0x2f: {  	(pc) =	sbr.rel @p0 .LBB2_3-.Ltmp1, $4  }
0x30: {  	[tilespmem:v8+s14+$0x0] =	vst.idx.msk vm0, v7  }
0x31: {  	s18 =	sadd.s32 $0x10, s18;
	[tilespmem:v8+s15+$0x0] =	vst.idx.msk vm0, v2  }
0x32: {  	v2 =	vld [tilespmem:s18+$0x0]  }
0x33: {  	s17 =	sadd.s32 $0x10, s17  }
0x34: {  	_ =	sdelay $0x1  }
0x35: {  	v6 =	vor.u32 s16, v0  }
0x36: {  	vm1 =	vlt.s32 v6, v5;
	vm0 =	veq.f32 v2, v4  }
0x37: {  	vm2 =	vgt.f32 v2, v4;
	vm0 =	vmand vm1, vm0  }
0x38: {  	vm0 =	vmor vm2, vm0  }
0x39: {  	v63 =	vsel vm0, $0x1, v1  }
0x3a: {  	(xrf0) =	vadd.scan.msk.s32 $0xffff, v63;
	_ =	sdelay $0x5  }
0x3b: {  	v4, _, _ =	vpop (xrf0)  }
0x3c: {  	v3 =	vadd.s32 v4, v3  }
0x3d: {  	v3 =	vadd.s32 $0xFFFFFFFF, v3;
	_ =	sdelay $0x4  }
0x3e: {  	[tilespmem:v3+s14+$0x0] =	vst.idx.msk vm0, v6  }
0x3f: {  	[tilespmem:v3+s15+$0x0] =	vst.idx.msk vm0, v2  }
0x40: {  	[hbm4b:s5+s9] =	stream.strided.scatter [tilespmem:s14], [sflag:$0x1], $0x200, s10, s9, $0x38;
	[tilespmem:$0x4500] =	vst v63  }
0x41: {  	s2 =	sadd.s32 $0x1, s2;
	_ =	swait.ge [sflag:s11], $0x200  }
0x42: {  	p0 =	sne.s32 s2, s8;
	[sflag:s11] =	ssyncset.done $0x0  }
.Ltmp2:
0x43: {  	[sflag:s11] =	ssyncadd.s32 $0xFFFFFE00;
	(pc) =	sbr.rel @p0 .LBB2_2-.Ltmp2, $4  }
0x44: {  	[hbm4b:s6+s9] =	stream.strided.scatter [tilespmem:s15], [sflag:$0x1], $0x200, s10, s9, $0x38;
	[tilespmem:$0x4500] =	vst v63  }
0x45: {  	_ =	swait.ge [sflag:s11], $0x200  }
0x46: {  	[sflag:s11] =	ssyncset.done $0x0  }
0x47: {  	[sflag:s11] =	ssyncadd.s32 $0xFFFFFE00  }
.LBB2_5:
0x48: {  	_ =	sfence.sel $0x180000  }
0x49: {  	[bflag:$0x0] =	sbarrier.arrive $0xFFFF  }
0x4a: {  	p0 =	sne.s32 s1, $0x0;
	_ =	strace $0x90000047  }
0x4b: {  	s0 =	sadd.s32 @!p0 $0x100000, s0;
	[bflag:$0x2] =	sbarrier.arrive $0xFFFF  }
0x4c: {  	[sflag:s0] =	ssyncadd.tile.s32 @!p0 $0x1;
	_ =	shalt  }
.Lfunc_end2:
_tile_overlayer_lowered:
.L_overlay_start_2:
0x4d: {  	(tag) =	ssettag $0x2  }
0x4e: {  	s0 =	rddreg [dreg:$0x0];
	s2 =	stileid.u32  }
0x4f: {  	s1 =	rddreg [dreg:$0x1];
	p0 =	sne.s32 s2, $0x0  }
0x50: {  	s3 =	rddreg [dreg:$0x2];
	[bflag:$0x3] =	sbarrier.arrive $0xFFFF;
	s2 =	simm.s32 @!p0 $0x1C01  }
0x51: {  	[timem:s3], [sflag:s2] =	dma.local @!p0 [hbm:s0], s1  }
0x52: {  	s0 =	simm.s32 @!p0 $0x1  }
0x53: {  	_ =	swait.ge @!p0 [sflag:s0], s1  }
0x54: {  	s1 =	ssub.s32 @!p0 $0x0, s1;
	[sflag:s0] =	ssyncset.done @!p0 $0x0  }
0x55: {  	[sflag:s0] =	ssyncadd.s32 @!p0 s1  }
0x56: {  	[bflag:$0x3] =	sbarrier.arrive $0xFFFF  }
0x57: {  	_ =	shalt  }

</sc_bundles>
